<compile_context>
chip_gen: v7x
topology: tpu7x:2x2x1
jax: 0.10.2.dev20260603
libtpu: 0.0.44.dev20260713+nightly
codegen_flags: <defaults>
</compile_context>

<pallas_src>
import functools

import jax
import jax.numpy as jnp
from jax import lax
from jax.experimental import pallas as pl
from jax.experimental.pallas import tpu as pltpu
from jax.experimental.pallas import tpu_sc as plsc

N = 10000
E = 320000
D = 128

NC = 2
NS = 16
NW = NC * NS
CHUNK = 128
ROWS_PER_TILE = 80
E_PAD = NW * ROWS_PER_TILE * CHUNK
N_ACC = 10240
ZROWS_SC = N_ACC // NS


def _sc_aggregate(x, src1, dst1):
    mesh = plsc.VectorSubcoreMesh(
        core_axis_name="c", subcore_axis_name="s", num_cores=NC,
        num_subcores=NS)

    @functools.partial(
        pl.kernel,
        out_type=[
            jax.ShapeDtypeStruct((NC, N_ACC, D), jnp.float32),
            jax.ShapeDtypeStruct((NC, N_ACC, D), jnp.float32),
        ],
        mesh=mesh,
        scratch_types=[
            pltpu.VMEM((2 * CHUNK,), jnp.int32),
            pltpu.VMEM((2 * CHUNK,), jnp.int32),
            pltpu.VMEM((ROWS_PER_TILE, CHUNK), jnp.int32),
            pltpu.VMEM((CHUNK, D), jnp.float32),
            pltpu.VMEM((CHUNK, D), jnp.float32),
            pltpu.VMEM_SHARED((N_ACC, D), jnp.float32),
            pltpu.SemaphoreType.DMA,
            pltpu.SemaphoreType.DMA,
            pltpu.SemaphoreType.DMA,
            pltpu.SemaphoreType.DMA,
            pltpu.SemaphoreType.DMA,
            pltpu.SemaphoreType.DMA,
        ],
    )
    def sc_kernel(x_hbm, src_hbm, dst_hbm, p_out, c_out,
                  ia, ib, didx, r0, r1, acc, g0, g1, t0, t1, ja, jb):
        rbufs = (r0, r1)
        gsems = (g0, g1)
        tsems = (t0, t1)
        rows = r0
        ones = r1
        cid = lax.axis_index("c")
        sid = lax.axis_index("s")
        w = cid * NS + sid

        zeros16 = jnp.zeros((16,), jnp.float32)
        ones16 = jnp.ones((16,), jnp.float32)

        def fill_row(i, _):
            def fill_lane(j, _):
                rows[i, pl.ds(j * 16, 16)] = zeros16
                return 0
            lax.fori_loop(0, D // 16, fill_lane, 0)
            return 0
        lax.fori_loop(0, CHUNK, fill_row, 0)

        zbase = sid * ZROWS_SC
        for t in range(ZROWS_SC // CHUNK):
            pltpu.sync_copy(rows, acc.at[pl.ds(zbase + t * CHUNK, CHUNK)])

        pltpu.sync_copy(dst_hbm.at[w], didx)

        plsc.subcore_barrier()

        NPAIR = ROWS_PER_TILE // 2

        def idx_off(p):
            return jnp.minimum((w * ROWS_PER_TILE + p * 2) * CHUNK,
                               E_PAD - 2 * CHUNK)

        def start_idx(p, buf, sem):
            pltpu.async_copy(src_hbm.at[pl.ds(idx_off(p), 2 * CHUNK)],
                             buf, sem)

        def wait_idx(buf, sem):
            pltpu.make_async_copy(src_hbm.at[pl.ds(0, 2 * CHUNK)],
                                  buf, sem).wait()

        def start_gather(b, sbuf, half):
            for q in range(4):
                pltpu.async_copy(
                    x_hbm.at[sbuf.at[pl.ds(half * CHUNK + q * 32, 32)]],
                    rbufs[b].at[pl.ds(q * 32, 32)], gsems[b])

        def wait_gather(b):
            pltpu.make_async_copy(x_hbm.at[pl.ds(0, CHUNK)],
                                  rbufs[b], gsems[b]).wait()

        def start_scatter(b, k):
            pltpu.async_copy(rbufs[b], acc.at[didx.at[k]], tsems[b],
                             add=True)

        def wait_scatter(b):
            pltpu.make_async_copy(x_hbm.at[pl.ds(0, CHUNK)],
                                  rbufs[b], tsems[b]).wait()

        def emit_pair(p, cur, nxt, nxt_sem, cur_sem, issue_next):
            wait_gather(0)
            start_scatter(0, 2 * p)
            wait_gather(1)
            start_scatter(1, 2 * p + 1)
            if issue_next:
                wait_idx(nxt, nxt_sem)
                wait_scatter(0)
                start_gather(0, nxt, 0)
                wait_scatter(1)
                start_gather(1, nxt, 1)
                start_idx(p + 2, cur, cur_sem)
            else:
                wait_scatter(0)
                wait_scatter(1)

        pltpu.sync_copy(src_hbm.at[pl.ds(w * ROWS_PER_TILE * CHUNK,
                                         2 * CHUNK)], ia)
        start_gather(0, ia, 0)
        start_gather(1, ia, 1)
        start_idx(1, ib, jb)

        def body(gg, _):
            emit_pair(2 * gg, ia, ib, jb, ja, True)
            emit_pair(2 * gg + 1, ib, ia, ja, jb, True)
            return 0
        lax.fori_loop(0, NPAIR // 2 - 1, body, 0)

        emit_pair(NPAIR - 2, ia, ib, jb, ja, True)
        emit_pair(NPAIR - 1, ib, ia, ja, jb, False)
        wait_idx(ia, ja)

        plsc.subcore_barrier()

        def fill_zero_rows(i, _):
            def fill_lane(j, _):
                rows[i, pl.ds(j * 16, 16)] = zeros16
                return 0
            lax.fori_loop(0, D // 16, fill_lane, 0)
            return 0

        for t in range(ZROWS_SC // CHUNK):
            off = zbase + t * CHUNK
            pltpu.sync_copy(acc.at[pl.ds(off, CHUNK)], rows)
            pltpu.sync_copy(rows, p_out.at[cid, pl.ds(off, CHUNK)])
        lax.fori_loop(0, CHUNK, fill_zero_rows, 0)
        for t in range(ZROWS_SC // CHUNK):
            pltpu.sync_copy(rows, acc.at[pl.ds(zbase + t * CHUNK, CHUNK)])

        def fill_ones(i, _):
            def fill_lane(j, _):
                ones[i, pl.ds(j * 16, 16)] = ones16
                return 0
            lax.fori_loop(0, D // 16, fill_lane, 0)
            return 0
        lax.fori_loop(0, CHUNK, fill_ones, 0)

        plsc.subcore_barrier()

        csems = (t0, t1, ja, jb)

        def start_cnt(b, k):
            pltpu.async_copy(ones, acc.at[didx.at[k]], csems[b], add=True)

        def wait_cnt(b):
            pltpu.make_async_copy(x_hbm.at[pl.ds(0, CHUNK)],
                                  ones, csems[b]).wait()

        for b in range(4):
            start_cnt(b, b)

        def body2(k4, _):
            for b in range(4):
                wait_cnt(b)
                start_cnt(b, 4 * k4 + 4 + b)
            return 0
        lax.fori_loop(0, ROWS_PER_TILE // 4 - 1, body2, 0)
        for b in range(4):
            wait_cnt(b)

        plsc.subcore_barrier()

        for t in range(ZROWS_SC // CHUNK):
            off = zbase + t * CHUNK
            pltpu.sync_copy(acc.at[pl.ds(off, CHUNK)], rows)
            pltpu.sync_copy(rows, c_out.at[cid, pl.ds(off, CHUNK)])

    return sc_kernel(x, src1, dst1)


_BN_INV = 1.0 / (1.0 + 1e-5) ** 0.5
_BLK = 400


def _tc_body(x_ref, p0_ref, p1_ref, c0_ref, c1_ref, wlt_ref, wrt_ref,
             b_ref, g_ref, bt_ref, o_ref):
    summed = p0_ref[...] + p1_ref[...]
    cnt = c0_ref[...] + c1_ref[...]
    mean = summed / jnp.maximum(cnt, 1.0)
    x = x_ref[...]
    h = (jnp.dot(mean, wlt_ref[...], preferred_element_type=jnp.float32)
         + jnp.dot(x, wrt_ref[...], preferred_element_type=jnp.float32)
         + b_ref[...])
    act = jnp.maximum(h, 0.0)
    o_ref[...] = x + act * (g_ref[...] * _BN_INV) + bt_ref[...]


def _tc_finish(x, p0, p1, c0, c1, wlt, wrt, b, g, bt):
    grid = (N // _BLK,)
    row_spec = pl.BlockSpec((_BLK, D), lambda i: (i, 0))
    full_spec = pl.BlockSpec((D, D), lambda i: (0, 0))
    vec_spec = pl.BlockSpec((1, D), lambda i: (0, 0))
    return pl.pallas_call(
        _tc_body,
        grid=grid,
        in_specs=[row_spec, row_spec, row_spec, row_spec, row_spec,
                  full_spec, full_spec, vec_spec, vec_spec, vec_spec],
        out_specs=row_spec,
        out_shape=jax.ShapeDtypeStruct((N, D), jnp.float32),
    )(x, p0, p1, c0, c1, wlt, wrt, b, g, bt)


def kernel(x, edge_index, W_l, W_r, b_l, bn_gamma, bn_beta):
    pad = E_PAD - E
    src = jnp.concatenate([edge_index[0], jnp.zeros((pad,), jnp.int32)])
    dst = jnp.concatenate(
        [edge_index[1], jnp.full((pad,), N, jnp.int32)]).reshape(
            NW, ROWS_PER_TILE, CHUNK)

    p, c = _sc_aggregate(x, src, dst)

    out = _tc_finish(
        x,
        p[0, :N], p[1, :N], c[0, :N], c[1, :N],
        W_l.T, W_r.T,
        b_l.reshape(1, D), bn_gamma.reshape(1, D), bn_beta.reshape(1, D),
    )
    return out

# --- scband reference (transcript-rebuilt; emitter-appended) ---
"""Pipeline reference for scband-sageconv-layer-21663815041135 (READ-ONLY COPY).

The authoritative reference and input builder live on the scoring server;
editing this copy changes nothing except your own understanding.
"""

import jax, jax.numpy as jnp
import numpy as np

N = 10000
E = 320000
D_IN = 128
D_OUT = 128


def setup_inputs(seed: int = 0) -> dict:
    key = jax.random.key(seed)
    k1, k2, k3, k4 = jax.random.split(key, 4)
    x = jax.random.normal(k1, (N, D_IN), dtype=jnp.float32)
    edge_index = jax.random.randint(k2, (2, E), 0, N, dtype=jnp.int32)
    # PyG SAGEConv params: lin_l applied to aggregated neighbors (has bias),
    # lin_r applied to root/self features (no bias).
    W_l = jax.random.normal(k3, (D_OUT, D_IN), dtype=jnp.float32) * 0.05
    W_r = jax.random.normal(k4, (D_OUT, D_IN), dtype=jnp.float32) * 0.05
    b_l = jnp.zeros((D_OUT,), dtype=jnp.float32)
    # BatchNorm1d params (eval mode: running_mean=0, running_var=1)
    bn_gamma = jnp.ones((D_OUT,), dtype=jnp.float32)
    bn_beta = jnp.zeros((D_OUT,), dtype=jnp.float32)
    return {"x": x, "edge_index": edge_index, "W_l": W_l, "W_r": W_r,
            "b_l": b_l, "bn_gamma": bn_gamma, "bn_beta": bn_beta}


def reference(x, edge_index, W_l, W_r, b_l, bn_gamma, bn_beta):
    src = edge_index[0]
    dst = edge_index[1]
    # SAGEConv with mean aggregation: gather messages from source nodes,
    # mean-reduce at destination nodes.
    msgs = jnp.take(x, src, axis=0)                                   # [E, D_IN]
    summed = jax.ops.segment_sum(msgs, dst, num_segments=N)           # [N, D_IN]
    cnt = jax.ops.segment_sum(jnp.ones((E,), dtype=x.dtype), dst, num_segments=N)
    mean = summed / jnp.maximum(cnt, 1.0)[:, None]
    out = mean @ W_l.T + b_l + x @ W_r.T                              # [N, D_OUT]
    # act: ReLU -> BatchNorm1d (eval-mode, running stats mean=0 var=1) -> Dropout (identity in eval)
    act = jnp.maximum(out, 0.0)
    bn = act / jnp.sqrt(1.0 + 1e-5) * bn_gamma + bn_beta
    # residual=True
    return x + bn

if __name__ == "__main__":
    import jax
    _d = setup_inputs()
    print(jax.jit(kernel)(*tuple(_d.values())))

</pallas_src>

<mosaic_0001>
#map = affine_map<(d0, d1) -> (0, 0)>
#map1 = affine_map<(d0, d1) -> (0)>
#map2 = affine_map<(d0, d1) -> (0, 0, 0)>
module attributes {stable_mosaic.version = 14 : i64} {
  func.func @sc_kernel(%arg0: i32, %arg1: i32, %arg2: memref<10000x128xf32, #tpu.memory_space<hbm>>, %arg3: memref<327680xi32, #tpu.memory_space<hbm>>, %arg4: memref<32x80x128xi32, #tpu.memory_space<hbm>>, %arg5: memref<2x10240x128xf32, #tpu.memory_space<hbm>>, %arg6: memref<2x10240x128xf32, #tpu.memory_space<hbm>>, %arg7: memref<256xi32, #tpu.memory_space<vmem>>, %arg8: memref<256xi32, #tpu.memory_space<vmem>>, %arg9: memref<80x128xi32, #tpu.memory_space<vmem>>, %arg10: memref<128x128xf32, #tpu.memory_space<vmem>>, %arg11: memref<128x128xf32, #tpu.memory_space<vmem>>, %arg12: memref<10240x128xf32, #tpu.memory_space<vmem_shared>>, %arg13: memref<!tpu.dma_semaphore, #tpu.memory_space<semaphore_mem>>, %arg14: memref<!tpu.dma_semaphore, #tpu.memory_space<semaphore_mem>>, %arg15: memref<!tpu.dma_semaphore, #tpu.memory_space<semaphore_mem>>, %arg16: memref<!tpu.dma_semaphore, #tpu.memory_space<semaphore_mem>>, %arg17: memref<!tpu.dma_semaphore, #tpu.memory_space<semaphore_mem>>, %arg18: memref<!tpu.dma_semaphore, #tpu.memory_space<semaphore_mem>>) attributes {dimension_semantics = [#tpu.dimension_semantics<core_parallel>, #tpu.dimension_semantics<subcore_parallel>], iteration_bounds = array<i64: 2, 16>, scalar_prefetch = 0 : i64, scratch_operands = 12 : i64, tpu.core_type = #tpu.core_type<sc_vector_subcore>, window_params = [{transform_indices = #map}, {transform_indices = #map1}, {transform_indices = #map2}, {transform_indices = #map2}, {transform_indices = #map2}]} {
    %mul3A = arith.constant 16 : i32
    %mul3A_0 = arith.muli %arg0, %mul3A : i32
    %add3A = arith.addi %mul3A_0, %arg1 : i32
    %broadcast_in_dim3A = arith.constant 0.000000e+00 : f32
    %broadcast_in_dim3A_1 = vector.broadcast %broadcast_in_dim3A : f32 to vector<16xf32>
    %broadcast_in_dim3A_2 = arith.constant 1.000000e+00 : f32
    %broadcast_in_dim3A_3 = vector.broadcast %broadcast_in_dim3A_2 : f32 to vector<16xf32>
    %scan3A = arith.constant 0 : i32
    %scan3A_4 = arith.constant 0 : i32
    %scan3A_5 = arith.constant 128 : i32
    %scan3A_6 = arith.addi %scan3A_4, %scan3A_5 : i32
    %scan3A_7 = arith.constant 1 : i32
    %scan3A_8 = scf.for %scan3A_368 = %scan3A_4 to %scan3A_6 step %scan3A_7 iter_args(%scan3A_369 = %scan3A) -> (i32)  : i32 {
      %scan3A_370 = arith.constant 0 : i32
      %scan3A_371 = arith.constant 0 : i32
      %scan3A_372 = arith.constant 8 : i32
      %scan3A_373 = arith.addi %scan3A_371, %scan3A_372 : i32
      %scan3A_374 = arith.constant 1 : i32
      %scan3A_375 = scf.for %scan3A_378 = %scan3A_371 to %scan3A_373 step %scan3A_374 iter_args(%scan3A_379 = %scan3A_370) -> (i32)  : i32 {
        %mul3A_380 = arith.constant 16 : i32
        %mul3A_381 = arith.muli %scan3A_378, %mul3A_380 : i32
        %swap3A = arith.index_cast %scan3A_368 : i32 to index
        %swap3A_382 = arith.index_cast %mul3A_381 : i32 to index
        %swap3A_383 = tpu.vector_load %arg10[%swap3A, %swap3A_382] {strides = array<i32>} : memref<128x128xf32, #tpu.memory_space<vmem>>, vector<1x16xf32>,
        %swap3A_384 = vector.shape_cast %swap3A_383 : vector<1x16xf32> to vector<16xf32>
        %swap3A_385 = vector.shape_cast %broadcast_in_dim3A_1 : vector<16xf32> to vector<1x16xf32>
        tpu.vector_store %arg10[%swap3A, %swap3A_382], %swap3A_385 {strides = array<i32>} : memref<128x128xf32, #tpu.memory_space<vmem>>, vector<1x16xf32>,
        %scan3A_386 = arith.constant 0 : i32
        scf.yield %scan3A_386 : i32
      }
      %scan3A_376 = arith.constant 8 : i32
      %scan3A_377 = arith.constant 0 : i32
      scf.yield %scan3A_377 : i32
    }
    %scan3A_9 = arith.constant 128 : i32
    %mul3A_10 = arith.constant 640 : i32
    %mul3A_11 = arith.muli %arg1, %mul3A_10 : i32
    %add3A_12 = arith.constant 0 : i32
    %add3A_13 = arith.addi %mul3A_11, %add3A_12 : i32
    "tpu.region"() ({
      %run_scoped3A = tpu.sem_alloc : memref<!tpu.dma_semaphore, #tpu.memory_space<semaphore_mem>>
      %dma_start3A_368 = arith.constant 0 : i32
      %dma_start3A_369 = tpu.memref_slice %arg12[%add3A_13, %dma_start3A_368] : memref<10240x128xf32, #tpu.memory_space<vmem_shared>> -> memref<128x128xf32, #tpu.memory_space<vmem_shared>>
      %dma_start3A_370 = arith.constant 0 : i32
      %dma_start3A_371 = tpu.memref_slice %arg12[%add3A_13, %dma_start3A_370] : memref<10240x128xf32, #tpu.memory_space<vmem_shared>> -> memref<128x128xf32, #tpu.memory_space<vmem_shared>>
      tpu.enqueue_dma source(%arg10 : memref<128x128xf32, #tpu.memory_space<vmem>>) target(%dma_start3A_371 : memref<128x128xf32, #tpu.memory_space<vmem_shared>>) target_semaphore(%run_scoped3A : memref<!tpu.dma_semaphore, #tpu.memory_space<semaphore_mem>>)
      %dma_wait3A_372 = arith.constant 0 : i32
      %dma_wait3A_373 = tpu.memref_slice %arg12[%add3A_13, %dma_wait3A_372] : memref<10240x128xf32, #tpu.memory_space<vmem_shared>> -> memref<128x128xf32, #tpu.memory_space<vmem_shared>>
      %dma_wait3A_374 = arith.constant 0 : i32
      %dma_wait3A_375 = tpu.memref_slice %arg12[%add3A_13, %dma_wait3A_374] : memref<10240x128xf32, #tpu.memory_space<vmem_shared>> -> memref<128x128xf32, #tpu.memory_space<vmem_shared>>
      tpu.wait_dma2 semaphore(%run_scoped3A : memref<!tpu.dma_semaphore, #tpu.memory_space<semaphore_mem>>) src(%arg10 : memref<128x128xf32, #tpu.memory_space<vmem>>) dst(%dma_wait3A_375 : memref<128x128xf32, #tpu.memory_space<vmem_shared>>)
      tpu.yield
    }) : () -> ()
    %add3A_14 = arith.constant 128 : i32
    %add3A_15 = arith.addi %mul3A_11, %add3A_14 : i32
    "tpu.region"() ({
      %run_scoped3A = tpu.sem_alloc : memref<!tpu.dma_semaphore, #tpu.memory_space<semaphore_mem>>
      %dma_start3A_368 = arith.constant 0 : i32
      %dma_start3A_369 = tpu.memref_slice %arg12[%add3A_15, %dma_start3A_368] : memref<10240x128xf32, #tpu.memory_space<vmem_shared>> -> memref<128x128xf32, #tpu.memory_space<vmem_shared>>
      %dma_start3A_370 = arith.constant 0 : i32
      %dma_start3A_371 = tpu.memref_slice %arg12[%add3A_15, %dma_start3A_370] : memref<10240x128xf32, #tpu.memory_space<vmem_shared>> -> memref<128x128xf32, #tpu.memory_space<vmem_shared>>
      tpu.enqueue_dma source(%arg10 : memref<128x128xf32, #tpu.memory_space<vmem>>) target(%dma_start3A_371 : memref<128x128xf32, #tpu.memory_space<vmem_shared>>) target_semaphore(%run_scoped3A : memref<!tpu.dma_semaphore, #tpu.memory_space<semaphore_mem>>)
      %dma_wait3A_372 = arith.constant 0 : i32
      %dma_wait3A_373 = tpu.memref_slice %arg12[%add3A_15, %dma_wait3A_372] : memref<10240x128xf32, #tpu.memory_space<vmem_shared>> -> memref<128x128xf32, #tpu.memory_space<vmem_shared>>
      %dma_wait3A_374 = arith.constant 0 : i32
      %dma_wait3A_375 = tpu.memref_slice %arg12[%add3A_15, %dma_wait3A_374] : memref<10240x128xf32, #tpu.memory_space<vmem_shared>> -> memref<128x128xf32, #tpu.memory_space<vmem_shared>>
      tpu.wait_dma2 semaphore(%run_scoped3A : memref<!tpu.dma_semaphore, #tpu.memory_space<semaphore_mem>>) src(%arg10 : memref<128x128xf32, #tpu.memory_space<vmem>>) dst(%dma_wait3A_375 : memref<128x128xf32, #tpu.memory_space<vmem_shared>>)
      tpu.yield
    }) : () -> ()
    %add3A_16 = arith.constant 256 : i32
    %add3A_17 = arith.addi %mul3A_11, %add3A_16 : i32
    "tpu.region"() ({
      %run_scoped3A = tpu.sem_alloc : memref<!tpu.dma_semaphore, #tpu.memory_space<semaphore_mem>>
      %dma_start3A_368 = arith.constant 0 : i32
      %dma_start3A_369 = tpu.memref_slice %arg12[%add3A_17, %dma_start3A_368] : memref<10240x128xf32, #tpu.memory_space<vmem_shared>> -> memref<128x128xf32, #tpu.memory_space<vmem_shared>>
      %dma_start3A_370 = arith.constant 0 : i32
      %dma_start3A_371 = tpu.memref_slice %arg12[%add3A_17, %dma_start3A_370] : memref<10240x128xf32, #tpu.memory_space<vmem_shared>> -> memref<128x128xf32, #tpu.memory_space<vmem_shared>>
      tpu.enqueue_dma source(%arg10 : memref<128x128xf32, #tpu.memory_space<vmem>>) target(%dma_start3A_371 : memref<128x128xf32, #tpu.memory_space<vmem_shared>>) target_semaphore(%run_scoped3A : memref<!tpu.dma_semaphore, #tpu.memory_space<semaphore_mem>>)
      %dma_wait3A_372 = arith.constant 0 : i32
      %dma_wait3A_373 = tpu.memref_slice %arg12[%add3A_17, %dma_wait3A_372] : memref<10240x128xf32, #tpu.memory_space<vmem_shared>> -> memref<128x128xf32, #tpu.memory_space<vmem_shared>>
      %dma_wait3A_374 = arith.constant 0 : i32
      %dma_wait3A_375 = tpu.memref_slice %arg12[%add3A_17, %dma_wait3A_374] : memref<10240x128xf32, #tpu.memory_space<vmem_shared>> -> memref<128x128xf32, #tpu.memory_space<vmem_shared>>
      tpu.wait_dma2 semaphore(%run_scoped3A : memref<!tpu.dma_semaphore, #tpu.memory_space<semaphore_mem>>) src(%arg10 : memref<128x128xf32, #tpu.memory_space<vmem>>) dst(%dma_wait3A_375 : memref<128x128xf32, #tpu.memory_space<vmem_shared>>)
      tpu.yield
    }) : () -> ()
    %add3A_18 = arith.constant 384 : i32
    %add3A_19 = arith.addi %mul3A_11, %add3A_18 : i32
    "tpu.region"() ({
      %run_scoped3A = tpu.sem_alloc : memref<!tpu.dma_semaphore, #tpu.memory_space<semaphore_mem>>
      %dma_start3A_368 = arith.constant 0 : i32
      %dma_start3A_369 = tpu.memref_slice %arg12[%add3A_19, %dma_start3A_368] : memref<10240x128xf32, #tpu.memory_space<vmem_shared>> -> memref<128x128xf32, #tpu.memory_space<vmem_shared>>
      %dma_start3A_370 = arith.constant 0 : i32
      %dma_start3A_371 = tpu.memref_slice %arg12[%add3A_19, %dma_start3A_370] : memref<10240x128xf32, #tpu.memory_space<vmem_shared>> -> memref<128x128xf32, #tpu.memory_space<vmem_shared>>
      tpu.enqueue_dma source(%arg10 : memref<128x128xf32, #tpu.memory_space<vmem>>) target(%dma_start3A_371 : memref<128x128xf32, #tpu.memory_space<vmem_shared>>) target_semaphore(%run_scoped3A : memref<!tpu.dma_semaphore, #tpu.memory_space<semaphore_mem>>)
      %dma_wait3A_372 = arith.constant 0 : i32
      %dma_wait3A_373 = tpu.memref_slice %arg12[%add3A_19, %dma_wait3A_372] : memref<10240x128xf32, #tpu.memory_space<vmem_shared>> -> memref<128x128xf32, #tpu.memory_space<vmem_shared>>
      %dma_wait3A_374 = arith.constant 0 : i32
      %dma_wait3A_375 = tpu.memref_slice %arg12[%add3A_19, %dma_wait3A_374] : memref<10240x128xf32, #tpu.memory_space<vmem_shared>> -> memref<128x128xf32, #tpu.memory_space<vmem_shared>>
      tpu.wait_dma2 semaphore(%run_scoped3A : memref<!tpu.dma_semaphore, #tpu.memory_space<semaphore_mem>>) src(%arg10 : memref<128x128xf32, #tpu.memory_space<vmem>>) dst(%dma_wait3A_375 : memref<128x128xf32, #tpu.memory_space<vmem_shared>>)
      tpu.yield
    }) : () -> ()
    %add3A_20 = arith.constant 512 : i32
    %add3A_21 = arith.addi %mul3A_11, %add3A_20 : i32
    "tpu.region"() ({
      %run_scoped3A = tpu.sem_alloc : memref<!tpu.dma_semaphore, #tpu.memory_space<semaphore_mem>>
      %dma_start3A_368 = arith.constant 0 : i32
      %dma_start3A_369 = tpu.memref_slice %arg12[%add3A_21, %dma_start3A_368] : memref<10240x128xf32, #tpu.memory_space<vmem_shared>> -> memref<128x128xf32, #tpu.memory_space<vmem_shared>>
      %dma_start3A_370 = arith.constant 0 : i32
      %dma_start3A_371 = tpu.memref_slice %arg12[%add3A_21, %dma_start3A_370] : memref<10240x128xf32, #tpu.memory_space<vmem_shared>> -> memref<128x128xf32, #tpu.memory_space<vmem_shared>>
      tpu.enqueue_dma source(%arg10 : memref<128x128xf32, #tpu.memory_space<vmem>>) target(%dma_start3A_371 : memref<128x128xf32, #tpu.memory_space<vmem_shared>>) target_semaphore(%run_scoped3A : memref<!tpu.dma_semaphore, #tpu.memory_space<semaphore_mem>>)
      %dma_wait3A_372 = arith.constant 0 : i32
      %dma_wait3A_373 = tpu.memref_slice %arg12[%add3A_21, %dma_wait3A_372] : memref<10240x128xf32, #tpu.memory_space<vmem_shared>> -> memref<128x128xf32, #tpu.memory_space<vmem_shared>>
      %dma_wait3A_374 = arith.constant 0 : i32
      %dma_wait3A_375 = tpu.memref_slice %arg12[%add3A_21, %dma_wait3A_374] : memref<10240x128xf32, #tpu.memory_space<vmem_shared>> -> memref<128x128xf32, #tpu.memory_space<vmem_shared>>
      tpu.wait_dma2 semaphore(%run_scoped3A : memref<!tpu.dma_semaphore, #tpu.memory_space<semaphore_mem>>) src(%arg10 : memref<128x128xf32, #tpu.memory_space<vmem>>) dst(%dma_wait3A_375 : memref<128x128xf32, #tpu.memory_space<vmem_shared>>)
      tpu.yield
    }) : () -> ()
    "tpu.region"() ({
      %run_scoped3A = tpu.sem_alloc : memref<!tpu.dma_semaphore, #tpu.memory_space<semaphore_mem>>
      %dma_start3A_368 = arith.constant 0 : i32
      %dma_start3A_369 = arith.constant 0 : i32
      %dma_start3A_370 = tpu.memref_slice %arg4[%add3A, %dma_start3A_368, %dma_start3A_369] : memref<32x80x128xi32, #tpu.memory_space<hbm>> -> memref<1x80x128xi32, #tpu.memory_space<hbm>>
      %dma_start3A_371 = tpu.memref_squeeze %dma_start3A_370 : memref<1x80x128xi32, #tpu.memory_space<hbm>> -> memref<80x128xi32, #tpu.memory_space<hbm>>
      %dma_start3A_372 = arith.constant 0 : i32
      %dma_start3A_373 = arith.constant 0 : i32
      %dma_start3A_374 = tpu.memref_slice %arg4[%add3A, %dma_start3A_372, %dma_start3A_373] : memref<32x80x128xi32, #tpu.memory_space<hbm>> -> memref<1x80x128xi32, #tpu.memory_space<hbm>>
      %dma_start3A_375 = tpu.memref_squeeze %dma_start3A_374 : memref<1x80x128xi32, #tpu.memory_space<hbm>> -> memref<80x128xi32, #tpu.memory_space<hbm>>
      tpu.enqueue_dma source(%dma_start3A_375 : memref<80x128xi32, #tpu.memory_space<hbm>>) target(%arg9 : memref<80x128xi32, #tpu.memory_space<vmem>>) target_semaphore(%run_scoped3A : memref<!tpu.dma_semaphore, #tpu.memory_space<semaphore_mem>>)
      %dma_wait3A_376 = arith.constant 0 : i32
      %dma_wait3A_377 = arith.constant 0 : i32
      %dma_wait3A_378 = tpu.memref_slice %arg4[%add3A, %dma_wait3A_376, %dma_wait3A_377] : memref<32x80x128xi32, #tpu.memory_space<hbm>> -> memref<1x80x128xi32, #tpu.memory_space<hbm>>
      %dma_wait3A_379 = tpu.memref_squeeze %dma_wait3A_378 : memref<1x80x128xi32, #tpu.memory_space<hbm>> -> memref<80x128xi32, #tpu.memory_space<hbm>>
      %dma_wait3A_380 = arith.constant 0 : i32
      %dma_wait3A_381 = arith.constant 0 : i32
      %dma_wait3A_382 = tpu.memref_slice %arg4[%add3A, %dma_wait3A_380, %dma_wait3A_381] : memref<32x80x128xi32, #tpu.memory_space<hbm>> -> memref<1x80x128xi32, #tpu.memory_space<hbm>>
      %dma_wait3A_383 = tpu.memref_squeeze %dma_wait3A_382 : memref<1x80x128xi32, #tpu.memory_space<hbm>> -> memref<80x128xi32, #tpu.memory_space<hbm>>
      tpu.wait_dma2 semaphore(%run_scoped3A : memref<!tpu.dma_semaphore, #tpu.memory_space<semaphore_mem>>) src(%dma_wait3A_383 : memref<80x128xi32, #tpu.memory_space<hbm>>) dst(%arg9 : memref<80x128xi32, #tpu.memory_space<vmem>>)
      tpu.yield
    }) : () -> ()
    %barrier3A = arith.constant 0 : index
    tpu.barrier barrier_id(%barrier3A)
    %mul3A_22 = arith.constant 80 : i32
    %mul3A_23 = arith.muli %add3A, %mul3A_22 : i32
    %mul3A_24 = arith.constant 128 : i32
    %mul3A_25 = arith.muli %mul3A_23, %mul3A_24 : i32
    "tpu.region"() ({
      %run_scoped3A = tpu.sem_alloc : memref<!tpu.dma_semaphore, #tpu.memory_space<semaphore_mem>>
      %dma_start3A_368 = tpu.memref_slice %arg3[%mul3A_25] : memref<327680xi32, #tpu.memory_space<hbm>> -> memref<256xi32, #tpu.memory_space<hbm>>
      %dma_start3A_369 = tpu.memref_slice %arg3[%mul3A_25] : memref<327680xi32, #tpu.memory_space<hbm>> -> memref<256xi32, #tpu.memory_space<hbm>>
      tpu.enqueue_dma source(%dma_start3A_369 : memref<256xi32, #tpu.memory_space<hbm>>) target(%arg7 : memref<256xi32, #tpu.memory_space<vmem>>) target_semaphore(%run_scoped3A : memref<!tpu.dma_semaphore, #tpu.memory_space<semaphore_mem>>)
      %dma_wait3A_370 = tpu.memref_slice %arg3[%mul3A_25] : memref<327680xi32, #tpu.memory_space<hbm>> -> memref<256xi32, #tpu.memory_space<hbm>>
      %dma_wait3A_371 = tpu.memref_slice %arg3[%mul3A_25] : memref<327680xi32, #tpu.memory_space<hbm>> -> memref<256xi32, #tpu.memory_space<hbm>>
      tpu.wait_dma2 semaphore(%run_scoped3A : memref<!tpu.dma_semaphore, #tpu.memory_space<semaphore_mem>>) src(%dma_wait3A_371 : memref<256xi32, #tpu.memory_space<hbm>>) dst(%arg7 : memref<256xi32, #tpu.memory_space<vmem>>)
      tpu.yield
    }) : () -> ()
    %dma_start3A = arith.constant 0 : i32
    %dma_start3A_26 = arith.constant 0 : i32
    %dma_start3A_27 = tpu.memref_slice %arg10[%dma_start3A, %dma_start3A_26] : memref<128x128xf32, #tpu.memory_space<vmem>> -> memref<32x128xf32, #tpu.memory_space<vmem>>
    %dma_start3A_28 = arith.constant 0 : i32
    %dma_start3A_29 = tpu.memref_slice %arg7[%dma_start3A_28] : memref<256xi32, #tpu.memory_space<vmem>> -> memref<32xi32, #tpu.memory_space<vmem>>
    %dma_start3A_30 = arith.constant 0 : i32
    %dma_start3A_31 = arith.constant 0 : i32
    %dma_start3A_32 = tpu.memref_slice %arg2[%dma_start3A_30, %dma_start3A_31] : memref<10000x128xf32, #tpu.memory_space<hbm>> -> memref<10000x128xf32, #tpu.memory_space<hbm>>
    tpu.enqueue_indirect_dma source(%dma_start3A_32 : memref<10000x128xf32, #tpu.memory_space<hbm>>) target(%dma_start3A_27 : memref<32x128xf32, #tpu.memory_space<vmem>>) offsets(%dma_start3A_29 : memref<32xi32, #tpu.memory_space<vmem>>) semaphore(%arg13 : memref<!tpu.dma_semaphore, #tpu.memory_space<semaphore_mem>>)
    %dma_start3A_33 = arith.constant 32 : i32
    %dma_start3A_34 = arith.constant 0 : i32
    %dma_start3A_35 = tpu.memref_slice %arg10[%dma_start3A_33, %dma_start3A_34] : memref<128x128xf32, #tpu.memory_space<vmem>> -> memref<32x128xf32, #tpu.memory_space<vmem>>
    %dma_start3A_36 = arith.constant 32 : i32
    %dma_start3A_37 = tpu.memref_slice %arg7[%dma_start3A_36] : memref<256xi32, #tpu.memory_space<vmem>> -> memref<32xi32, #tpu.memory_space<vmem>>
    %dma_start3A_38 = arith.constant 0 : i32
    %dma_start3A_39 = arith.constant 0 : i32
    %dma_start3A_40 = tpu.memref_slice %arg2[%dma_start3A_38, %dma_start3A_39] : memref<10000x128xf32, #tpu.memory_space<hbm>> -> memref<10000x128xf32, #tpu.memory_space<hbm>>
    tpu.enqueue_indirect_dma source(%dma_start3A_40 : memref<10000x128xf32, #tpu.memory_space<hbm>>) target(%dma_start3A_35 : memref<32x128xf32, #tpu.memory_space<vmem>>) offsets(%dma_start3A_37 : memref<32xi32, #tpu.memory_space<vmem>>) semaphore(%arg13 : memref<!tpu.dma_semaphore, #tpu.memory_space<semaphore_mem>>)
    %dma_start3A_41 = arith.constant 64 : i32
    %dma_start3A_42 = arith.constant 0 : i32
    %dma_start3A_43 = tpu.memref_slice %arg10[%dma_start3A_41, %dma_start3A_42] : memref<128x128xf32, #tpu.memory_space<vmem>> -> memref<32x128xf32, #tpu.memory_space<vmem>>
    %dma_start3A_44 = arith.constant 64 : i32
    %dma_start3A_45 = tpu.memref_slice %arg7[%dma_start3A_44] : memref<256xi32, #tpu.memory_space<vmem>> -> memref<32xi32, #tpu.memory_space<vmem>>
    %dma_start3A_46 = arith.constant 0 : i32
    %dma_start3A_47 = arith.constant 0 : i32
    %dma_start3A_48 = tpu.memref_slice %arg2[%dma_start3A_46, %dma_start3A_47] : memref<10000x128xf32, #tpu.memory_space<hbm>> -> memref<10000x128xf32, #tpu.memory_space<hbm>>
    tpu.enqueue_indirect_dma source(%dma_start3A_48 : memref<10000x128xf32, #tpu.memory_space<hbm>>) target(%dma_start3A_43 : memref<32x128xf32, #tpu.memory_space<vmem>>) offsets(%dma_start3A_45 : memref<32xi32, #tpu.memory_space<vmem>>) semaphore(%arg13 : memref<!tpu.dma_semaphore, #tpu.memory_space<semaphore_mem>>)
    %dma_start3A_49 = arith.constant 96 : i32
    %dma_start3A_50 = arith.constant 0 : i32
    %dma_start3A_51 = tpu.memref_slice %arg10[%dma_start3A_49, %dma_start3A_50] : memref<128x128xf32, #tpu.memory_space<vmem>> -> memref<32x128xf32, #tpu.memory_space<vmem>>
    %dma_start3A_52 = arith.constant 96 : i32
    %dma_start3A_53 = tpu.memref_slice %arg7[%dma_start3A_52] : memref<256xi32, #tpu.memory_space<vmem>> -> memref<32xi32, #tpu.memory_space<vmem>>
    %dma_start3A_54 = arith.constant 0 : i32
    %dma_start3A_55 = arith.constant 0 : i32
    %dma_start3A_56 = tpu.memref_slice %arg2[%dma_start3A_54, %dma_start3A_55] : memref<10000x128xf32, #tpu.memory_space<hbm>> -> memref<10000x128xf32, #tpu.memory_space<hbm>>
    tpu.enqueue_indirect_dma source(%dma_start3A_56 : memref<10000x128xf32, #tpu.memory_space<hbm>>) target(%dma_start3A_51 : memref<32x128xf32, #tpu.memory_space<vmem>>) offsets(%dma_start3A_53 : memref<32xi32, #tpu.memory_space<vmem>>) semaphore(%arg13 : memref<!tpu.dma_semaphore, #tpu.memory_space<semaphore_mem>>)
    %dma_start3A_57 = arith.constant 0 : i32
    %dma_start3A_58 = arith.constant 0 : i32
    %dma_start3A_59 = tpu.memref_slice %arg11[%dma_start3A_57, %dma_start3A_58] : memref<128x128xf32, #tpu.memory_space<vmem>> -> memref<32x128xf32, #tpu.memory_space<vmem>>
    %dma_start3A_60 = arith.constant 128 : i32
    %dma_start3A_61 = tpu.memref_slice %arg7[%dma_start3A_60] : memref<256xi32, #tpu.memory_space<vmem>> -> memref<32xi32, #tpu.memory_space<vmem>>
    %dma_start3A_62 = arith.constant 0 : i32
    %dma_start3A_63 = arith.constant 0 : i32
    %dma_start3A_64 = tpu.memref_slice %arg2[%dma_start3A_62, %dma_start3A_63] : memref<10000x128xf32, #tpu.memory_space<hbm>> -> memref<10000x128xf32, #tpu.memory_space<hbm>>
    tpu.enqueue_indirect_dma source(%dma_start3A_64 : memref<10000x128xf32, #tpu.memory_space<hbm>>) target(%dma_start3A_59 : memref<32x128xf32, #tpu.memory_space<vmem>>) offsets(%dma_start3A_61 : memref<32xi32, #tpu.memory_space<vmem>>) semaphore(%arg14 : memref<!tpu.dma_semaphore, #tpu.memory_space<semaphore_mem>>)
    %dma_start3A_65 = arith.constant 32 : i32
    %dma_start3A_66 = arith.constant 0 : i32
    %dma_start3A_67 = tpu.memref_slice %arg11[%dma_start3A_65, %dma_start3A_66] : memref<128x128xf32, #tpu.memory_space<vmem>> -> memref<32x128xf32, #tpu.memory_space<vmem>>
    %dma_start3A_68 = arith.constant 160 : i32
    %dma_start3A_69 = tpu.memref_slice %arg7[%dma_start3A_68] : memref<256xi32, #tpu.memory_space<vmem>> -> memref<32xi32, #tpu.memory_space<vmem>>
    %dma_start3A_70 = arith.constant 0 : i32
    %dma_start3A_71 = arith.constant 0 : i32
    %dma_start3A_72 = tpu.memref_slice %arg2[%dma_start3A_70, %dma_start3A_71] : memref<10000x128xf32, #tpu.memory_space<hbm>> -> memref<10000x128xf32, #tpu.memory_space<hbm>>
    tpu.enqueue_indirect_dma source(%dma_start3A_72 : memref<10000x128xf32, #tpu.memory_space<hbm>>) target(%dma_start3A_67 : memref<32x128xf32, #tpu.memory_space<vmem>>) offsets(%dma_start3A_69 : memref<32xi32, #tpu.memory_space<vmem>>) semaphore(%arg14 : memref<!tpu.dma_semaphore, #tpu.memory_space<semaphore_mem>>)
    %dma_start3A_73 = arith.constant 64 : i32
    %dma_start3A_74 = arith.constant 0 : i32
    %dma_start3A_75 = tpu.memref_slice %arg11[%dma_start3A_73, %dma_start3A_74] : memref<128x128xf32, #tpu.memory_space<vmem>> -> memref<32x128xf32, #tpu.memory_space<vmem>>
    %dma_start3A_76 = arith.constant 192 : i32
    %dma_start3A_77 = tpu.memref_slice %arg7[%dma_start3A_76] : memref<256xi32, #tpu.memory_space<vmem>> -> memref<32xi32, #tpu.memory_space<vmem>>
    %dma_start3A_78 = arith.constant 0 : i32
    %dma_start3A_79 = arith.constant 0 : i32
    %dma_start3A_80 = tpu.memref_slice %arg2[%dma_start3A_78, %dma_start3A_79] : memref<10000x128xf32, #tpu.memory_space<hbm>> -> memref<10000x128xf32, #tpu.memory_space<hbm>>
    tpu.enqueue_indirect_dma source(%dma_start3A_80 : memref<10000x128xf32, #tpu.memory_space<hbm>>) target(%dma_start3A_75 : memref<32x128xf32, #tpu.memory_space<vmem>>) offsets(%dma_start3A_77 : memref<32xi32, #tpu.memory_space<vmem>>) semaphore(%arg14 : memref<!tpu.dma_semaphore, #tpu.memory_space<semaphore_mem>>)
    %dma_start3A_81 = arith.constant 96 : i32
    %dma_start3A_82 = arith.constant 0 : i32
    %dma_start3A_83 = tpu.memref_slice %arg11[%dma_start3A_81, %dma_start3A_82] : memref<128x128xf32, #tpu.memory_space<vmem>> -> memref<32x128xf32, #tpu.memory_space<vmem>>
    %dma_start3A_84 = arith.constant 224 : i32
    %dma_start3A_85 = tpu.memref_slice %arg7[%dma_start3A_84] : memref<256xi32, #tpu.memory_space<vmem>> -> memref<32xi32, #tpu.memory_space<vmem>>
    %dma_start3A_86 = arith.constant 0 : i32
    %dma_start3A_87 = arith.constant 0 : i32
    %dma_start3A_88 = tpu.memref_slice %arg2[%dma_start3A_86, %dma_start3A_87] : memref<10000x128xf32, #tpu.memory_space<hbm>> -> memref<10000x128xf32, #tpu.memory_space<hbm>>
    tpu.enqueue_indirect_dma source(%dma_start3A_88 : memref<10000x128xf32, #tpu.memory_space<hbm>>) target(%dma_start3A_83 : memref<32x128xf32, #tpu.memory_space<vmem>>) offsets(%dma_start3A_85 : memref<32xi32, #tpu.memory_space<vmem>>) semaphore(%arg14 : memref<!tpu.dma_semaphore, #tpu.memory_space<semaphore_mem>>)
    %mul3A_89 = arith.constant 80 : i32
    %mul3A_90 = arith.muli %add3A, %mul3A_89 : i32
    %add3A_91 = arith.constant 2 : i32
    %add3A_92 = arith.addi %mul3A_90, %add3A_91 : i32
    %mul3A_93 = arith.constant 128 : i32
    %mul3A_94 = arith.muli %add3A_92, %mul3A_93 : i32
    %min3A = arith.constant 327424 : i32
    %min3A_95 = arith.minsi %mul3A_94, %min3A : i32
    %dma_start3A_96 = tpu.memref_slice %arg3[%min3A_95] : memref<327680xi32, #tpu.memory_space<hbm>> -> memref<256xi32, #tpu.memory_space<hbm>>
    %dma_start3A_97 = tpu.memref_slice %arg3[%min3A_95] : memref<327680xi32, #tpu.memory_space<hbm>> -> memref<256xi32, #tpu.memory_space<hbm>>
    tpu.enqueue_dma source(%dma_start3A_97 : memref<256xi32, #tpu.memory_space<hbm>>) target(%arg8 : memref<256xi32, #tpu.memory_space<vmem>>) target_semaphore(%arg18 : memref<!tpu.dma_semaphore, #tpu.memory_space<semaphore_mem>>)
    %scan3A_98 = arith.constant 0 : i32
    %scan3A_99 = arith.constant 0 : i32
    %scan3A_100 = arith.constant 19 : i32
    %scan3A_101 = arith.addi %scan3A_99, %scan3A_100 : i32
    %scan3A_102 = arith.constant 1 : i32
    %scan3A_103 = scf.for %scan3A_368 = %scan3A_99 to %scan3A_101 step %scan3A_102 iter_args(%scan3A_369 = %scan3A_98) -> (i32)  : i32 {
      %mul3A_370 = arith.constant 2 : i32
      %mul3A_371 = arith.muli %mul3A_370, %scan3A_368 : i32
      %dma_wait3A_372 = arith.constant 0 : i32
      %dma_wait3A_373 = arith.constant 0 : i32
      %dma_wait3A_374 = tpu.memref_slice %arg2[%dma_wait3A_372, %dma_wait3A_373] : memref<10000x128xf32, #tpu.memory_space<hbm>> -> memref<128x128xf32, #tpu.memory_space<hbm>>
      %dma_wait3A_375 = arith.constant 0 : i32
      %dma_wait3A_376 = arith.constant 0 : i32
      %dma_wait3A_377 = tpu.memref_slice %arg2[%dma_wait3A_375, %dma_wait3A_376] : memref<10000x128xf32, #tpu.memory_space<hbm>> -> memref<128x128xf32, #tpu.memory_space<hbm>>
      tpu.wait_dma2 semaphore(%arg13 : memref<!tpu.dma_semaphore, #tpu.memory_space<semaphore_mem>>) src(%dma_wait3A_377 : memref<128x128xf32, #tpu.memory_space<hbm>>) dst(%arg10 : memref<128x128xf32, #tpu.memory_space<vmem>>)
      %mul3A_378 = arith.constant 2 : i32
      %mul3A_379 = arith.muli %mul3A_378, %mul3A_371 : i32
      %dma_start3A_380 = arith.constant 0 : i32
      %dma_start3A_381 = tpu.memref_slice %arg9[%mul3A_379, %dma_start3A_380] : memref<80x128xi32, #tpu.memory_space<vmem>> -> memref<1x128xi32, #tpu.memory_space<vmem>>
      %dma_start3A_382 = tpu.memref_squeeze %dma_start3A_381 : memref<1x128xi32, #tpu.memory_space<vmem>> -> memref<128xi32, #tpu.memory_space<vmem>>
      %dma_start3A_383 = arith.constant 0 : i32
      %dma_start3A_384 = arith.constant 0 : i32
      %dma_start3A_385 = tpu.memref_slice %arg12[%dma_start3A_383, %dma_start3A_384] : memref<10240x128xf32, #tpu.memory_space<vmem_shared>> -> memref<10240x128xf32, #tpu.memory_space<vmem_shared>>
      tpu.enqueue_indirect_dma source(%arg10 : memref<128x128xf32, #tpu.memory_space<vmem>>) target(%dma_start3A_385 : memref<10240x128xf32, #tpu.memory_space<vmem_shared>>) offsets(%dma_start3A_382 : memref<128xi32, #tpu.memory_space<vmem>>) semaphore(%arg15 : memref<!tpu.dma_semaphore, #tpu.memory_space<semaphore_mem>>) {add = true}
      %dma_wait3A_386 = arith.constant 0 : i32
      %dma_wait3A_387 = arith.constant 0 : i32
      %dma_wait3A_388 = tpu.memref_slice %arg2[%dma_wait3A_386, %dma_wait3A_387] : memref<10000x128xf32, #tpu.memory_space<hbm>> -> memref<128x128xf32, #tpu.memory_space<hbm>>
      %dma_wait3A_389 = arith.constant 0 : i32
      %dma_wait3A_390 = arith.constant 0 : i32
      %dma_wait3A_391 = tpu.memref_slice %arg2[%dma_wait3A_389, %dma_wait3A_390] : memref<10000x128xf32, #tpu.memory_space<hbm>> -> memref<128x128xf32, #tpu.memory_space<hbm>>
      tpu.wait_dma2 semaphore(%arg14 : memref<!tpu.dma_semaphore, #tpu.memory_space<semaphore_mem>>) src(%dma_wait3A_391 : memref<128x128xf32, #tpu.memory_space<hbm>>) dst(%arg11 : memref<128x128xf32, #tpu.memory_space<vmem>>)
      %mul3A_392 = arith.constant 2 : i32
      %mul3A_393 = arith.muli %mul3A_392, %mul3A_371 : i32
      %add3A_394 = arith.constant 1 : i32
      %add3A_395 = arith.addi %mul3A_393, %add3A_394 : i32
      %dma_start3A_396 = arith.constant 0 : i32
      %dma_start3A_397 = tpu.memref_slice %arg9[%add3A_395, %dma_start3A_396] : memref<80x128xi32, #tpu.memory_space<vmem>> -> memref<1x128xi32, #tpu.memory_space<vmem>>
      %dma_start3A_398 = tpu.memref_squeeze %dma_start3A_397 : memref<1x128xi32, #tpu.memory_space<vmem>> -> memref<128xi32, #tpu.memory_space<vmem>>
      %dma_start3A_399 = arith.constant 0 : i32
      %dma_start3A_400 = arith.constant 0 : i32
      %dma_start3A_401 = tpu.memref_slice %arg12[%dma_start3A_399, %dma_start3A_400] : memref<10240x128xf32, #tpu.memory_space<vmem_shared>> -> memref<10240x128xf32, #tpu.memory_space<vmem_shared>>
      tpu.enqueue_indirect_dma source(%arg11 : memref<128x128xf32, #tpu.memory_space<vmem>>) target(%dma_start3A_401 : memref<10240x128xf32, #tpu.memory_space<vmem_shared>>) offsets(%dma_start3A_398 : memref<128xi32, #tpu.memory_space<vmem>>) semaphore(%arg16 : memref<!tpu.dma_semaphore, #tpu.memory_space<semaphore_mem>>) {add = true}
      %dma_wait3A_402 = arith.constant 0 : i32
      %dma_wait3A_403 = tpu.memref_slice %arg3[%dma_wait3A_402] : memref<327680xi32, #tpu.memory_space<hbm>> -> memref<256xi32, #tpu.memory_space<hbm>>
      %dma_wait3A_404 = arith.constant 0 : i32
      %dma_wait3A_405 = tpu.memref_slice %arg3[%dma_wait3A_404] : memref<327680xi32, #tpu.memory_space<hbm>> -> memref<256xi32, #tpu.memory_space<hbm>>
      tpu.wait_dma2 semaphore(%arg18 : memref<!tpu.dma_semaphore, #tpu.memory_space<semaphore_mem>>) src(%dma_wait3A_405 : memref<256xi32, #tpu.memory_space<hbm>>) dst(%arg8 : memref<256xi32, #tpu.memory_space<vmem>>)
      %dma_wait3A_406 = arith.constant 0 : i32
      %dma_wait3A_407 = arith.constant 0 : i32
      %dma_wait3A_408 = tpu.memref_slice %arg2[%dma_wait3A_406, %dma_wait3A_407] : memref<10000x128xf32, #tpu.memory_space<hbm>> -> memref<128x128xf32, #tpu.memory_space<hbm>>
      %dma_wait3A_409 = arith.constant 0 : i32
      %dma_wait3A_410 = arith.constant 0 : i32
      %dma_wait3A_411 = tpu.memref_slice %arg2[%dma_wait3A_409, %dma_wait3A_410] : memref<10000x128xf32, #tpu.memory_space<hbm>> -> memref<128x128xf32, #tpu.memory_space<hbm>>
      tpu.wait_dma2 semaphore(%arg15 : memref<!tpu.dma_semaphore, #tpu.memory_space<semaphore_mem>>) src(%dma_wait3A_411 : memref<128x128xf32, #tpu.memory_space<hbm>>) dst(%arg10 : memref<128x128xf32, #tpu.memory_space<vmem>>)
      %dma_start3A_412 = arith.constant 0 : i32
      %dma_start3A_413 = arith.constant 0 : i32
      %dma_start3A_414 = tpu.memref_slice %arg10[%dma_start3A_412, %dma_start3A_413] : memref<128x128xf32, #tpu.memory_space<vmem>> -> memref<32x128xf32, #tpu.memory_space<vmem>>
      %dma_start3A_415 = arith.constant 0 : i32
      %dma_start3A_416 = tpu.memref_slice %arg8[%dma_start3A_415] : memref<256xi32, #tpu.memory_space<vmem>> -> memref<32xi32, #tpu.memory_space<vmem>>
      %dma_start3A_417 = arith.constant 0 : i32
      %dma_start3A_418 = arith.constant 0 : i32
      %dma_start3A_419 = tpu.memref_slice %arg2[%dma_start3A_417, %dma_start3A_418] : memref<10000x128xf32, #tpu.memory_space<hbm>> -> memref<10000x128xf32, #tpu.memory_space<hbm>>
      tpu.enqueue_indirect_dma source(%dma_start3A_419 : memref<10000x128xf32, #tpu.memory_space<hbm>>) target(%dma_start3A_414 : memref<32x128xf32, #tpu.memory_space<vmem>>) offsets(%dma_start3A_416 : memref<32xi32, #tpu.memory_space<vmem>>) semaphore(%arg13 : memref<!tpu.dma_semaphore, #tpu.memory_space<semaphore_mem>>)
      %dma_start3A_420 = arith.constant 32 : i32
      %dma_start3A_421 = arith.constant 0 : i32
      %dma_start3A_422 = tpu.memref_slice %arg10[%dma_start3A_420, %dma_start3A_421] : memref<128x128xf32, #tpu.memory_space<vmem>> -> memref<32x128xf32, #tpu.memory_space<vmem>>
      %dma_start3A_423 = arith.constant 32 : i32
      %dma_start3A_424 = tpu.memref_slice %arg8[%dma_start3A_423] : memref<256xi32, #tpu.memory_space<vmem>> -> memref<32xi32, #tpu.memory_space<vmem>>
      %dma_start3A_425 = arith.constant 0 : i32
      %dma_start3A_426 = arith.constant 0 : i32
      %dma_start3A_427 = tpu.memref_slice %arg2[%dma_start3A_425, %dma_start3A_426] : memref<10000x128xf32, #tpu.memory_space<hbm>> -> memref<10000x128xf32, #tpu.memory_space<hbm>>
      tpu.enqueue_indirect_dma source(%dma_start3A_427 : memref<10000x128xf32, #tpu.memory_space<hbm>>) target(%dma_start3A_422 : memref<32x128xf32, #tpu.memory_space<vmem>>) offsets(%dma_start3A_424 : memref<32xi32, #tpu.memory_space<vmem>>) semaphore(%arg13 : memref<!tpu.dma_semaphore, #tpu.memory_space<semaphore_mem>>)
      %dma_start3A_428 = arith.constant 64 : i32
      %dma_start3A_429 = arith.constant 0 : i32
      %dma_start3A_430 = tpu.memref_slice %arg10[%dma_start3A_428, %dma_start3A_429] : memref<128x128xf32, #tpu.memory_space<vmem>> -> memref<32x128xf32, #tpu.memory_space<vmem>>
      %dma_start3A_431 = arith.constant 64 : i32
      %dma_start3A_432 = tpu.memref_slice %arg8[%dma_start3A_431] : memref<256xi32, #tpu.memory_space<vmem>> -> memref<32xi32, #tpu.memory_space<vmem>>
      %dma_start3A_433 = arith.constant 0 : i32
      %dma_start3A_434 = arith.constant 0 : i32
      %dma_start3A_435 = tpu.memref_slice %arg2[%dma_start3A_433, %dma_start3A_434] : memref<10000x128xf32, #tpu.memory_space<hbm>> -> memref<10000x128xf32, #tpu.memory_space<hbm>>
      tpu.enqueue_indirect_dma source(%dma_start3A_435 : memref<10000x128xf32, #tpu.memory_space<hbm>>) target(%dma_start3A_430 : memref<32x128xf32, #tpu.memory_space<vmem>>) offsets(%dma_start3A_432 : memref<32xi32, #tpu.memory_space<vmem>>) semaphore(%arg13 : memref<!tpu.dma_semaphore, #tpu.memory_space<semaphore_mem>>)
      %dma_start3A_436 = arith.constant 96 : i32
      %dma_start3A_437 = arith.constant 0 : i32
      %dma_start3A_438 = tpu.memref_slice %arg10[%dma_start3A_436, %dma_start3A_437] : memref<128x128xf32, #tpu.memory_space<vmem>> -> memref<32x128xf32, #tpu.memory_space<vmem>>
      %dma_start3A_439 = arith.constant 96 : i32
      %dma_start3A_440 = tpu.memref_slice %arg8[%dma_start3A_439] : memref<256xi32, #tpu.memory_space<vmem>> -> memref<32xi32, #tpu.memory_space<vmem>>
      %dma_start3A_441 = arith.constant 0 : i32
      %dma_start3A_442 = arith.constant 0 : i32
      %dma_start3A_443 = tpu.memref_slice %arg2[%dma_start3A_441, %dma_start3A_442] : memref<10000x128xf32, #tpu.memory_space<hbm>> -> memref<10000x128xf32, #tpu.memory_space<hbm>>
      tpu.enqueue_indirect_dma source(%dma_start3A_443 : memref<10000x128xf32, #tpu.memory_space<hbm>>) target(%dma_start3A_438 : memref<32x128xf32, #tpu.memory_space<vmem>>) offsets(%dma_start3A_440 : memref<32xi32, #tpu.memory_space<vmem>>) semaphore(%arg13 : memref<!tpu.dma_semaphore, #tpu.memory_space<semaphore_mem>>)
      %dma_wait3A_444 = arith.constant 0 : i32
      %dma_wait3A_445 = arith.constant 0 : i32
      %dma_wait3A_446 = tpu.memref_slice %arg2[%dma_wait3A_444, %dma_wait3A_445] : memref<10000x128xf32, #tpu.memory_space<hbm>> -> memref<128x128xf32, #tpu.memory_space<hbm>>
      %dma_wait3A_447 = arith.constant 0 : i32
      %dma_wait3A_448 = arith.constant 0 : i32
      %dma_wait3A_449 = tpu.memref_slice %arg2[%dma_wait3A_447, %dma_wait3A_448] : memref<10000x128xf32, #tpu.memory_space<hbm>> -> memref<128x128xf32, #tpu.memory_space<hbm>>
      tpu.wait_dma2 semaphore(%arg16 : memref<!tpu.dma_semaphore, #tpu.memory_space<semaphore_mem>>) src(%dma_wait3A_449 : memref<128x128xf32, #tpu.memory_space<hbm>>) dst(%arg11 : memref<128x128xf32, #tpu.memory_space<vmem>>)
      %dma_start3A_450 = arith.constant 0 : i32
      %dma_start3A_451 = arith.constant 0 : i32
      %dma_start3A_452 = tpu.memref_slice %arg11[%dma_start3A_450, %dma_start3A_451] : memref<128x128xf32, #tpu.memory_space<vmem>> -> memref<32x128xf32, #tpu.memory_space<vmem>>
      %dma_start3A_453 = arith.constant 128 : i32
      %dma_start3A_454 = tpu.memref_slice %arg8[%dma_start3A_453] : memref<256xi32, #tpu.memory_space<vmem>> -> memref<32xi32, #tpu.memory_space<vmem>>
      %dma_start3A_455 = arith.constant 0 : i32
      %dma_start3A_456 = arith.constant 0 : i32
      %dma_start3A_457 = tpu.memref_slice %arg2[%dma_start3A_455, %dma_start3A_456] : memref<10000x128xf32, #tpu.memory_space<hbm>> -> memref<10000x128xf32, #tpu.memory_space<hbm>>
      tpu.enqueue_indirect_dma source(%dma_start3A_457 : memref<10000x128xf32, #tpu.memory_space<hbm>>) target(%dma_start3A_452 : memref<32x128xf32, #tpu.memory_space<vmem>>) offsets(%dma_start3A_454 : memref<32xi32, #tpu.memory_space<vmem>>) semaphore(%arg14 : memref<!tpu.dma_semaphore, #tpu.memory_space<semaphore_mem>>)
      %dma_start3A_458 = arith.constant 32 : i32
      %dma_start3A_459 = arith.constant 0 : i32
      %dma_start3A_460 = tpu.memref_slice %arg11[%dma_start3A_458, %dma_start3A_459] : memref<128x128xf32, #tpu.memory_space<vmem>> -> memref<32x128xf32, #tpu.memory_space<vmem>>
      %dma_start3A_461 = arith.constant 160 : i32
      %dma_start3A_462 = tpu.memref_slice %arg8[%dma_start3A_461] : memref<256xi32, #tpu.memory_space<vmem>> -> memref<32xi32, #tpu.memory_space<vmem>>
      %dma_start3A_463 = arith.constant 0 : i32
      %dma_start3A_464 = arith.constant 0 : i32
      %dma_start3A_465 = tpu.memref_slice %arg2[%dma_start3A_463, %dma_start3A_464] : memref<10000x128xf32, #tpu.memory_space<hbm>> -> memref<10000x128xf32, #tpu.memory_space<hbm>>
      tpu.enqueue_indirect_dma source(%dma_start3A_465 : memref<10000x128xf32, #tpu.memory_space<hbm>>) target(%dma_start3A_460 : memref<32x128xf32, #tpu.memory_space<vmem>>) offsets(%dma_start3A_462 : memref<32xi32, #tpu.memory_space<vmem>>) semaphore(%arg14 : memref<!tpu.dma_semaphore, #tpu.memory_space<semaphore_mem>>)
      %dma_start3A_466 = arith.constant 64 : i32
      %dma_start3A_467 = arith.constant 0 : i32
      %dma_start3A_468 = tpu.memref_slice %arg11[%dma_start3A_466, %dma_start3A_467] : memref<128x128xf32, #tpu.memory_space<vmem>> -> memref<32x128xf32, #tpu.memory_space<vmem>>
      %dma_start3A_469 = arith.constant 192 : i32
      %dma_start3A_470 = tpu.memref_slice %arg8[%dma_start3A_469] : memref<256xi32, #tpu.memory_space<vmem>> -> memref<32xi32, #tpu.memory_space<vmem>>
      %dma_start3A_471 = arith.constant 0 : i32
      %dma_start3A_472 = arith.constant 0 : i32
      %dma_start3A_473 = tpu.memref_slice %arg2[%dma_start3A_471, %dma_start3A_472] : memref<10000x128xf32, #tpu.memory_space<hbm>> -> memref<10000x128xf32, #tpu.memory_space<hbm>>
      tpu.enqueue_indirect_dma source(%dma_start3A_473 : memref<10000x128xf32, #tpu.memory_space<hbm>>) target(%dma_start3A_468 : memref<32x128xf32, #tpu.memory_space<vmem>>) offsets(%dma_start3A_470 : memref<32xi32, #tpu.memory_space<vmem>>) semaphore(%arg14 : memref<!tpu.dma_semaphore, #tpu.memory_space<semaphore_mem>>)
      %dma_start3A_474 = arith.constant 96 : i32
      %dma_start3A_475 = arith.constant 0 : i32
      %dma_start3A_476 = tpu.memref_slice %arg11[%dma_start3A_474, %dma_start3A_475] : memref<128x128xf32, #tpu.memory_space<vmem>> -> memref<32x128xf32, #tpu.memory_space<vmem>>
      %dma_start3A_477 = arith.constant 224 : i32
      %dma_start3A_478 = tpu.memref_slice %arg8[%dma_start3A_477] : memref<256xi32, #tpu.memory_space<vmem>> -> memref<32xi32, #tpu.memory_space<vmem>>
      %dma_start3A_479 = arith.constant 0 : i32
      %dma_start3A_480 = arith.constant 0 : i32
      %dma_start3A_481 = tpu.memref_slice %arg2[%dma_start3A_479, %dma_start3A_480] : memref<10000x128xf32, #tpu.memory_space<hbm>> -> memref<10000x128xf32, #tpu.memory_space<hbm>>
      tpu.enqueue_indirect_dma source(%dma_start3A_481 : memref<10000x128xf32, #tpu.memory_space<hbm>>) target(%dma_start3A_476 : memref<32x128xf32, #tpu.memory_space<vmem>>) offsets(%dma_start3A_478 : memref<32xi32, #tpu.memory_space<vmem>>) semaphore(%arg14 : memref<!tpu.dma_semaphore, #tpu.memory_space<semaphore_mem>>)
      %add3A_482 = arith.constant 2 : i32
      %add3A_483 = arith.addi %mul3A_371, %add3A_482 : i32
      %mul3A_484 = arith.constant 80 : i32
      %mul3A_485 = arith.muli %add3A, %mul3A_484 : i32
      %mul3A_486 = arith.constant 2 : i32
      %mul3A_487 = arith.muli %add3A_483, %mul3A_486 : i32
      %add3A_488 = arith.addi %mul3A_485, %mul3A_487 : i32
      %mul3A_489 = arith.constant 128 : i32
      %mul3A_490 = arith.muli %add3A_488, %mul3A_489 : i32
      %min3A_491 = arith.constant 327424 : i32
      %min3A_492 = arith.minsi %mul3A_490, %min3A_491 : i32
      %dma_start3A_493 = tpu.memref_slice %arg3[%min3A_492] : memref<327680xi32, #tpu.memory_space<hbm>> -> memref<256xi32, #tpu.memory_space<hbm>>
      %dma_start3A_494 = tpu.memref_slice %arg3[%min3A_492] : memref<327680xi32, #tpu.memory_space<hbm>> -> memref<256xi32, #tpu.memory_space<hbm>>
      tpu.enqueue_dma source(%dma_start3A_494 : memref<256xi32, #tpu.memory_space<hbm>>) target(%arg7 : memref<256xi32, #tpu.memory_space<vmem>>) target_semaphore(%arg17 : memref<!tpu.dma_semaphore, #tpu.memory_space<semaphore_mem>>)
      %mul3A_495 = arith.constant 2 : i32
      %mul3A_496 = arith.muli %mul3A_495, %scan3A_368 : i32
      %add3A_497 = arith.constant 1 : i32
      %add3A_498 = arith.addi %mul3A_496, %add3A_497 : i32
      %dma_wait3A_499 = arith.constant 0 : i32
      %dma_wait3A_500 = arith.constant 0 : i32
      %dma_wait3A_501 = tpu.memref_slice %arg2[%dma_wait3A_499, %dma_wait3A_500] : memref<10000x128xf32, #tpu.memory_space<hbm>> -> memref<128x128xf32, #tpu.memory_space<hbm>>
      %dma_wait3A_502 = arith.constant 0 : i32
      %dma_wait3A_503 = arith.constant 0 : i32
      %dma_wait3A_504 = tpu.memref_slice %arg2[%dma_wait3A_502, %dma_wait3A_503] : memref<10000x128xf32, #tpu.memory_space<hbm>> -> memref<128x128xf32, #tpu.memory_space<hbm>>
      tpu.wait_dma2 semaphore(%arg13 : memref<!tpu.dma_semaphore, #tpu.memory_space<semaphore_mem>>) src(%dma_wait3A_504 : memref<128x128xf32, #tpu.memory_space<hbm>>) dst(%arg10 : memref<128x128xf32, #tpu.memory_space<vmem>>)
      %mul3A_505 = arith.constant 2 : i32
      %mul3A_506 = arith.muli %mul3A_505, %add3A_498 : i32
      %dma_start3A_507 = arith.constant 0 : i32
      %dma_start3A_508 = tpu.memref_slice %arg9[%mul3A_506, %dma_start3A_507] : memref<80x128xi32, #tpu.memory_space<vmem>> -> memref<1x128xi32, #tpu.memory_space<vmem>>
      %dma_start3A_509 = tpu.memref_squeeze %dma_start3A_508 : memref<1x128xi32, #tpu.memory_space<vmem>> -> memref<128xi32, #tpu.memory_space<vmem>>
      %dma_start3A_510 = arith.constant 0 : i32
      %dma_start3A_511 = arith.constant 0 : i32
      %dma_start3A_512 = tpu.memref_slice %arg12[%dma_start3A_510, %dma_start3A_511] : memref<10240x128xf32, #tpu.memory_space<vmem_shared>> -> memref<10240x128xf32, #tpu.memory_space<vmem_shared>>
      tpu.enqueue_indirect_dma source(%arg10 : memref<128x128xf32, #tpu.memory_space<vmem>>) target(%dma_start3A_512 : memref<10240x128xf32, #tpu.memory_space<vmem_shared>>) offsets(%dma_start3A_509 : memref<128xi32, #tpu.memory_space<vmem>>) semaphore(%arg15 : memref<!tpu.dma_semaphore, #tpu.memory_space<semaphore_mem>>) {add = true}
      %dma_wait3A_513 = arith.constant 0 : i32
      %dma_wait3A_514 = arith.constant 0 : i32
      %dma_wait3A_515 = tpu.memref_slice %arg2[%dma_wait3A_513, %dma_wait3A_514] : memref<10000x128xf32, #tpu.memory_space<hbm>> -> memref<128x128xf32, #tpu.memory_space<hbm>>
      %dma_wait3A_516 = arith.constant 0 : i32
      %dma_wait3A_517 = arith.constant 0 : i32
      %dma_wait3A_518 = tpu.memref_slice %arg2[%dma_wait3A_516, %dma_wait3A_517] : memref<10000x128xf32, #tpu.memory_space<hbm>> -> memref<128x128xf32, #tpu.memory_space<hbm>>
      tpu.wait_dma2 semaphore(%arg14 : memref<!tpu.dma_semaphore, #tpu.memory_space<semaphore_mem>>) src(%dma_wait3A_518 : memref<128x128xf32, #tpu.memory_space<hbm>>) dst(%arg11 : memref<128x128xf32, #tpu.memory_space<vmem>>)
      %mul3A_519 = arith.constant 2 : i32
      %mul3A_520 = arith.muli %mul3A_519, %add3A_498 : i32
      %add3A_521 = arith.constant 1 : i32
      %add3A_522 = arith.addi %mul3A_520, %add3A_521 : i32
      %dma_start3A_523 = arith.constant 0 : i32
      %dma_start3A_524 = tpu.memref_slice %arg9[%add3A_522, %dma_start3A_523] : memref<80x128xi32, #tpu.memory_space<vmem>> -> memref<1x128xi32, #tpu.memory_space<vmem>>
      %dma_start3A_525 = tpu.memref_squeeze %dma_start3A_524 : memref<1x128xi32, #tpu.memory_space<vmem>> -> memref<128xi32, #tpu.memory_space<vmem>>
      %dma_start3A_526 = arith.constant 0 : i32
      %dma_start3A_527 = arith.constant 0 : i32
      %dma_start3A_528 = tpu.memref_slice %arg12[%dma_start3A_526, %dma_start3A_527] : memref<10240x128xf32, #tpu.memory_space<vmem_shared>> -> memref<10240x128xf32, #tpu.memory_space<vmem_shared>>
      tpu.enqueue_indirect_dma source(%arg11 : memref<128x128xf32, #tpu.memory_space<vmem>>) target(%dma_start3A_528 : memref<10240x128xf32, #tpu.memory_space<vmem_shared>>) offsets(%dma_start3A_525 : memref<128xi32, #tpu.memory_space<vmem>>) semaphore(%arg16 : memref<!tpu.dma_semaphore, #tpu.memory_space<semaphore_mem>>) {add = true}
      %dma_wait3A_529 = arith.constant 0 : i32
      %dma_wait3A_530 = tpu.memref_slice %arg3[%dma_wait3A_529] : memref<327680xi32, #tpu.memory_space<hbm>> -> memref<256xi32, #tpu.memory_space<hbm>>
      %dma_wait3A_531 = arith.constant 0 : i32
      %dma_wait3A_532 = tpu.memref_slice %arg3[%dma_wait3A_531] : memref<327680xi32, #tpu.memory_space<hbm>> -> memref<256xi32, #tpu.memory_space<hbm>>
      tpu.wait_dma2 semaphore(%arg17 : memref<!tpu.dma_semaphore, #tpu.memory_space<semaphore_mem>>) src(%dma_wait3A_532 : memref<256xi32, #tpu.memory_space<hbm>>) dst(%arg7 : memref<256xi32, #tpu.memory_space<vmem>>)
      %dma_wait3A_533 = arith.constant 0 : i32
      %dma_wait3A_534 = arith.constant 0 : i32
      %dma_wait3A_535 = tpu.memref_slice %arg2[%dma_wait3A_533, %dma_wait3A_534] : memref<10000x128xf32, #tpu.memory_space<hbm>> -> memref<128x128xf32, #tpu.memory_space<hbm>>
      %dma_wait3A_536 = arith.constant 0 : i32
      %dma_wait3A_537 = arith.constant 0 : i32
      %dma_wait3A_538 = tpu.memref_slice %arg2[%dma_wait3A_536, %dma_wait3A_537] : memref<10000x128xf32, #tpu.memory_space<hbm>> -> memref<128x128xf32, #tpu.memory_space<hbm>>
      tpu.wait_dma2 semaphore(%arg15 : memref<!tpu.dma_semaphore, #tpu.memory_space<semaphore_mem>>) src(%dma_wait3A_538 : memref<128x128xf32, #tpu.memory_space<hbm>>) dst(%arg10 : memref<128x128xf32, #tpu.memory_space<vmem>>)
      %dma_start3A_539 = arith.constant 0 : i32
      %dma_start3A_540 = arith.constant 0 : i32
      %dma_start3A_541 = tpu.memref_slice %arg10[%dma_start3A_539, %dma_start3A_540] : memref<128x128xf32, #tpu.memory_space<vmem>> -> memref<32x128xf32, #tpu.memory_space<vmem>>
      %dma_start3A_542 = arith.constant 0 : i32
      %dma_start3A_543 = tpu.memref_slice %arg7[%dma_start3A_542] : memref<256xi32, #tpu.memory_space<vmem>> -> memref<32xi32, #tpu.memory_space<vmem>>
      %dma_start3A_544 = arith.constant 0 : i32
      %dma_start3A_545 = arith.constant 0 : i32
      %dma_start3A_546 = tpu.memref_slice %arg2[%dma_start3A_544, %dma_start3A_545] : memref<10000x128xf32, #tpu.memory_space<hbm>> -> memref<10000x128xf32, #tpu.memory_space<hbm>>
      tpu.enqueue_indirect_dma source(%dma_start3A_546 : memref<10000x128xf32, #tpu.memory_space<hbm>>) target(%dma_start3A_541 : memref<32x128xf32, #tpu.memory_space<vmem>>) offsets(%dma_start3A_543 : memref<32xi32, #tpu.memory_space<vmem>>) semaphore(%arg13 : memref<!tpu.dma_semaphore, #tpu.memory_space<semaphore_mem>>)
      %dma_start3A_547 = arith.constant 32 : i32
      %dma_start3A_548 = arith.constant 0 : i32
      %dma_start3A_549 = tpu.memref_slice %arg10[%dma_start3A_547, %dma_start3A_548] : memref<128x128xf32, #tpu.memory_space<vmem>> -> memref<32x128xf32, #tpu.memory_space<vmem>>
      %dma_start3A_550 = arith.constant 32 : i32
      %dma_start3A_551 = tpu.memref_slice %arg7[%dma_start3A_550] : memref<256xi32, #tpu.memory_space<vmem>> -> memref<32xi32, #tpu.memory_space<vmem>>
      %dma_start3A_552 = arith.constant 0 : i32
      %dma_start3A_553 = arith.constant 0 : i32
      %dma_start3A_554 = tpu.memref_slice %arg2[%dma_start3A_552, %dma_start3A_553] : memref<10000x128xf32, #tpu.memory_space<hbm>> -> memref<10000x128xf32, #tpu.memory_space<hbm>>
      tpu.enqueue_indirect_dma source(%dma_start3A_554 : memref<10000x128xf32, #tpu.memory_space<hbm>>) target(%dma_start3A_549 : memref<32x128xf32, #tpu.memory_space<vmem>>) offsets(%dma_start3A_551 : memref<32xi32, #tpu.memory_space<vmem>>) semaphore(%arg13 : memref<!tpu.dma_semaphore, #tpu.memory_space<semaphore_mem>>)
      %dma_start3A_555 = arith.constant 64 : i32
      %dma_start3A_556 = arith.constant 0 : i32
      %dma_start3A_557 = tpu.memref_slice %arg10[%dma_start3A_555, %dma_start3A_556] : memref<128x128xf32, #tpu.memory_space<vmem>> -> memref<32x128xf32, #tpu.memory_space<vmem>>
      %dma_start3A_558 = arith.constant 64 : i32
      %dma_start3A_559 = tpu.memref_slice %arg7[%dma_start3A_558] : memref<256xi32, #tpu.memory_space<vmem>> -> memref<32xi32, #tpu.memory_space<vmem>>
      %dma_start3A_560 = arith.constant 0 : i32
      %dma_start3A_561 = arith.constant 0 : i32
      %dma_start3A_562 = tpu.memref_slice %arg2[%dma_start3A_560, %dma_start3A_561] : memref<10000x128xf32, #tpu.memory_space<hbm>> -> memref<10000x128xf32, #tpu.memory_space<hbm>>
      tpu.enqueue_indirect_dma source(%dma_start3A_562 : memref<10000x128xf32, #tpu.memory_space<hbm>>) target(%dma_start3A_557 : memref<32x128xf32, #tpu.memory_space<vmem>>) offsets(%dma_start3A_559 : memref<32xi32, #tpu.memory_space<vmem>>) semaphore(%arg13 : memref<!tpu.dma_semaphore, #tpu.memory_space<semaphore_mem>>)
      %dma_start3A_563 = arith.constant 96 : i32
      %dma_start3A_564 = arith.constant 0 : i32
      %dma_start3A_565 = tpu.memref_slice %arg10[%dma_start3A_563, %dma_start3A_564] : memref<128x128xf32, #tpu.memory_space<vmem>> -> memref<32x128xf32, #tpu.memory_space<vmem>>
      %dma_start3A_566 = arith.constant 96 : i32
      %dma_start3A_567 = tpu.memref_slice %arg7[%dma_start3A_566] : memref<256xi32, #tpu.memory_space<vmem>> -> memref<32xi32, #tpu.memory_space<vmem>>
      %dma_start3A_568 = arith.constant 0 : i32
      %dma_start3A_569 = arith.constant 0 : i32
      %dma_start3A_570 = tpu.memref_slice %arg2[%dma_start3A_568, %dma_start3A_569] : memref<10000x128xf32, #tpu.memory_space<hbm>> -> memref<10000x128xf32, #tpu.memory_space<hbm>>
      tpu.enqueue_indirect_dma source(%dma_start3A_570 : memref<10000x128xf32, #tpu.memory_space<hbm>>) target(%dma_start3A_565 : memref<32x128xf32, #tpu.memory_space<vmem>>) offsets(%dma_start3A_567 : memref<32xi32, #tpu.memory_space<vmem>>) semaphore(%arg13 : memref<!tpu.dma_semaphore, #tpu.memory_space<semaphore_mem>>)
      %dma_wait3A_571 = arith.constant 0 : i32
      %dma_wait3A_572 = arith.constant 0 : i32
      %dma_wait3A_573 = tpu.memref_slice %arg2[%dma_wait3A_571, %dma_wait3A_572] : memref<10000x128xf32, #tpu.memory_space<hbm>> -> memref<128x128xf32, #tpu.memory_space<hbm>>
      %dma_wait3A_574 = arith.constant 0 : i32
      %dma_wait3A_575 = arith.constant 0 : i32
      %dma_wait3A_576 = tpu.memref_slice %arg2[%dma_wait3A_574, %dma_wait3A_575] : memref<10000x128xf32, #tpu.memory_space<hbm>> -> memref<128x128xf32, #tpu.memory_space<hbm>>
      tpu.wait_dma2 semaphore(%arg16 : memref<!tpu.dma_semaphore, #tpu.memory_space<semaphore_mem>>) src(%dma_wait3A_576 : memref<128x128xf32, #tpu.memory_space<hbm>>) dst(%arg11 : memref<128x128xf32, #tpu.memory_space<vmem>>)
      %dma_start3A_577 = arith.constant 0 : i32
      %dma_start3A_578 = arith.constant 0 : i32
      %dma_start3A_579 = tpu.memref_slice %arg11[%dma_start3A_577, %dma_start3A_578] : memref<128x128xf32, #tpu.memory_space<vmem>> -> memref<32x128xf32, #tpu.memory_space<vmem>>
      %dma_start3A_580 = arith.constant 128 : i32
      %dma_start3A_581 = tpu.memref_slice %arg7[%dma_start3A_580] : memref<256xi32, #tpu.memory_space<vmem>> -> memref<32xi32, #tpu.memory_space<vmem>>
      %dma_start3A_582 = arith.constant 0 : i32
      %dma_start3A_583 = arith.constant 0 : i32
      %dma_start3A_584 = tpu.memref_slice %arg2[%dma_start3A_582, %dma_start3A_583] : memref<10000x128xf32, #tpu.memory_space<hbm>> -> memref<10000x128xf32, #tpu.memory_space<hbm>>
      tpu.enqueue_indirect_dma source(%dma_start3A_584 : memref<10000x128xf32, #tpu.memory_space<hbm>>) target(%dma_start3A_579 : memref<32x128xf32, #tpu.memory_space<vmem>>) offsets(%dma_start3A_581 : memref<32xi32, #tpu.memory_space<vmem>>) semaphore(%arg14 : memref<!tpu.dma_semaphore, #tpu.memory_space<semaphore_mem>>)
      %dma_start3A_585 = arith.constant 32 : i32
      %dma_start3A_586 = arith.constant 0 : i32
      %dma_start3A_587 = tpu.memref_slice %arg11[%dma_start3A_585, %dma_start3A_586] : memref<128x128xf32, #tpu.memory_space<vmem>> -> memref<32x128xf32, #tpu.memory_space<vmem>>
      %dma_start3A_588 = arith.constant 160 : i32
      %dma_start3A_589 = tpu.memref_slice %arg7[%dma_start3A_588] : memref<256xi32, #tpu.memory_space<vmem>> -> memref<32xi32, #tpu.memory_space<vmem>>
      %dma_start3A_590 = arith.constant 0 : i32
      %dma_start3A_591 = arith.constant 0 : i32
      %dma_start3A_592 = tpu.memref_slice %arg2[%dma_start3A_590, %dma_start3A_591] : memref<10000x128xf32, #tpu.memory_space<hbm>> -> memref<10000x128xf32, #tpu.memory_space<hbm>>
      tpu.enqueue_indirect_dma source(%dma_start3A_592 : memref<10000x128xf32, #tpu.memory_space<hbm>>) target(%dma_start3A_587 : memref<32x128xf32, #tpu.memory_space<vmem>>) offsets(%dma_start3A_589 : memref<32xi32, #tpu.memory_space<vmem>>) semaphore(%arg14 : memref<!tpu.dma_semaphore, #tpu.memory_space<semaphore_mem>>)
      %dma_start3A_593 = arith.constant 64 : i32
      %dma_start3A_594 = arith.constant 0 : i32
      %dma_start3A_595 = tpu.memref_slice %arg11[%dma_start3A_593, %dma_start3A_594] : memref<128x128xf32, #tpu.memory_space<vmem>> -> memref<32x128xf32, #tpu.memory_space<vmem>>
      %dma_start3A_596 = arith.constant 192 : i32
      %dma_start3A_597 = tpu.memref_slice %arg7[%dma_start3A_596] : memref<256xi32, #tpu.memory_space<vmem>> -> memref<32xi32, #tpu.memory_space<vmem>>
      %dma_start3A_598 = arith.constant 0 : i32
      %dma_start3A_599 = arith.constant 0 : i32
      %dma_start3A_600 = tpu.memref_slice %arg2[%dma_start3A_598, %dma_start3A_599] : memref<10000x128xf32, #tpu.memory_space<hbm>> -> memref<10000x128xf32, #tpu.memory_space<hbm>>
      tpu.enqueue_indirect_dma source(%dma_start3A_600 : memref<10000x128xf32, #tpu.memory_space<hbm>>) target(%dma_start3A_595 : memref<32x128xf32, #tpu.memory_space<vmem>>) offsets(%dma_start3A_597 : memref<32xi32, #tpu.memory_space<vmem>>) semaphore(%arg14 : memref<!tpu.dma_semaphore, #tpu.memory_space<semaphore_mem>>)
      %dma_start3A_601 = arith.constant 96 : i32
      %dma_start3A_602 = arith.constant 0 : i32
      %dma_start3A_603 = tpu.memref_slice %arg11[%dma_start3A_601, %dma_start3A_602] : memref<128x128xf32, #tpu.memory_space<vmem>> -> memref<32x128xf32, #tpu.memory_space<vmem>>
      %dma_start3A_604 = arith.constant 224 : i32
      %dma_start3A_605 = tpu.memref_slice %arg7[%dma_start3A_604] : memref<256xi32, #tpu.memory_space<vmem>> -> memref<32xi32, #tpu.memory_space<vmem>>
      %dma_start3A_606 = arith.constant 0 : i32
      %dma_start3A_607 = arith.constant 0 : i32
      %dma_start3A_608 = tpu.memref_slice %arg2[%dma_start3A_606, %dma_start3A_607] : memref<10000x128xf32, #tpu.memory_space<hbm>> -> memref<10000x128xf32, #tpu.memory_space<hbm>>
      tpu.enqueue_indirect_dma source(%dma_start3A_608 : memref<10000x128xf32, #tpu.memory_space<hbm>>) target(%dma_start3A_603 : memref<32x128xf32, #tpu.memory_space<vmem>>) offsets(%dma_start3A_605 : memref<32xi32, #tpu.memory_space<vmem>>) semaphore(%arg14 : memref<!tpu.dma_semaphore, #tpu.memory_space<semaphore_mem>>)
      %add3A_609 = arith.constant 2 : i32
      %add3A_610 = arith.addi %add3A_498, %add3A_609 : i32
      %mul3A_611 = arith.constant 80 : i32
      %mul3A_612 = arith.muli %add3A, %mul3A_611 : i32
      %mul3A_613 = arith.constant 2 : i32
      %mul3A_614 = arith.muli %add3A_610, %mul3A_613 : i32
      %add3A_615 = arith.addi %mul3A_612, %mul3A_614 : i32
      %mul3A_616 = arith.constant 128 : i32
      %mul3A_617 = arith.muli %add3A_615, %mul3A_616 : i32
      %min3A_618 = arith.constant 327424 : i32
      %min3A_619 = arith.minsi %mul3A_617, %min3A_618 : i32
      %dma_start3A_620 = tpu.memref_slice %arg3[%min3A_619] : memref<327680xi32, #tpu.memory_space<hbm>> -> memref<256xi32, #tpu.memory_space<hbm>>
      %dma_start3A_621 = tpu.memref_slice %arg3[%min3A_619] : memref<327680xi32, #tpu.memory_space<hbm>> -> memref<256xi32, #tpu.memory_space<hbm>>
      tpu.enqueue_dma source(%dma_start3A_621 : memref<256xi32, #tpu.memory_space<hbm>>) target(%arg8 : memref<256xi32, #tpu.memory_space<vmem>>) target_semaphore(%arg18 : memref<!tpu.dma_semaphore, #tpu.memory_space<semaphore_mem>>)
      %scan3A_622 = arith.constant 0 : i32
      scf.yield %scan3A_622 : i32
    }
    %scan3A_104 = arith.constant 19 : i32
    %dma_wait3A = arith.constant 0 : i32
    %dma_wait3A_105 = arith.constant 0 : i32
    %dma_wait3A_106 = tpu.memref_slice %arg2[%dma_wait3A, %dma_wait3A_105] : memref<10000x128xf32, #tpu.memory_space<hbm>> -> memref<128x128xf32, #tpu.memory_space<hbm>>
    %dma_wait3A_107 = arith.constant 0 : i32
    %dma_wait3A_108 = arith.constant 0 : i32
    %dma_wait3A_109 = tpu.memref_slice %arg2[%dma_wait3A_107, %dma_wait3A_108] : memref<10000x128xf32, #tpu.memory_space<hbm>> -> memref<128x128xf32, #tpu.memory_space<hbm>>
    tpu.wait_dma2 semaphore(%arg13 : memref<!tpu.dma_semaphore, #tpu.memory_space<semaphore_mem>>) src(%dma_wait3A_109 : memref<128x128xf32, #tpu.memory_space<hbm>>) dst(%arg10 : memref<128x128xf32, #tpu.memory_space<vmem>>)
    %dma_start3A_110 = arith.constant 76 : i32
    %dma_start3A_111 = arith.constant 0 : i32
    %dma_start3A_112 = tpu.memref_slice %arg9[%dma_start3A_110, %dma_start3A_111] : memref<80x128xi32, #tpu.memory_space<vmem>> -> memref<1x128xi32, #tpu.memory_space<vmem>>
    %dma_start3A_113 = tpu.memref_squeeze %dma_start3A_112 : memref<1x128xi32, #tpu.memory_space<vmem>> -> memref<128xi32, #tpu.memory_space<vmem>>
    %dma_start3A_114 = arith.constant 0 : i32
    %dma_start3A_115 = arith.constant 0 : i32
    %dma_start3A_116 = tpu.memref_slice %arg12[%dma_start3A_114, %dma_start3A_115] : memref<10240x128xf32, #tpu.memory_space<vmem_shared>> -> memref<10240x128xf32, #tpu.memory_space<vmem_shared>>
    tpu.enqueue_indirect_dma source(%arg10 : memref<128x128xf32, #tpu.memory_space<vmem>>) target(%dma_start3A_116 : memref<10240x128xf32, #tpu.memory_space<vmem_shared>>) offsets(%dma_start3A_113 : memref<128xi32, #tpu.memory_space<vmem>>) semaphore(%arg15 : memref<!tpu.dma_semaphore, #tpu.memory_space<semaphore_mem>>) {add = true}
    %dma_wait3A_117 = arith.constant 0 : i32
    %dma_wait3A_118 = arith.constant 0 : i32
    %dma_wait3A_119 = tpu.memref_slice %arg2[%dma_wait3A_117, %dma_wait3A_118] : memref<10000x128xf32, #tpu.memory_space<hbm>> -> memref<128x128xf32, #tpu.memory_space<hbm>>
    %dma_wait3A_120 = arith.constant 0 : i32
    %dma_wait3A_121 = arith.constant 0 : i32
    %dma_wait3A_122 = tpu.memref_slice %arg2[%dma_wait3A_120, %dma_wait3A_121] : memref<10000x128xf32, #tpu.memory_space<hbm>> -> memref<128x128xf32, #tpu.memory_space<hbm>>
    tpu.wait_dma2 semaphore(%arg14 : memref<!tpu.dma_semaphore, #tpu.memory_space<semaphore_mem>>) src(%dma_wait3A_122 : memref<128x128xf32, #tpu.memory_space<hbm>>) dst(%arg11 : memref<128x128xf32, #tpu.memory_space<vmem>>)
    %dma_start3A_123 = arith.constant 77 : i32
    %dma_start3A_124 = arith.constant 0 : i32
    %dma_start3A_125 = tpu.memref_slice %arg9[%dma_start3A_123, %dma_start3A_124] : memref<80x128xi32, #tpu.memory_space<vmem>> -> memref<1x128xi32, #tpu.memory_space<vmem>>
    %dma_start3A_126 = tpu.memref_squeeze %dma_start3A_125 : memref<1x128xi32, #tpu.memory_space<vmem>> -> memref<128xi32, #tpu.memory_space<vmem>>
    %dma_start3A_127 = arith.constant 0 : i32
    %dma_start3A_128 = arith.constant 0 : i32
    %dma_start3A_129 = tpu.memref_slice %arg12[%dma_start3A_127, %dma_start3A_128] : memref<10240x128xf32, #tpu.memory_space<vmem_shared>> -> memref<10240x128xf32, #tpu.memory_space<vmem_shared>>
    tpu.enqueue_indirect_dma source(%arg11 : memref<128x128xf32, #tpu.memory_space<vmem>>) target(%dma_start3A_129 : memref<10240x128xf32, #tpu.memory_space<vmem_shared>>) offsets(%dma_start3A_126 : memref<128xi32, #tpu.memory_space<vmem>>) semaphore(%arg16 : memref<!tpu.dma_semaphore, #tpu.memory_space<semaphore_mem>>) {add = true}
    %dma_wait3A_130 = arith.constant 0 : i32
    %dma_wait3A_131 = tpu.memref_slice %arg3[%dma_wait3A_130] : memref<327680xi32, #tpu.memory_space<hbm>> -> memref<256xi32, #tpu.memory_space<hbm>>
    %dma_wait3A_132 = arith.constant 0 : i32
    %dma_wait3A_133 = tpu.memref_slice %arg3[%dma_wait3A_132] : memref<327680xi32, #tpu.memory_space<hbm>> -> memref<256xi32, #tpu.memory_space<hbm>>
    tpu.wait_dma2 semaphore(%arg18 : memref<!tpu.dma_semaphore, #tpu.memory_space<semaphore_mem>>) src(%dma_wait3A_133 : memref<256xi32, #tpu.memory_space<hbm>>) dst(%arg8 : memref<256xi32, #tpu.memory_space<vmem>>)
    %dma_wait3A_134 = arith.constant 0 : i32
    %dma_wait3A_135 = arith.constant 0 : i32
    %dma_wait3A_136 = tpu.memref_slice %arg2[%dma_wait3A_134, %dma_wait3A_135] : memref<10000x128xf32, #tpu.memory_space<hbm>> -> memref<128x128xf32, #tpu.memory_space<hbm>>
    %dma_wait3A_137 = arith.constant 0 : i32
    %dma_wait3A_138 = arith.constant 0 : i32
    %dma_wait3A_139 = tpu.memref_slice %arg2[%dma_wait3A_137, %dma_wait3A_138] : memref<10000x128xf32, #tpu.memory_space<hbm>> -> memref<128x128xf32, #tpu.memory_space<hbm>>
    tpu.wait_dma2 semaphore(%arg15 : memref<!tpu.dma_semaphore, #tpu.memory_space<semaphore_mem>>) src(%dma_wait3A_139 : memref<128x128xf32, #tpu.memory_space<hbm>>) dst(%arg10 : memref<128x128xf32, #tpu.memory_space<vmem>>)
    %dma_start3A_140 = arith.constant 0 : i32
    %dma_start3A_141 = arith.constant 0 : i32
    %dma_start3A_142 = tpu.memref_slice %arg10[%dma_start3A_140, %dma_start3A_141] : memref<128x128xf32, #tpu.memory_space<vmem>> -> memref<32x128xf32, #tpu.memory_space<vmem>>
    %dma_start3A_143 = arith.constant 0 : i32
    %dma_start3A_144 = tpu.memref_slice %arg8[%dma_start3A_143] : memref<256xi32, #tpu.memory_space<vmem>> -> memref<32xi32, #tpu.memory_space<vmem>>
    %dma_start3A_145 = arith.constant 0 : i32
    %dma_start3A_146 = arith.constant 0 : i32
    %dma_start3A_147 = tpu.memref_slice %arg2[%dma_start3A_145, %dma_start3A_146] : memref<10000x128xf32, #tpu.memory_space<hbm>> -> memref<10000x128xf32, #tpu.memory_space<hbm>>
    tpu.enqueue_indirect_dma source(%dma_start3A_147 : memref<10000x128xf32, #tpu.memory_space<hbm>>) target(%dma_start3A_142 : memref<32x128xf32, #tpu.memory_space<vmem>>) offsets(%dma_start3A_144 : memref<32xi32, #tpu.memory_space<vmem>>) semaphore(%arg13 : memref<!tpu.dma_semaphore, #tpu.memory_space<semaphore_mem>>)
    %dma_start3A_148 = arith.constant 32 : i32
    %dma_start3A_149 = arith.constant 0 : i32
    %dma_start3A_150 = tpu.memref_slice %arg10[%dma_start3A_148, %dma_start3A_149] : memref<128x128xf32, #tpu.memory_space<vmem>> -> memref<32x128xf32, #tpu.memory_space<vmem>>
    %dma_start3A_151 = arith.constant 32 : i32
    %dma_start3A_152 = tpu.memref_slice %arg8[%dma_start3A_151] : memref<256xi32, #tpu.memory_space<vmem>> -> memref<32xi32, #tpu.memory_space<vmem>>
    %dma_start3A_153 = arith.constant 0 : i32
    %dma_start3A_154 = arith.constant 0 : i32
    %dma_start3A_155 = tpu.memref_slice %arg2[%dma_start3A_153, %dma_start3A_154] : memref<10000x128xf32, #tpu.memory_space<hbm>> -> memref<10000x128xf32, #tpu.memory_space<hbm>>
    tpu.enqueue_indirect_dma source(%dma_start3A_155 : memref<10000x128xf32, #tpu.memory_space<hbm>>) target(%dma_start3A_150 : memref<32x128xf32, #tpu.memory_space<vmem>>) offsets(%dma_start3A_152 : memref<32xi32, #tpu.memory_space<vmem>>) semaphore(%arg13 : memref<!tpu.dma_semaphore, #tpu.memory_space<semaphore_mem>>)
    %dma_start3A_156 = arith.constant 64 : i32
    %dma_start3A_157 = arith.constant 0 : i32
    %dma_start3A_158 = tpu.memref_slice %arg10[%dma_start3A_156, %dma_start3A_157] : memref<128x128xf32, #tpu.memory_space<vmem>> -> memref<32x128xf32, #tpu.memory_space<vmem>>
    %dma_start3A_159 = arith.constant 64 : i32
    %dma_start3A_160 = tpu.memref_slice %arg8[%dma_start3A_159] : memref<256xi32, #tpu.memory_space<vmem>> -> memref<32xi32, #tpu.memory_space<vmem>>
    %dma_start3A_161 = arith.constant 0 : i32
    %dma_start3A_162 = arith.constant 0 : i32
    %dma_start3A_163 = tpu.memref_slice %arg2[%dma_start3A_161, %dma_start3A_162] : memref<10000x128xf32, #tpu.memory_space<hbm>> -> memref<10000x128xf32, #tpu.memory_space<hbm>>
    tpu.enqueue_indirect_dma source(%dma_start3A_163 : memref<10000x128xf32, #tpu.memory_space<hbm>>) target(%dma_start3A_158 : memref<32x128xf32, #tpu.memory_space<vmem>>) offsets(%dma_start3A_160 : memref<32xi32, #tpu.memory_space<vmem>>) semaphore(%arg13 : memref<!tpu.dma_semaphore, #tpu.memory_space<semaphore_mem>>)
    %dma_start3A_164 = arith.constant 96 : i32
    %dma_start3A_165 = arith.constant 0 : i32
    %dma_start3A_166 = tpu.memref_slice %arg10[%dma_start3A_164, %dma_start3A_165] : memref<128x128xf32, #tpu.memory_space<vmem>> -> memref<32x128xf32, #tpu.memory_space<vmem>>
    %dma_start3A_167 = arith.constant 96 : i32
    %dma_start3A_168 = tpu.memref_slice %arg8[%dma_start3A_167] : memref<256xi32, #tpu.memory_space<vmem>> -> memref<32xi32, #tpu.memory_space<vmem>>
    %dma_start3A_169 = arith.constant 0 : i32
    %dma_start3A_170 = arith.constant 0 : i32
    %dma_start3A_171 = tpu.memref_slice %arg2[%dma_start3A_169, %dma_start3A_170] : memref<10000x128xf32, #tpu.memory_space<hbm>> -> memref<10000x128xf32, #tpu.memory_space<hbm>>
    tpu.enqueue_indirect_dma source(%dma_start3A_171 : memref<10000x128xf32, #tpu.memory_space<hbm>>) target(%dma_start3A_166 : memref<32x128xf32, #tpu.memory_space<vmem>>) offsets(%dma_start3A_168 : memref<32xi32, #tpu.memory_space<vmem>>) semaphore(%arg13 : memref<!tpu.dma_semaphore, #tpu.memory_space<semaphore_mem>>)
    %dma_wait3A_172 = arith.constant 0 : i32
    %dma_wait3A_173 = arith.constant 0 : i32
    %dma_wait3A_174 = tpu.memref_slice %arg2[%dma_wait3A_172, %dma_wait3A_173] : memref<10000x128xf32, #tpu.memory_space<hbm>> -> memref<128x128xf32, #tpu.memory_space<hbm>>
    %dma_wait3A_175 = arith.constant 0 : i32
    %dma_wait3A_176 = arith.constant 0 : i32
    %dma_wait3A_177 = tpu.memref_slice %arg2[%dma_wait3A_175, %dma_wait3A_176] : memref<10000x128xf32, #tpu.memory_space<hbm>> -> memref<128x128xf32, #tpu.memory_space<hbm>>
    tpu.wait_dma2 semaphore(%arg16 : memref<!tpu.dma_semaphore, #tpu.memory_space<semaphore_mem>>) src(%dma_wait3A_177 : memref<128x128xf32, #tpu.memory_space<hbm>>) dst(%arg11 : memref<128x128xf32, #tpu.memory_space<vmem>>)
    %dma_start3A_178 = arith.constant 0 : i32
    %dma_start3A_179 = arith.constant 0 : i32
    %dma_start3A_180 = tpu.memref_slice %arg11[%dma_start3A_178, %dma_start3A_179] : memref<128x128xf32, #tpu.memory_space<vmem>> -> memref<32x128xf32, #tpu.memory_space<vmem>>
    %dma_start3A_181 = arith.constant 128 : i32
    %dma_start3A_182 = tpu.memref_slice %arg8[%dma_start3A_181] : memref<256xi32, #tpu.memory_space<vmem>> -> memref<32xi32, #tpu.memory_space<vmem>>
    %dma_start3A_183 = arith.constant 0 : i32
    %dma_start3A_184 = arith.constant 0 : i32
    %dma_start3A_185 = tpu.memref_slice %arg2[%dma_start3A_183, %dma_start3A_184] : memref<10000x128xf32, #tpu.memory_space<hbm>> -> memref<10000x128xf32, #tpu.memory_space<hbm>>
    tpu.enqueue_indirect_dma source(%dma_start3A_185 : memref<10000x128xf32, #tpu.memory_space<hbm>>) target(%dma_start3A_180 : memref<32x128xf32, #tpu.memory_space<vmem>>) offsets(%dma_start3A_182 : memref<32xi32, #tpu.memory_space<vmem>>) semaphore(%arg14 : memref<!tpu.dma_semaphore, #tpu.memory_space<semaphore_mem>>)
    %dma_start3A_186 = arith.constant 32 : i32
    %dma_start3A_187 = arith.constant 0 : i32
    %dma_start3A_188 = tpu.memref_slice %arg11[%dma_start3A_186, %dma_start3A_187] : memref<128x128xf32, #tpu.memory_space<vmem>> -> memref<32x128xf32, #tpu.memory_space<vmem>>
    %dma_start3A_189 = arith.constant 160 : i32
    %dma_start3A_190 = tpu.memref_slice %arg8[%dma_start3A_189] : memref<256xi32, #tpu.memory_space<vmem>> -> memref<32xi32, #tpu.memory_space<vmem>>
    %dma_start3A_191 = arith.constant 0 : i32
    %dma_start3A_192 = arith.constant 0 : i32
    %dma_start3A_193 = tpu.memref_slice %arg2[%dma_start3A_191, %dma_start3A_192] : memref<10000x128xf32, #tpu.memory_space<hbm>> -> memref<10000x128xf32, #tpu.memory_space<hbm>>
    tpu.enqueue_indirect_dma source(%dma_start3A_193 : memref<10000x128xf32, #tpu.memory_space<hbm>>) target(%dma_start3A_188 : memref<32x128xf32, #tpu.memory_space<vmem>>) offsets(%dma_start3A_190 : memref<32xi32, #tpu.memory_space<vmem>>) semaphore(%arg14 : memref<!tpu.dma_semaphore, #tpu.memory_space<semaphore_mem>>)
    %dma_start3A_194 = arith.constant 64 : i32
    %dma_start3A_195 = arith.constant 0 : i32
    %dma_start3A_196 = tpu.memref_slice %arg11[%dma_start3A_194, %dma_start3A_195] : memref<128x128xf32, #tpu.memory_space<vmem>> -> memref<32x128xf32, #tpu.memory_space<vmem>>
    %dma_start3A_197 = arith.constant 192 : i32
    %dma_start3A_198 = tpu.memref_slice %arg8[%dma_start3A_197] : memref<256xi32, #tpu.memory_space<vmem>> -> memref<32xi32, #tpu.memory_space<vmem>>
    %dma_start3A_199 = arith.constant 0 : i32
    %dma_start3A_200 = arith.constant 0 : i32
    %dma_start3A_201 = tpu.memref_slice %arg2[%dma_start3A_199, %dma_start3A_200] : memref<10000x128xf32, #tpu.memory_space<hbm>> -> memref<10000x128xf32, #tpu.memory_space<hbm>>
    tpu.enqueue_indirect_dma source(%dma_start3A_201 : memref<10000x128xf32, #tpu.memory_space<hbm>>) target(%dma_start3A_196 : memref<32x128xf32, #tpu.memory_space<vmem>>) offsets(%dma_start3A_198 : memref<32xi32, #tpu.memory_space<vmem>>) semaphore(%arg14 : memref<!tpu.dma_semaphore, #tpu.memory_space<semaphore_mem>>)
    %dma_start3A_202 = arith.constant 96 : i32
    %dma_start3A_203 = arith.constant 0 : i32
    %dma_start3A_204 = tpu.memref_slice %arg11[%dma_start3A_202, %dma_start3A_203] : memref<128x128xf32, #tpu.memory_space<vmem>> -> memref<32x128xf32, #tpu.memory_space<vmem>>
    %dma_start3A_205 = arith.constant 224 : i32
    %dma_start3A_206 = tpu.memref_slice %arg8[%dma_start3A_205] : memref<256xi32, #tpu.memory_space<vmem>> -> memref<32xi32, #tpu.memory_space<vmem>>
    %dma_start3A_207 = arith.constant 0 : i32
    %dma_start3A_208 = arith.constant 0 : i32
    %dma_start3A_209 = tpu.memref_slice %arg2[%dma_start3A_207, %dma_start3A_208] : memref<10000x128xf32, #tpu.memory_space<hbm>> -> memref<10000x128xf32, #tpu.memory_space<hbm>>
    tpu.enqueue_indirect_dma source(%dma_start3A_209 : memref<10000x128xf32, #tpu.memory_space<hbm>>) target(%dma_start3A_204 : memref<32x128xf32, #tpu.memory_space<vmem>>) offsets(%dma_start3A_206 : memref<32xi32, #tpu.memory_space<vmem>>) semaphore(%arg14 : memref<!tpu.dma_semaphore, #tpu.memory_space<semaphore_mem>>)
    %mul3A_210 = arith.constant 80 : i32
    %mul3A_211 = arith.muli %add3A, %mul3A_210 : i32
    %add3A_212 = arith.constant 80 : i32
    %add3A_213 = arith.addi %mul3A_211, %add3A_212 : i32
    %mul3A_214 = arith.constant 128 : i32
    %mul3A_215 = arith.muli %add3A_213, %mul3A_214 : i32
    %min3A_216 = arith.constant 327424 : i32
    %min3A_217 = arith.minsi %mul3A_215, %min3A_216 : i32
    %dma_start3A_218 = tpu.memref_slice %arg3[%min3A_217] : memref<327680xi32, #tpu.memory_space<hbm>> -> memref<256xi32, #tpu.memory_space<hbm>>
    %dma_start3A_219 = tpu.memref_slice %arg3[%min3A_217] : memref<327680xi32, #tpu.memory_space<hbm>> -> memref<256xi32, #tpu.memory_space<hbm>>
    tpu.enqueue_dma source(%dma_start3A_219 : memref<256xi32, #tpu.memory_space<hbm>>) target(%arg7 : memref<256xi32, #tpu.memory_space<vmem>>) target_semaphore(%arg17 : memref<!tpu.dma_semaphore, #tpu.memory_space<semaphore_mem>>)
    %dma_wait3A_220 = arith.constant 0 : i32
    %dma_wait3A_221 = arith.constant 0 : i32
    %dma_wait3A_222 = tpu.memref_slice %arg2[%dma_wait3A_220, %dma_wait3A_221] : memref<10000x128xf32, #tpu.memory_space<hbm>> -> memref<128x128xf32, #tpu.memory_space<hbm>>
    %dma_wait3A_223 = arith.constant 0 : i32
    %dma_wait3A_224 = arith.constant 0 : i32
    %dma_wait3A_225 = tpu.memref_slice %arg2[%dma_wait3A_223, %dma_wait3A_224] : memref<10000x128xf32, #tpu.memory_space<hbm>> -> memref<128x128xf32, #tpu.memory_space<hbm>>
    tpu.wait_dma2 semaphore(%arg13 : memref<!tpu.dma_semaphore, #tpu.memory_space<semaphore_mem>>) src(%dma_wait3A_225 : memref<128x128xf32, #tpu.memory_space<hbm>>) dst(%arg10 : memref<128x128xf32, #tpu.memory_space<vmem>>)
    %dma_start3A_226 = arith.constant 78 : i32
    %dma_start3A_227 = arith.constant 0 : i32
    %dma_start3A_228 = tpu.memref_slice %arg9[%dma_start3A_226, %dma_start3A_227] : memref<80x128xi32, #tpu.memory_space<vmem>> -> memref<1x128xi32, #tpu.memory_space<vmem>>
    %dma_start3A_229 = tpu.memref_squeeze %dma_start3A_228 : memref<1x128xi32, #tpu.memory_space<vmem>> -> memref<128xi32, #tpu.memory_space<vmem>>
    %dma_start3A_230 = arith.constant 0 : i32
    %dma_start3A_231 = arith.constant 0 : i32
    %dma_start3A_232 = tpu.memref_slice %arg12[%dma_start3A_230, %dma_start3A_231] : memref<10240x128xf32, #tpu.memory_space<vmem_shared>> -> memref<10240x128xf32, #tpu.memory_space<vmem_shared>>
    tpu.enqueue_indirect_dma source(%arg10 : memref<128x128xf32, #tpu.memory_space<vmem>>) target(%dma_start3A_232 : memref<10240x128xf32, #tpu.memory_space<vmem_shared>>) offsets(%dma_start3A_229 : memref<128xi32, #tpu.memory_space<vmem>>) semaphore(%arg15 : memref<!tpu.dma_semaphore, #tpu.memory_space<semaphore_mem>>) {add = true}
    %dma_wait3A_233 = arith.constant 0 : i32
    %dma_wait3A_234 = arith.constant 0 : i32
    %dma_wait3A_235 = tpu.memref_slice %arg2[%dma_wait3A_233, %dma_wait3A_234] : memref<10000x128xf32, #tpu.memory_space<hbm>> -> memref<128x128xf32, #tpu.memory_space<hbm>>
    %dma_wait3A_236 = arith.constant 0 : i32
    %dma_wait3A_237 = arith.constant 0 : i32
    %dma_wait3A_238 = tpu.memref_slice %arg2[%dma_wait3A_236, %dma_wait3A_237] : memref<10000x128xf32, #tpu.memory_space<hbm>> -> memref<128x128xf32, #tpu.memory_space<hbm>>
    tpu.wait_dma2 semaphore(%arg14 : memref<!tpu.dma_semaphore, #tpu.memory_space<semaphore_mem>>) src(%dma_wait3A_238 : memref<128x128xf32, #tpu.memory_space<hbm>>) dst(%arg11 : memref<128x128xf32, #tpu.memory_space<vmem>>)
    %dma_start3A_239 = arith.constant 79 : i32
    %dma_start3A_240 = arith.constant 0 : i32
    %dma_start3A_241 = tpu.memref_slice %arg9[%dma_start3A_239, %dma_start3A_240] : memref<80x128xi32, #tpu.memory_space<vmem>> -> memref<1x128xi32, #tpu.memory_space<vmem>>
    %dma_start3A_242 = tpu.memref_squeeze %dma_start3A_241 : memref<1x128xi32, #tpu.memory_space<vmem>> -> memref<128xi32, #tpu.memory_space<vmem>>
    %dma_start3A_243 = arith.constant 0 : i32
    %dma_start3A_244 = arith.constant 0 : i32
    %dma_start3A_245 = tpu.memref_slice %arg12[%dma_start3A_243, %dma_start3A_244] : memref<10240x128xf32, #tpu.memory_space<vmem_shared>> -> memref<10240x128xf32, #tpu.memory_space<vmem_shared>>
    tpu.enqueue_indirect_dma source(%arg11 : memref<128x128xf32, #tpu.memory_space<vmem>>) target(%dma_start3A_245 : memref<10240x128xf32, #tpu.memory_space<vmem_shared>>) offsets(%dma_start3A_242 : memref<128xi32, #tpu.memory_space<vmem>>) semaphore(%arg16 : memref<!tpu.dma_semaphore, #tpu.memory_space<semaphore_mem>>) {add = true}
    %dma_wait3A_246 = arith.constant 0 : i32
    %dma_wait3A_247 = arith.constant 0 : i32
    %dma_wait3A_248 = tpu.memref_slice %arg2[%dma_wait3A_246, %dma_wait3A_247] : memref<10000x128xf32, #tpu.memory_space<hbm>> -> memref<128x128xf32, #tpu.memory_space<hbm>>
    %dma_wait3A_249 = arith.constant 0 : i32
    %dma_wait3A_250 = arith.constant 0 : i32
    %dma_wait3A_251 = tpu.memref_slice %arg2[%dma_wait3A_249, %dma_wait3A_250] : memref<10000x128xf32, #tpu.memory_space<hbm>> -> memref<128x128xf32, #tpu.memory_space<hbm>>
    tpu.wait_dma2 semaphore(%arg15 : memref<!tpu.dma_semaphore, #tpu.memory_space<semaphore_mem>>) src(%dma_wait3A_251 : memref<128x128xf32, #tpu.memory_space<hbm>>) dst(%arg10 : memref<128x128xf32, #tpu.memory_space<vmem>>)
    %dma_wait3A_252 = arith.constant 0 : i32
    %dma_wait3A_253 = arith.constant 0 : i32
    %dma_wait3A_254 = tpu.memref_slice %arg2[%dma_wait3A_252, %dma_wait3A_253] : memref<10000x128xf32, #tpu.memory_space<hbm>> -> memref<128x128xf32, #tpu.memory_space<hbm>>
    %dma_wait3A_255 = arith.constant 0 : i32
    %dma_wait3A_256 = arith.constant 0 : i32
    %dma_wait3A_257 = tpu.memref_slice %arg2[%dma_wait3A_255, %dma_wait3A_256] : memref<10000x128xf32, #tpu.memory_space<hbm>> -> memref<128x128xf32, #tpu.memory_space<hbm>>
    tpu.wait_dma2 semaphore(%arg16 : memref<!tpu.dma_semaphore, #tpu.memory_space<semaphore_mem>>) src(%dma_wait3A_257 : memref<128x128xf32, #tpu.memory_space<hbm>>) dst(%arg11 : memref<128x128xf32, #tpu.memory_space<vmem>>)
    %dma_wait3A_258 = arith.constant 0 : i32
    %dma_wait3A_259 = tpu.memref_slice %arg3[%dma_wait3A_258] : memref<327680xi32, #tpu.memory_space<hbm>> -> memref<256xi32, #tpu.memory_space<hbm>>
    %dma_wait3A_260 = arith.constant 0 : i32
    %dma_wait3A_261 = tpu.memref_slice %arg3[%dma_wait3A_260] : memref<327680xi32, #tpu.memory_space<hbm>> -> memref<256xi32, #tpu.memory_space<hbm>>
    tpu.wait_dma2 semaphore(%arg17 : memref<!tpu.dma_semaphore, #tpu.memory_space<semaphore_mem>>) src(%dma_wait3A_261 : memref<256xi32, #tpu.memory_space<hbm>>) dst(%arg7 : memref<256xi32, #tpu.memory_space<vmem>>)
    %barrier3A_262 = arith.constant 0 : index
    tpu.barrier barrier_id(%barrier3A_262)
    %add3A_263 = arith.constant 0 : i32
    %add3A_264 = arith.addi %mul3A_11, %add3A_263 : i32
    "tpu.region"() ({
      %run_scoped3A = tpu.sem_alloc : memref<!tpu.dma_semaphore, #tpu.memory_space<semaphore_mem>>
      %dma_start3A_368 = arith.constant 0 : i32
      %dma_start3A_369 = tpu.memref_slice %arg12[%add3A_264, %dma_start3A_368] : memref<10240x128xf32, #tpu.memory_space<vmem_shared>> -> memref<128x128xf32, #tpu.memory_space<vmem_shared>>
      %dma_start3A_370 = arith.constant 0 : i32
      %dma_start3A_371 = tpu.memref_slice %arg12[%add3A_264, %dma_start3A_370] : memref<10240x128xf32, #tpu.memory_space<vmem_shared>> -> memref<128x128xf32, #tpu.memory_space<vmem_shared>>
      tpu.enqueue_dma source(%dma_start3A_371 : memref<128x128xf32, #tpu.memory_space<vmem_shared>>) target(%arg10 : memref<128x128xf32, #tpu.memory_space<vmem>>) target_semaphore(%run_scoped3A : memref<!tpu.dma_semaphore, #tpu.memory_space<semaphore_mem>>)
      %dma_wait3A_372 = arith.constant 0 : i32
      %dma_wait3A_373 = tpu.memref_slice %arg12[%add3A_264, %dma_wait3A_372] : memref<10240x128xf32, #tpu.memory_space<vmem_shared>> -> memref<128x128xf32, #tpu.memory_space<vmem_shared>>
      %dma_wait3A_374 = arith.constant 0 : i32
      %dma_wait3A_375 = tpu.memref_slice %arg12[%add3A_264, %dma_wait3A_374] : memref<10240x128xf32, #tpu.memory_space<vmem_shared>> -> memref<128x128xf32, #tpu.memory_space<vmem_shared>>
      tpu.wait_dma2 semaphore(%run_scoped3A : memref<!tpu.dma_semaphore, #tpu.memory_space<semaphore_mem>>) src(%dma_wait3A_375 : memref<128x128xf32, #tpu.memory_space<vmem_shared>>) dst(%arg10 : memref<128x128xf32, #tpu.memory_space<vmem>>)
      tpu.yield
    }) : () -> ()
    "tpu.region"() ({
      %run_scoped3A = tpu.sem_alloc : memref<!tpu.dma_semaphore, #tpu.memory_space<semaphore_mem>>
      %dma_start3A_368 = arith.constant 0 : i32
      %dma_start3A_369 = tpu.memref_slice %arg5[%arg0, %add3A_264, %dma_start3A_368] : memref<2x10240x128xf32, #tpu.memory_space<hbm>> -> memref<1x128x128xf32, #tpu.memory_space<hbm>>
      %dma_start3A_370 = tpu.memref_squeeze %dma_start3A_369 : memref<1x128x128xf32, #tpu.memory_space<hbm>> -> memref<128x128xf32, #tpu.memory_space<hbm>>
      %dma_start3A_371 = arith.constant 0 : i32
      %dma_start3A_372 = tpu.memref_slice %arg5[%arg0, %add3A_264, %dma_start3A_371] : memref<2x10240x128xf32, #tpu.memory_space<hbm>> -> memref<1x128x128xf32, #tpu.memory_space<hbm>>
      %dma_start3A_373 = tpu.memref_squeeze %dma_start3A_372 : memref<1x128x128xf32, #tpu.memory_space<hbm>> -> memref<128x128xf32, #tpu.memory_space<hbm>>
      tpu.enqueue_dma source(%arg10 : memref<128x128xf32, #tpu.memory_space<vmem>>) target(%dma_start3A_373 : memref<128x128xf32, #tpu.memory_space<hbm>>) target_semaphore(%run_scoped3A : memref<!tpu.dma_semaphore, #tpu.memory_space<semaphore_mem>>)
      %dma_wait3A_374 = arith.constant 0 : i32
      %dma_wait3A_375 = tpu.memref_slice %arg5[%arg0, %add3A_264, %dma_wait3A_374] : memref<2x10240x128xf32, #tpu.memory_space<hbm>> -> memref<1x128x128xf32, #tpu.memory_space<hbm>>
      %dma_wait3A_376 = tpu.memref_squeeze %dma_wait3A_375 : memref<1x128x128xf32, #tpu.memory_space<hbm>> -> memref<128x128xf32, #tpu.memory_space<hbm>>
      %dma_wait3A_377 = arith.constant 0 : i32
      %dma_wait3A_378 = tpu.memref_slice %arg5[%arg0, %add3A_264, %dma_wait3A_377] : memref<2x10240x128xf32, #tpu.memory_space<hbm>> -> memref<1x128x128xf32, #tpu.memory_space<hbm>>
      %dma_wait3A_379 = tpu.memref_squeeze %dma_wait3A_378 : memref<1x128x128xf32, #tpu.memory_space<hbm>> -> memref<128x128xf32, #tpu.memory_space<hbm>>
      tpu.wait_dma2 semaphore(%run_scoped3A : memref<!tpu.dma_semaphore, #tpu.memory_space<semaphore_mem>>) src(%arg10 : memref<128x128xf32, #tpu.memory_space<vmem>>) dst(%dma_wait3A_379 : memref<128x128xf32, #tpu.memory_space<hbm>>)
      tpu.yield
    }) : () -> ()
    %add3A_265 = arith.constant 128 : i32
    %add3A_266 = arith.addi %mul3A_11, %add3A_265 : i32
    "tpu.region"() ({
      %run_scoped3A = tpu.sem_alloc : memref<!tpu.dma_semaphore, #tpu.memory_space<semaphore_mem>>
      %dma_start3A_368 = arith.constant 0 : i32
      %dma_start3A_369 = tpu.memref_slice %arg12[%add3A_266, %dma_start3A_368] : memref<10240x128xf32, #tpu.memory_space<vmem_shared>> -> memref<128x128xf32, #tpu.memory_space<vmem_shared>>
      %dma_start3A_370 = arith.constant 0 : i32
      %dma_start3A_371 = tpu.memref_slice %arg12[%add3A_266, %dma_start3A_370] : memref<10240x128xf32, #tpu.memory_space<vmem_shared>> -> memref<128x128xf32, #tpu.memory_space<vmem_shared>>
      tpu.enqueue_dma source(%dma_start3A_371 : memref<128x128xf32, #tpu.memory_space<vmem_shared>>) target(%arg10 : memref<128x128xf32, #tpu.memory_space<vmem>>) target_semaphore(%run_scoped3A : memref<!tpu.dma_semaphore, #tpu.memory_space<semaphore_mem>>)
      %dma_wait3A_372 = arith.constant 0 : i32
      %dma_wait3A_373 = tpu.memref_slice %arg12[%add3A_266, %dma_wait3A_372] : memref<10240x128xf32, #tpu.memory_space<vmem_shared>> -> memref<128x128xf32, #tpu.memory_space<vmem_shared>>
      %dma_wait3A_374 = arith.constant 0 : i32
      %dma_wait3A_375 = tpu.memref_slice %arg12[%add3A_266, %dma_wait3A_374] : memref<10240x128xf32, #tpu.memory_space<vmem_shared>> -> memref<128x128xf32, #tpu.memory_space<vmem_shared>>
      tpu.wait_dma2 semaphore(%run_scoped3A : memref<!tpu.dma_semaphore, #tpu.memory_space<semaphore_mem>>) src(%dma_wait3A_375 : memref<128x128xf32, #tpu.memory_space<vmem_shared>>) dst(%arg10 : memref<128x128xf32, #tpu.memory_space<vmem>>)
      tpu.yield
    }) : () -> ()
    "tpu.region"() ({
      %run_scoped3A = tpu.sem_alloc : memref<!tpu.dma_semaphore, #tpu.memory_space<semaphore_mem>>
      %dma_start3A_368 = arith.constant 0 : i32
      %dma_start3A_369 = tpu.memref_slice %arg5[%arg0, %add3A_266, %dma_start3A_368] : memref<2x10240x128xf32, #tpu.memory_space<hbm>> -> memref<1x128x128xf32, #tpu.memory_space<hbm>>
      %dma_start3A_370 = tpu.memref_squeeze %dma_start3A_369 : memref<1x128x128xf32, #tpu.memory_space<hbm>> -> memref<128x128xf32, #tpu.memory_space<hbm>>
      %dma_start3A_371 = arith.constant 0 : i32
      %dma_start3A_372 = tpu.memref_slice %arg5[%arg0, %add3A_266, %dma_start3A_371] : memref<2x10240x128xf32, #tpu.memory_space<hbm>> -> memref<1x128x128xf32, #tpu.memory_space<hbm>>
      %dma_start3A_373 = tpu.memref_squeeze %dma_start3A_372 : memref<1x128x128xf32, #tpu.memory_space<hbm>> -> memref<128x128xf32, #tpu.memory_space<hbm>>
      tpu.enqueue_dma source(%arg10 : memref<128x128xf32, #tpu.memory_space<vmem>>) target(%dma_start3A_373 : memref<128x128xf32, #tpu.memory_space<hbm>>) target_semaphore(%run_scoped3A : memref<!tpu.dma_semaphore, #tpu.memory_space<semaphore_mem>>)
      %dma_wait3A_374 = arith.constant 0 : i32
      %dma_wait3A_375 = tpu.memref_slice %arg5[%arg0, %add3A_266, %dma_wait3A_374] : memref<2x10240x128xf32, #tpu.memory_space<hbm>> -> memref<1x128x128xf32, #tpu.memory_space<hbm>>
      %dma_wait3A_376 = tpu.memref_squeeze %dma_wait3A_375 : memref<1x128x128xf32, #tpu.memory_space<hbm>> -> memref<128x128xf32, #tpu.memory_space<hbm>>
      %dma_wait3A_377 = arith.constant 0 : i32
      %dma_wait3A_378 = tpu.memref_slice %arg5[%arg0, %add3A_266, %dma_wait3A_377] : memref<2x10240x128xf32, #tpu.memory_space<hbm>> -> memref<1x128x128xf32, #tpu.memory_space<hbm>>
      %dma_wait3A_379 = tpu.memref_squeeze %dma_wait3A_378 : memref<1x128x128xf32, #tpu.memory_space<hbm>> -> memref<128x128xf32, #tpu.memory_space<hbm>>
      tpu.wait_dma2 semaphore(%run_scoped3A : memref<!tpu.dma_semaphore, #tpu.memory_space<semaphore_mem>>) src(%arg10 : memref<128x128xf32, #tpu.memory_space<vmem>>) dst(%dma_wait3A_379 : memref<128x128xf32, #tpu.memory_space<hbm>>)
      tpu.yield
    }) : () -> ()
    %add3A_267 = arith.constant 256 : i32
    %add3A_268 = arith.addi %mul3A_11, %add3A_267 : i32
    "tpu.region"() ({
      %run_scoped3A = tpu.sem_alloc : memref<!tpu.dma_semaphore, #tpu.memory_space<semaphore_mem>>
      %dma_start3A_368 = arith.constant 0 : i32
      %dma_start3A_369 = tpu.memref_slice %arg12[%add3A_268, %dma_start3A_368] : memref<10240x128xf32, #tpu.memory_space<vmem_shared>> -> memref<128x128xf32, #tpu.memory_space<vmem_shared>>
      %dma_start3A_370 = arith.constant 0 : i32
      %dma_start3A_371 = tpu.memref_slice %arg12[%add3A_268, %dma_start3A_370] : memref<10240x128xf32, #tpu.memory_space<vmem_shared>> -> memref<128x128xf32, #tpu.memory_space<vmem_shared>>
      tpu.enqueue_dma source(%dma_start3A_371 : memref<128x128xf32, #tpu.memory_space<vmem_shared>>) target(%arg10 : memref<128x128xf32, #tpu.memory_space<vmem>>) target_semaphore(%run_scoped3A : memref<!tpu.dma_semaphore, #tpu.memory_space<semaphore_mem>>)
      %dma_wait3A_372 = arith.constant 0 : i32
      %dma_wait3A_373 = tpu.memref_slice %arg12[%add3A_268, %dma_wait3A_372] : memref<10240x128xf32, #tpu.memory_space<vmem_shared>> -> memref<128x128xf32, #tpu.memory_space<vmem_shared>>
      %dma_wait3A_374 = arith.constant 0 : i32
      %dma_wait3A_375 = tpu.memref_slice %arg12[%add3A_268, %dma_wait3A_374] : memref<10240x128xf32, #tpu.memory_space<vmem_shared>> -> memref<128x128xf32, #tpu.memory_space<vmem_shared>>
      tpu.wait_dma2 semaphore(%run_scoped3A : memref<!tpu.dma_semaphore, #tpu.memory_space<semaphore_mem>>) src(%dma_wait3A_375 : memref<128x128xf32, #tpu.memory_space<vmem_shared>>) dst(%arg10 : memref<128x128xf32, #tpu.memory_space<vmem>>)
      tpu.yield
    }) : () -> ()
    "tpu.region"() ({
      %run_scoped3A = tpu.sem_alloc : memref<!tpu.dma_semaphore, #tpu.memory_space<semaphore_mem>>
      %dma_start3A_368 = arith.constant 0 : i32
      %dma_start3A_369 = tpu.memref_slice %arg5[%arg0, %add3A_268, %dma_start3A_368] : memref<2x10240x128xf32, #tpu.memory_space<hbm>> -> memref<1x128x128xf32, #tpu.memory_space<hbm>>
      %dma_start3A_370 = tpu.memref_squeeze %dma_start3A_369 : memref<1x128x128xf32, #tpu.memory_space<hbm>> -> memref<128x128xf32, #tpu.memory_space<hbm>>
      %dma_start3A_371 = arith.constant 0 : i32
      %dma_start3A_372 = tpu.memref_slice %arg5[%arg0, %add3A_268, %dma_start3A_371] : memref<2x10240x128xf32, #tpu.memory_space<hbm>> -> memref<1x128x128xf32, #tpu.memory_space<hbm>>
      %dma_start3A_373 = tpu.memref_squeeze %dma_start3A_372 : memref<1x128x128xf32, #tpu.memory_space<hbm>> -> memref<128x128xf32, #tpu.memory_space<hbm>>
      tpu.enqueue_dma source(%arg10 : memref<128x128xf32, #tpu.memory_space<vmem>>) target(%dma_start3A_373 : memref<128x128xf32, #tpu.memory_space<hbm>>) target_semaphore(%run_scoped3A : memref<!tpu.dma_semaphore, #tpu.memory_space<semaphore_mem>>)
      %dma_wait3A_374 = arith.constant 0 : i32
      %dma_wait3A_375 = tpu.memref_slice %arg5[%arg0, %add3A_268, %dma_wait3A_374] : memref<2x10240x128xf32, #tpu.memory_space<hbm>> -> memref<1x128x128xf32, #tpu.memory_space<hbm>>
      %dma_wait3A_376 = tpu.memref_squeeze %dma_wait3A_375 : memref<1x128x128xf32, #tpu.memory_space<hbm>> -> memref<128x128xf32, #tpu.memory_space<hbm>>
      %dma_wait3A_377 = arith.constant 0 : i32
      %dma_wait3A_378 = tpu.memref_slice %arg5[%arg0, %add3A_268, %dma_wait3A_377] : memref<2x10240x128xf32, #tpu.memory_space<hbm>> -> memref<1x128x128xf32, #tpu.memory_space<hbm>>
      %dma_wait3A_379 = tpu.memref_squeeze %dma_wait3A_378 : memref<1x128x128xf32, #tpu.memory_space<hbm>> -> memref<128x128xf32, #tpu.memory_space<hbm>>
      tpu.wait_dma2 semaphore(%run_scoped3A : memref<!tpu.dma_semaphore, #tpu.memory_space<semaphore_mem>>) src(%arg10 : memref<128x128xf32, #tpu.memory_space<vmem>>) dst(%dma_wait3A_379 : memref<128x128xf32, #tpu.memory_space<hbm>>)
      tpu.yield
    }) : () -> ()
    %add3A_269 = arith.constant 384 : i32
    %add3A_270 = arith.addi %mul3A_11, %add3A_269 : i32
    "tpu.region"() ({
      %run_scoped3A = tpu.sem_alloc : memref<!tpu.dma_semaphore, #tpu.memory_space<semaphore_mem>>
      %dma_start3A_368 = arith.constant 0 : i32
      %dma_start3A_369 = tpu.memref_slice %arg12[%add3A_270, %dma_start3A_368] : memref<10240x128xf32, #tpu.memory_space<vmem_shared>> -> memref<128x128xf32, #tpu.memory_space<vmem_shared>>
      %dma_start3A_370 = arith.constant 0 : i32
      %dma_start3A_371 = tpu.memref_slice %arg12[%add3A_270, %dma_start3A_370] : memref<10240x128xf32, #tpu.memory_space<vmem_shared>> -> memref<128x128xf32, #tpu.memory_space<vmem_shared>>
      tpu.enqueue_dma source(%dma_start3A_371 : memref<128x128xf32, #tpu.memory_space<vmem_shared>>) target(%arg10 : memref<128x128xf32, #tpu.memory_space<vmem>>) target_semaphore(%run_scoped3A : memref<!tpu.dma_semaphore, #tpu.memory_space<semaphore_mem>>)
      %dma_wait3A_372 = arith.constant 0 : i32
      %dma_wait3A_373 = tpu.memref_slice %arg12[%add3A_270, %dma_wait3A_372] : memref<10240x128xf32, #tpu.memory_space<vmem_shared>> -> memref<128x128xf32, #tpu.memory_space<vmem_shared>>
      %dma_wait3A_374 = arith.constant 0 : i32
      %dma_wait3A_375 = tpu.memref_slice %arg12[%add3A_270, %dma_wait3A_374] : memref<10240x128xf32, #tpu.memory_space<vmem_shared>> -> memref<128x128xf32, #tpu.memory_space<vmem_shared>>
      tpu.wait_dma2 semaphore(%run_scoped3A : memref<!tpu.dma_semaphore, #tpu.memory_space<semaphore_mem>>) src(%dma_wait3A_375 : memref<128x128xf32, #tpu.memory_space<vmem_shared>>) dst(%arg10 : memref<128x128xf32, #tpu.memory_space<vmem>>)
      tpu.yield
    }) : () -> ()
    "tpu.region"() ({
      %run_scoped3A = tpu.sem_alloc : memref<!tpu.dma_semaphore, #tpu.memory_space<semaphore_mem>>
      %dma_start3A_368 = arith.constant 0 : i32
      %dma_start3A_369 = tpu.memref_slice %arg5[%arg0, %add3A_270, %dma_start3A_368] : memref<2x10240x128xf32, #tpu.memory_space<hbm>> -> memref<1x128x128xf32, #tpu.memory_space<hbm>>
      %dma_start3A_370 = tpu.memref_squeeze %dma_start3A_369 : memref<1x128x128xf32, #tpu.memory_space<hbm>> -> memref<128x128xf32, #tpu.memory_space<hbm>>
      %dma_start3A_371 = arith.constant 0 : i32
      %dma_start3A_372 = tpu.memref_slice %arg5[%arg0, %add3A_270, %dma_start3A_371] : memref<2x10240x128xf32, #tpu.memory_space<hbm>> -> memref<1x128x128xf32, #tpu.memory_space<hbm>>
      %dma_start3A_373 = tpu.memref_squeeze %dma_start3A_372 : memref<1x128x128xf32, #tpu.memory_space<hbm>> -> memref<128x128xf32, #tpu.memory_space<hbm>>
      tpu.enqueue_dma source(%arg10 : memref<128x128xf32, #tpu.memory_space<vmem>>) target(%dma_start3A_373 : memref<128x128xf32, #tpu.memory_space<hbm>>) target_semaphore(%run_scoped3A : memref<!tpu.dma_semaphore, #tpu.memory_space<semaphore_mem>>)
      %dma_wait3A_374 = arith.constant 0 : i32
      %dma_wait3A_375 = tpu.memref_slice %arg5[%arg0, %add3A_270, %dma_wait3A_374] : memref<2x10240x128xf32, #tpu.memory_space<hbm>> -> memref<1x128x128xf32, #tpu.memory_space<hbm>>
      %dma_wait3A_376 = tpu.memref_squeeze %dma_wait3A_375 : memref<1x128x128xf32, #tpu.memory_space<hbm>> -> memref<128x128xf32, #tpu.memory_space<hbm>>
      %dma_wait3A_377 = arith.constant 0 : i32
      %dma_wait3A_378 = tpu.memref_slice %arg5[%arg0, %add3A_270, %dma_wait3A_377] : memref<2x10240x128xf32, #tpu.memory_space<hbm>> -> memref<1x128x128xf32, #tpu.memory_space<hbm>>
      %dma_wait3A_379 = tpu.memref_squeeze %dma_wait3A_378 : memref<1x128x128xf32, #tpu.memory_space<hbm>> -> memref<128x128xf32, #tpu.memory_space<hbm>>
      tpu.wait_dma2 semaphore(%run_scoped3A : memref<!tpu.dma_semaphore, #tpu.memory_space<semaphore_mem>>) src(%arg10 : memref<128x128xf32, #tpu.memory_space<vmem>>) dst(%dma_wait3A_379 : memref<128x128xf32, #tpu.memory_space<hbm>>)
      tpu.yield
    }) : () -> ()
    %add3A_271 = arith.constant 512 : i32
    %add3A_272 = arith.addi %mul3A_11, %add3A_271 : i32
    "tpu.region"() ({
      %run_scoped3A = tpu.sem_alloc : memref<!tpu.dma_semaphore, #tpu.memory_space<semaphore_mem>>
      %dma_start3A_368 = arith.constant 0 : i32
      %dma_start3A_369 = tpu.memref_slice %arg12[%add3A_272, %dma_start3A_368] : memref<10240x128xf32, #tpu.memory_space<vmem_shared>> -> memref<128x128xf32, #tpu.memory_space<vmem_shared>>
      %dma_start3A_370 = arith.constant 0 : i32
      %dma_start3A_371 = tpu.memref_slice %arg12[%add3A_272, %dma_start3A_370] : memref<10240x128xf32, #tpu.memory_space<vmem_shared>> -> memref<128x128xf32, #tpu.memory_space<vmem_shared>>
      tpu.enqueue_dma source(%dma_start3A_371 : memref<128x128xf32, #tpu.memory_space<vmem_shared>>) target(%arg10 : memref<128x128xf32, #tpu.memory_space<vmem>>) target_semaphore(%run_scoped3A : memref<!tpu.dma_semaphore, #tpu.memory_space<semaphore_mem>>)
      %dma_wait3A_372 = arith.constant 0 : i32
      %dma_wait3A_373 = tpu.memref_slice %arg12[%add3A_272, %dma_wait3A_372] : memref<10240x128xf32, #tpu.memory_space<vmem_shared>> -> memref<128x128xf32, #tpu.memory_space<vmem_shared>>
      %dma_wait3A_374 = arith.constant 0 : i32
      %dma_wait3A_375 = tpu.memref_slice %arg12[%add3A_272, %dma_wait3A_374] : memref<10240x128xf32, #tpu.memory_space<vmem_shared>> -> memref<128x128xf32, #tpu.memory_space<vmem_shared>>
      tpu.wait_dma2 semaphore(%run_scoped3A : memref<!tpu.dma_semaphore, #tpu.memory_space<semaphore_mem>>) src(%dma_wait3A_375 : memref<128x128xf32, #tpu.memory_space<vmem_shared>>) dst(%arg10 : memref<128x128xf32, #tpu.memory_space<vmem>>)
      tpu.yield
    }) : () -> ()
    "tpu.region"() ({
      %run_scoped3A = tpu.sem_alloc : memref<!tpu.dma_semaphore, #tpu.memory_space<semaphore_mem>>
      %dma_start3A_368 = arith.constant 0 : i32
      %dma_start3A_369 = tpu.memref_slice %arg5[%arg0, %add3A_272, %dma_start3A_368] : memref<2x10240x128xf32, #tpu.memory_space<hbm>> -> memref<1x128x128xf32, #tpu.memory_space<hbm>>
      %dma_start3A_370 = tpu.memref_squeeze %dma_start3A_369 : memref<1x128x128xf32, #tpu.memory_space<hbm>> -> memref<128x128xf32, #tpu.memory_space<hbm>>
      %dma_start3A_371 = arith.constant 0 : i32
      %dma_start3A_372 = tpu.memref_slice %arg5[%arg0, %add3A_272, %dma_start3A_371] : memref<2x10240x128xf32, #tpu.memory_space<hbm>> -> memref<1x128x128xf32, #tpu.memory_space<hbm>>
      %dma_start3A_373 = tpu.memref_squeeze %dma_start3A_372 : memref<1x128x128xf32, #tpu.memory_space<hbm>> -> memref<128x128xf32, #tpu.memory_space<hbm>>
      tpu.enqueue_dma source(%arg10 : memref<128x128xf32, #tpu.memory_space<vmem>>) target(%dma_start3A_373 : memref<128x128xf32, #tpu.memory_space<hbm>>) target_semaphore(%run_scoped3A : memref<!tpu.dma_semaphore, #tpu.memory_space<semaphore_mem>>)
      %dma_wait3A_374 = arith.constant 0 : i32
      %dma_wait3A_375 = tpu.memref_slice %arg5[%arg0, %add3A_272, %dma_wait3A_374] : memref<2x10240x128xf32, #tpu.memory_space<hbm>> -> memref<1x128x128xf32, #tpu.memory_space<hbm>>
      %dma_wait3A_376 = tpu.memref_squeeze %dma_wait3A_375 : memref<1x128x128xf32, #tpu.memory_space<hbm>> -> memref<128x128xf32, #tpu.memory_space<hbm>>
      %dma_wait3A_377 = arith.constant 0 : i32
      %dma_wait3A_378 = tpu.memref_slice %arg5[%arg0, %add3A_272, %dma_wait3A_377] : memref<2x10240x128xf32, #tpu.memory_space<hbm>> -> memref<1x128x128xf32, #tpu.memory_space<hbm>>
      %dma_wait3A_379 = tpu.memref_squeeze %dma_wait3A_378 : memref<1x128x128xf32, #tpu.memory_space<hbm>> -> memref<128x128xf32, #tpu.memory_space<hbm>>
      tpu.wait_dma2 semaphore(%run_scoped3A : memref<!tpu.dma_semaphore, #tpu.memory_space<semaphore_mem>>) src(%arg10 : memref<128x128xf32, #tpu.memory_space<vmem>>) dst(%dma_wait3A_379 : memref<128x128xf32, #tpu.memory_space<hbm>>)
      tpu.yield
    }) : () -> ()
    %scan3A_273 = arith.constant 0 : i32
    %scan3A_274 = arith.constant 0 : i32
    %scan3A_275 = arith.constant 128 : i32
    %scan3A_276 = arith.addi %scan3A_274, %scan3A_275 : i32
    %scan3A_277 = arith.constant 1 : i32
    %scan3A_278 = scf.for %scan3A_368 = %scan3A_274 to %scan3A_276 step %scan3A_277 iter_args(%scan3A_369 = %scan3A_273) -> (i32)  : i32 {
      %scan3A_370 = arith.constant 0 : i32
      %scan3A_371 = arith.constant 0 : i32
      %scan3A_372 = arith.constant 8 : i32
      %scan3A_373 = arith.addi %scan3A_371, %scan3A_372 : i32
      %scan3A_374 = arith.constant 1 : i32
      %scan3A_375 = scf.for %scan3A_378 = %scan3A_371 to %scan3A_373 step %scan3A_374 iter_args(%scan3A_379 = %scan3A_370) -> (i32)  : i32 {
        %mul3A_380 = arith.constant 16 : i32
        %mul3A_381 = arith.muli %scan3A_378, %mul3A_380 : i32
        %swap3A = arith.index_cast %scan3A_368 : i32 to index
        %swap3A_382 = arith.index_cast %mul3A_381 : i32 to index
        %swap3A_383 = tpu.vector_load %arg10[%swap3A, %swap3A_382] {strides = array<i32>} : memref<128x128xf32, #tpu.memory_space<vmem>>, vector<1x16xf32>,
        %swap3A_384 = vector.shape_cast %swap3A_383 : vector<1x16xf32> to vector<16xf32>
        %swap3A_385 = vector.shape_cast %broadcast_in_dim3A_1 : vector<16xf32> to vector<1x16xf32>
        tpu.vector_store %arg10[%swap3A, %swap3A_382], %swap3A_385 {strides = array<i32>} : memref<128x128xf32, #tpu.memory_space<vmem>>, vector<1x16xf32>,
        %scan3A_386 = arith.constant 0 : i32
        scf.yield %scan3A_386 : i32
      }
      %scan3A_376 = arith.constant 8 : i32
      %scan3A_377 = arith.constant 0 : i32
      scf.yield %scan3A_377 : i32
    }
    %scan3A_279 = arith.constant 128 : i32
    %add3A_280 = arith.constant 0 : i32
    %add3A_281 = arith.addi %mul3A_11, %add3A_280 : i32
    "tpu.region"() ({
      %run_scoped3A = tpu.sem_alloc : memref<!tpu.dma_semaphore, #tpu.memory_space<semaphore_mem>>
      %dma_start3A_368 = arith.constant 0 : i32
      %dma_start3A_369 = tpu.memref_slice %arg12[%add3A_281, %dma_start3A_368] : memref<10240x128xf32, #tpu.memory_space<vmem_shared>> -> memref<128x128xf32, #tpu.memory_space<vmem_shared>>
      %dma_start3A_370 = arith.constant 0 : i32
      %dma_start3A_371 = tpu.memref_slice %arg12[%add3A_281, %dma_start3A_370] : memref<10240x128xf32, #tpu.memory_space<vmem_shared>> -> memref<128x128xf32, #tpu.memory_space<vmem_shared>>
      tpu.enqueue_dma source(%arg10 : memref<128x128xf32, #tpu.memory_space<vmem>>) target(%dma_start3A_371 : memref<128x128xf32, #tpu.memory_space<vmem_shared>>) target_semaphore(%run_scoped3A : memref<!tpu.dma_semaphore, #tpu.memory_space<semaphore_mem>>)
      %dma_wait3A_372 = arith.constant 0 : i32
      %dma_wait3A_373 = tpu.memref_slice %arg12[%add3A_281, %dma_wait3A_372] : memref<10240x128xf32, #tpu.memory_space<vmem_shared>> -> memref<128x128xf32, #tpu.memory_space<vmem_shared>>
      %dma_wait3A_374 = arith.constant 0 : i32
      %dma_wait3A_375 = tpu.memref_slice %arg12[%add3A_281, %dma_wait3A_374] : memref<10240x128xf32, #tpu.memory_space<vmem_shared>> -> memref<128x128xf32, #tpu.memory_space<vmem_shared>>
      tpu.wait_dma2 semaphore(%run_scoped3A : memref<!tpu.dma_semaphore, #tpu.memory_space<semaphore_mem>>) src(%arg10 : memref<128x128xf32, #tpu.memory_space<vmem>>) dst(%dma_wait3A_375 : memref<128x128xf32, #tpu.memory_space<vmem_shared>>)
      tpu.yield
    }) : () -> ()
    %add3A_282 = arith.constant 128 : i32
    %add3A_283 = arith.addi %mul3A_11, %add3A_282 : i32
    "tpu.region"() ({
      %run_scoped3A = tpu.sem_alloc : memref<!tpu.dma_semaphore, #tpu.memory_space<semaphore_mem>>
      %dma_start3A_368 = arith.constant 0 : i32
      %dma_start3A_369 = tpu.memref_slice %arg12[%add3A_283, %dma_start3A_368] : memref<10240x128xf32, #tpu.memory_space<vmem_shared>> -> memref<128x128xf32, #tpu.memory_space<vmem_shared>>
      %dma_start3A_370 = arith.constant 0 : i32
      %dma_start3A_371 = tpu.memref_slice %arg12[%add3A_283, %dma_start3A_370] : memref<10240x128xf32, #tpu.memory_space<vmem_shared>> -> memref<128x128xf32, #tpu.memory_space<vmem_shared>>
      tpu.enqueue_dma source(%arg10 : memref<128x128xf32, #tpu.memory_space<vmem>>) target(%dma_start3A_371 : memref<128x128xf32, #tpu.memory_space<vmem_shared>>) target_semaphore(%run_scoped3A : memref<!tpu.dma_semaphore, #tpu.memory_space<semaphore_mem>>)
      %dma_wait3A_372 = arith.constant 0 : i32
      %dma_wait3A_373 = tpu.memref_slice %arg12[%add3A_283, %dma_wait3A_372] : memref<10240x128xf32, #tpu.memory_space<vmem_shared>> -> memref<128x128xf32, #tpu.memory_space<vmem_shared>>
      %dma_wait3A_374 = arith.constant 0 : i32
      %dma_wait3A_375 = tpu.memref_slice %arg12[%add3A_283, %dma_wait3A_374] : memref<10240x128xf32, #tpu.memory_space<vmem_shared>> -> memref<128x128xf32, #tpu.memory_space<vmem_shared>>
      tpu.wait_dma2 semaphore(%run_scoped3A : memref<!tpu.dma_semaphore, #tpu.memory_space<semaphore_mem>>) src(%arg10 : memref<128x128xf32, #tpu.memory_space<vmem>>) dst(%dma_wait3A_375 : memref<128x128xf32, #tpu.memory_space<vmem_shared>>)
      tpu.yield
    }) : () -> ()
    %add3A_284 = arith.constant 256 : i32
    %add3A_285 = arith.addi %mul3A_11, %add3A_284 : i32
    "tpu.region"() ({
      %run_scoped3A = tpu.sem_alloc : memref<!tpu.dma_semaphore, #tpu.memory_space<semaphore_mem>>
      %dma_start3A_368 = arith.constant 0 : i32
      %dma_start3A_369 = tpu.memref_slice %arg12[%add3A_285, %dma_start3A_368] : memref<10240x128xf32, #tpu.memory_space<vmem_shared>> -> memref<128x128xf32, #tpu.memory_space<vmem_shared>>
      %dma_start3A_370 = arith.constant 0 : i32
      %dma_start3A_371 = tpu.memref_slice %arg12[%add3A_285, %dma_start3A_370] : memref<10240x128xf32, #tpu.memory_space<vmem_shared>> -> memref<128x128xf32, #tpu.memory_space<vmem_shared>>
      tpu.enqueue_dma source(%arg10 : memref<128x128xf32, #tpu.memory_space<vmem>>) target(%dma_start3A_371 : memref<128x128xf32, #tpu.memory_space<vmem_shared>>) target_semaphore(%run_scoped3A : memref<!tpu.dma_semaphore, #tpu.memory_space<semaphore_mem>>)
      %dma_wait3A_372 = arith.constant 0 : i32
      %dma_wait3A_373 = tpu.memref_slice %arg12[%add3A_285, %dma_wait3A_372] : memref<10240x128xf32, #tpu.memory_space<vmem_shared>> -> memref<128x128xf32, #tpu.memory_space<vmem_shared>>
      %dma_wait3A_374 = arith.constant 0 : i32
      %dma_wait3A_375 = tpu.memref_slice %arg12[%add3A_285, %dma_wait3A_374] : memref<10240x128xf32, #tpu.memory_space<vmem_shared>> -> memref<128x128xf32, #tpu.memory_space<vmem_shared>>
      tpu.wait_dma2 semaphore(%run_scoped3A : memref<!tpu.dma_semaphore, #tpu.memory_space<semaphore_mem>>) src(%arg10 : memref<128x128xf32, #tpu.memory_space<vmem>>) dst(%dma_wait3A_375 : memref<128x128xf32, #tpu.memory_space<vmem_shared>>)
      tpu.yield
    }) : () -> ()
    %add3A_286 = arith.constant 384 : i32
    %add3A_287 = arith.addi %mul3A_11, %add3A_286 : i32
    "tpu.region"() ({
      %run_scoped3A = tpu.sem_alloc : memref<!tpu.dma_semaphore, #tpu.memory_space<semaphore_mem>>
      %dma_start3A_368 = arith.constant 0 : i32
      %dma_start3A_369 = tpu.memref_slice %arg12[%add3A_287, %dma_start3A_368] : memref<10240x128xf32, #tpu.memory_space<vmem_shared>> -> memref<128x128xf32, #tpu.memory_space<vmem_shared>>
      %dma_start3A_370 = arith.constant 0 : i32
      %dma_start3A_371 = tpu.memref_slice %arg12[%add3A_287, %dma_start3A_370] : memref<10240x128xf32, #tpu.memory_space<vmem_shared>> -> memref<128x128xf32, #tpu.memory_space<vmem_shared>>
      tpu.enqueue_dma source(%arg10 : memref<128x128xf32, #tpu.memory_space<vmem>>) target(%dma_start3A_371 : memref<128x128xf32, #tpu.memory_space<vmem_shared>>) target_semaphore(%run_scoped3A : memref<!tpu.dma_semaphore, #tpu.memory_space<semaphore_mem>>)
      %dma_wait3A_372 = arith.constant 0 : i32
      %dma_wait3A_373 = tpu.memref_slice %arg12[%add3A_287, %dma_wait3A_372] : memref<10240x128xf32, #tpu.memory_space<vmem_shared>> -> memref<128x128xf32, #tpu.memory_space<vmem_shared>>
      %dma_wait3A_374 = arith.constant 0 : i32
      %dma_wait3A_375 = tpu.memref_slice %arg12[%add3A_287, %dma_wait3A_374] : memref<10240x128xf32, #tpu.memory_space<vmem_shared>> -> memref<128x128xf32, #tpu.memory_space<vmem_shared>>
      tpu.wait_dma2 semaphore(%run_scoped3A : memref<!tpu.dma_semaphore, #tpu.memory_space<semaphore_mem>>) src(%arg10 : memref<128x128xf32, #tpu.memory_space<vmem>>) dst(%dma_wait3A_375 : memref<128x128xf32, #tpu.memory_space<vmem_shared>>)
      tpu.yield
    }) : () -> ()
    %add3A_288 = arith.constant 512 : i32
    %add3A_289 = arith.addi %mul3A_11, %add3A_288 : i32
    "tpu.region"() ({
      %run_scoped3A = tpu.sem_alloc : memref<!tpu.dma_semaphore, #tpu.memory_space<semaphore_mem>>
      %dma_start3A_368 = arith.constant 0 : i32
      %dma_start3A_369 = tpu.memref_slice %arg12[%add3A_289, %dma_start3A_368] : memref<10240x128xf32, #tpu.memory_space<vmem_shared>> -> memref<128x128xf32, #tpu.memory_space<vmem_shared>>
      %dma_start3A_370 = arith.constant 0 : i32
      %dma_start3A_371 = tpu.memref_slice %arg12[%add3A_289, %dma_start3A_370] : memref<10240x128xf32, #tpu.memory_space<vmem_shared>> -> memref<128x128xf32, #tpu.memory_space<vmem_shared>>
      tpu.enqueue_dma source(%arg10 : memref<128x128xf32, #tpu.memory_space<vmem>>) target(%dma_start3A_371 : memref<128x128xf32, #tpu.memory_space<vmem_shared>>) target_semaphore(%run_scoped3A : memref<!tpu.dma_semaphore, #tpu.memory_space<semaphore_mem>>)
      %dma_wait3A_372 = arith.constant 0 : i32
      %dma_wait3A_373 = tpu.memref_slice %arg12[%add3A_289, %dma_wait3A_372] : memref<10240x128xf32, #tpu.memory_space<vmem_shared>> -> memref<128x128xf32, #tpu.memory_space<vmem_shared>>
      %dma_wait3A_374 = arith.constant 0 : i32
      %dma_wait3A_375 = tpu.memref_slice %arg12[%add3A_289, %dma_wait3A_374] : memref<10240x128xf32, #tpu.memory_space<vmem_shared>> -> memref<128x128xf32, #tpu.memory_space<vmem_shared>>
      tpu.wait_dma2 semaphore(%run_scoped3A : memref<!tpu.dma_semaphore, #tpu.memory_space<semaphore_mem>>) src(%arg10 : memref<128x128xf32, #tpu.memory_space<vmem>>) dst(%dma_wait3A_375 : memref<128x128xf32, #tpu.memory_space<vmem_shared>>)
      tpu.yield
    }) : () -> ()
    %scan3A_290 = arith.constant 0 : i32
    %scan3A_291 = arith.constant 0 : i32
    %scan3A_292 = arith.constant 128 : i32
    %scan3A_293 = arith.addi %scan3A_291, %scan3A_292 : i32
    %scan3A_294 = arith.constant 1 : i32
    %scan3A_295 = scf.for %scan3A_368 = %scan3A_291 to %scan3A_293 step %scan3A_294 iter_args(%scan3A_369 = %scan3A_290) -> (i32)  : i32 {
      %scan3A_370 = arith.constant 0 : i32
      %scan3A_371 = arith.constant 0 : i32
      %scan3A_372 = arith.constant 8 : i32
      %scan3A_373 = arith.addi %scan3A_371, %scan3A_372 : i32
      %scan3A_374 = arith.constant 1 : i32
      %scan3A_375 = scf.for %scan3A_378 = %scan3A_371 to %scan3A_373 step %scan3A_374 iter_args(%scan3A_379 = %scan3A_370) -> (i32)  : i32 {
        %mul3A_380 = arith.constant 16 : i32
        %mul3A_381 = arith.muli %scan3A_378, %mul3A_380 : i32
        %swap3A = arith.index_cast %scan3A_368 : i32 to index
        %swap3A_382 = arith.index_cast %mul3A_381 : i32 to index
        %swap3A_383 = tpu.vector_load %arg11[%swap3A, %swap3A_382] {strides = array<i32>} : memref<128x128xf32, #tpu.memory_space<vmem>>, vector<1x16xf32>,
        %swap3A_384 = vector.shape_cast %swap3A_383 : vector<1x16xf32> to vector<16xf32>
        %swap3A_385 = vector.shape_cast %broadcast_in_dim3A_3 : vector<16xf32> to vector<1x16xf32>
        tpu.vector_store %arg11[%swap3A, %swap3A_382], %swap3A_385 {strides = array<i32>} : memref<128x128xf32, #tpu.memory_space<vmem>>, vector<1x16xf32>,
        %scan3A_386 = arith.constant 0 : i32
        scf.yield %scan3A_386 : i32
      }
      %scan3A_376 = arith.constant 8 : i32
      %scan3A_377 = arith.constant 0 : i32
      scf.yield %scan3A_377 : i32
    }
    %scan3A_296 = arith.constant 128 : i32
    %barrier3A_297 = arith.constant 0 : index
    tpu.barrier barrier_id(%barrier3A_297)
    %dma_start3A_298 = arith.constant 0 : i32
    %dma_start3A_299 = arith.constant 0 : i32
    %dma_start3A_300 = tpu.memref_slice %arg9[%dma_start3A_298, %dma_start3A_299] : memref<80x128xi32, #tpu.memory_space<vmem>> -> memref<1x128xi32, #tpu.memory_space<vmem>>
    %dma_start3A_301 = tpu.memref_squeeze %dma_start3A_300 : memref<1x128xi32, #tpu.memory_space<vmem>> -> memref<128xi32, #tpu.memory_space<vmem>>
    %dma_start3A_302 = arith.constant 0 : i32
    %dma_start3A_303 = arith.constant 0 : i32
    %dma_start3A_304 = tpu.memref_slice %arg12[%dma_start3A_302, %dma_start3A_303] : memref<10240x128xf32, #tpu.memory_space<vmem_shared>> -> memref<10240x128xf32, #tpu.memory_space<vmem_shared>>
    tpu.enqueue_indirect_dma source(%arg11 : memref<128x128xf32, #tpu.memory_space<vmem>>) target(%dma_start3A_304 : memref<10240x128xf32, #tpu.memory_space<vmem_shared>>) offsets(%dma_start3A_301 : memref<128xi32, #tpu.memory_space<vmem>>) semaphore(%arg15 : memref<!tpu.dma_semaphore, #tpu.memory_space<semaphore_mem>>) {add = true}
    %dma_start3A_305 = arith.constant 1 : i32
    %dma_start3A_306 = arith.constant 0 : i32
    %dma_start3A_307 = tpu.memref_slice %arg9[%dma_start3A_305, %dma_start3A_306] : memref<80x128xi32, #tpu.memory_space<vmem>> -> memref<1x128xi32, #tpu.memory_space<vmem>>
    %dma_start3A_308 = tpu.memref_squeeze %dma_start3A_307 : memref<1x128xi32, #tpu.memory_space<vmem>> -> memref<128xi32, #tpu.memory_space<vmem>>
    %dma_start3A_309 = arith.constant 0 : i32
    %dma_start3A_310 = arith.constant 0 : i32
    %dma_start3A_311 = tpu.memref_slice %arg12[%dma_start3A_309, %dma_start3A_310] : memref<10240x128xf32, #tpu.memory_space<vmem_shared>> -> memref<10240x128xf32, #tpu.memory_space<vmem_shared>>
    tpu.enqueue_indirect_dma source(%arg11 : memref<128x128xf32, #tpu.memory_space<vmem>>) target(%dma_start3A_311 : memref<10240x128xf32, #tpu.memory_space<vmem_shared>>) offsets(%dma_start3A_308 : memref<128xi32, #tpu.memory_space<vmem>>) semaphore(%arg16 : memref<!tpu.dma_semaphore, #tpu.memory_space<semaphore_mem>>) {add = true}
    %dma_start3A_312 = arith.constant 2 : i32
    %dma_start3A_313 = arith.constant 0 : i32
    %dma_start3A_314 = tpu.memref_slice %arg9[%dma_start3A_312, %dma_start3A_313] : memref<80x128xi32, #tpu.memory_space<vmem>> -> memref<1x128xi32, #tpu.memory_space<vmem>>
    %dma_start3A_315 = tpu.memref_squeeze %dma_start3A_314 : memref<1x128xi32, #tpu.memory_space<vmem>> -> memref<128xi32, #tpu.memory_space<vmem>>
    %dma_start3A_316 = arith.constant 0 : i32
    %dma_start3A_317 = arith.constant 0 : i32
    %dma_start3A_318 = tpu.memref_slice %arg12[%dma_start3A_316, %dma_start3A_317] : memref<10240x128xf32, #tpu.memory_space<vmem_shared>> -> memref<10240x128xf32, #tpu.memory_space<vmem_shared>>
    tpu.enqueue_indirect_dma source(%arg11 : memref<128x128xf32, #tpu.memory_space<vmem>>) target(%dma_start3A_318 : memref<10240x128xf32, #tpu.memory_space<vmem_shared>>) offsets(%dma_start3A_315 : memref<128xi32, #tpu.memory_space<vmem>>) semaphore(%arg17 : memref<!tpu.dma_semaphore, #tpu.memory_space<semaphore_mem>>) {add = true}
    %dma_start3A_319 = arith.constant 3 : i32
    %dma_start3A_320 = arith.constant 0 : i32
    %dma_start3A_321 = tpu.memref_slice %arg9[%dma_start3A_319, %dma_start3A_320] : memref<80x128xi32, #tpu.memory_space<vmem>> -> memref<1x128xi32, #tpu.memory_space<vmem>>
    %dma_start3A_322 = tpu.memref_squeeze %dma_start3A_321 : memref<1x128xi32, #tpu.memory_space<vmem>> -> memref<128xi32, #tpu.memory_space<vmem>>
    %dma_start3A_323 = arith.constant 0 : i32
    %dma_start3A_324 = arith.constant 0 : i32
    %dma_start3A_325 = tpu.memref_slice %arg12[%dma_start3A_323, %dma_start3A_324] : memref<10240x128xf32, #tpu.memory_space<vmem_shared>> -> memref<10240x128xf32, #tpu.memory_space<vmem_shared>>
    tpu.enqueue_indirect_dma source(%arg11 : memref<128x128xf32, #tpu.memory_space<vmem>>) target(%dma_start3A_325 : memref<10240x128xf32, #tpu.memory_space<vmem_shared>>) offsets(%dma_start3A_322 : memref<128xi32, #tpu.memory_space<vmem>>) semaphore(%arg18 : memref<!tpu.dma_semaphore, #tpu.memory_space<semaphore_mem>>) {add = true}
    %scan3A_326 = arith.constant 0 : i32
    %scan3A_327 = arith.constant 0 : i32
    %scan3A_328 = arith.constant 19 : i32
    %scan3A_329 = arith.addi %scan3A_327, %scan3A_328 : i32
    %scan3A_330 = arith.constant 1 : i32
    %scan3A_331 = scf.for %scan3A_368 = %scan3A_327 to %scan3A_329 step %scan3A_330 iter_args(%scan3A_369 = %scan3A_326) -> (i32)  : i32 {
      %dma_wait3A_370 = arith.constant 0 : i32
      %dma_wait3A_371 = arith.constant 0 : i32
      %dma_wait3A_372 = tpu.memref_slice %arg2[%dma_wait3A_370, %dma_wait3A_371] : memref<10000x128xf32, #tpu.memory_space<hbm>> -> memref<128x128xf32, #tpu.memory_space<hbm>>
      %dma_wait3A_373 = arith.constant 0 : i32
      %dma_wait3A_374 = arith.constant 0 : i32
      %dma_wait3A_375 = tpu.memref_slice %arg2[%dma_wait3A_373, %dma_wait3A_374] : memref<10000x128xf32, #tpu.memory_space<hbm>> -> memref<128x128xf32, #tpu.memory_space<hbm>>
      tpu.wait_dma2 semaphore(%arg15 : memref<!tpu.dma_semaphore, #tpu.memory_space<semaphore_mem>>) src(%dma_wait3A_375 : memref<128x128xf32, #tpu.memory_space<hbm>>) dst(%arg11 : memref<128x128xf32, #tpu.memory_space<vmem>>)
      %mul3A_376 = arith.constant 4 : i32
      %mul3A_377 = arith.muli %mul3A_376, %scan3A_368 : i32
      %add3A_378 = arith.constant 4 : i32
      %add3A_379 = arith.addi %mul3A_377, %add3A_378 : i32
      %add3A_380 = arith.constant 0 : i32
      %add3A_381 = arith.addi %add3A_379, %add3A_380 : i32
      %dma_start3A_382 = arith.constant 0 : i32
      %dma_start3A_383 = tpu.memref_slice %arg9[%add3A_381, %dma_start3A_382] : memref<80x128xi32, #tpu.memory_space<vmem>> -> memref<1x128xi32, #tpu.memory_space<vmem>>
      %dma_start3A_384 = tpu.memref_squeeze %dma_start3A_383 : memref<1x128xi32, #tpu.memory_space<vmem>> -> memref<128xi32, #tpu.memory_space<vmem>>
      %dma_start3A_385 = arith.constant 0 : i32
      %dma_start3A_386 = arith.constant 0 : i32
      %dma_start3A_387 = tpu.memref_slice %arg12[%dma_start3A_385, %dma_start3A_386] : memref<10240x128xf32, #tpu.memory_space<vmem_shared>> -> memref<10240x128xf32, #tpu.memory_space<vmem_shared>>
      tpu.enqueue_indirect_dma source(%arg11 : memref<128x128xf32, #tpu.memory_space<vmem>>) target(%dma_start3A_387 : memref<10240x128xf32, #tpu.memory_space<vmem_shared>>) offsets(%dma_start3A_384 : memref<128xi32, #tpu.memory_space<vmem>>) semaphore(%arg15 : memref<!tpu.dma_semaphore, #tpu.memory_space<semaphore_mem>>) {add = true}
      %dma_wait3A_388 = arith.constant 0 : i32
      %dma_wait3A_389 = arith.constant 0 : i32
      %dma_wait3A_390 = tpu.memref_slice %arg2[%dma_wait3A_388, %dma_wait3A_389] : memref<10000x128xf32, #tpu.memory_space<hbm>> -> memref<128x128xf32, #tpu.memory_space<hbm>>
      %dma_wait3A_391 = arith.constant 0 : i32
      %dma_wait3A_392 = arith.constant 0 : i32
      %dma_wait3A_393 = tpu.memref_slice %arg2[%dma_wait3A_391, %dma_wait3A_392] : memref<10000x128xf32, #tpu.memory_space<hbm>> -> memref<128x128xf32, #tpu.memory_space<hbm>>
      tpu.wait_dma2 semaphore(%arg16 : memref<!tpu.dma_semaphore, #tpu.memory_space<semaphore_mem>>) src(%dma_wait3A_393 : memref<128x128xf32, #tpu.memory_space<hbm>>) dst(%arg11 : memref<128x128xf32, #tpu.memory_space<vmem>>)
      %mul3A_394 = arith.constant 4 : i32
      %mul3A_395 = arith.muli %mul3A_394, %scan3A_368 : i32
      %add3A_396 = arith.constant 4 : i32
      %add3A_397 = arith.addi %mul3A_395, %add3A_396 : i32
      %add3A_398 = arith.constant 1 : i32
      %add3A_399 = arith.addi %add3A_397, %add3A_398 : i32
      %dma_start3A_400 = arith.constant 0 : i32
      %dma_start3A_401 = tpu.memref_slice %arg9[%add3A_399, %dma_start3A_400] : memref<80x128xi32, #tpu.memory_space<vmem>> -> memref<1x128xi32, #tpu.memory_space<vmem>>
      %dma_start3A_402 = tpu.memref_squeeze %dma_start3A_401 : memref<1x128xi32, #tpu.memory_space<vmem>> -> memref<128xi32, #tpu.memory_space<vmem>>
      %dma_start3A_403 = arith.constant 0 : i32
      %dma_start3A_404 = arith.constant 0 : i32
      %dma_start3A_405 = tpu.memref_slice %arg12[%dma_start3A_403, %dma_start3A_404] : memref<10240x128xf32, #tpu.memory_space<vmem_shared>> -> memref<10240x128xf32, #tpu.memory_space<vmem_shared>>
      tpu.enqueue_indirect_dma source(%arg11 : memref<128x128xf32, #tpu.memory_space<vmem>>) target(%dma_start3A_405 : memref<10240x128xf32, #tpu.memory_space<vmem_shared>>) offsets(%dma_start3A_402 : memref<128xi32, #tpu.memory_space<vmem>>) semaphore(%arg16 : memref<!tpu.dma_semaphore, #tpu.memory_space<semaphore_mem>>) {add = true}
      %dma_wait3A_406 = arith.constant 0 : i32
      %dma_wait3A_407 = arith.constant 0 : i32
      %dma_wait3A_408 = tpu.memref_slice %arg2[%dma_wait3A_406, %dma_wait3A_407] : memref<10000x128xf32, #tpu.memory_space<hbm>> -> memref<128x128xf32, #tpu.memory_space<hbm>>
      %dma_wait3A_409 = arith.constant 0 : i32
      %dma_wait3A_410 = arith.constant 0 : i32
      %dma_wait3A_411 = tpu.memref_slice %arg2[%dma_wait3A_409, %dma_wait3A_410] : memref<10000x128xf32, #tpu.memory_space<hbm>> -> memref<128x128xf32, #tpu.memory_space<hbm>>
      tpu.wait_dma2 semaphore(%arg17 : memref<!tpu.dma_semaphore, #tpu.memory_space<semaphore_mem>>) src(%dma_wait3A_411 : memref<128x128xf32, #tpu.memory_space<hbm>>) dst(%arg11 : memref<128x128xf32, #tpu.memory_space<vmem>>)
      %mul3A_412 = arith.constant 4 : i32
      %mul3A_413 = arith.muli %mul3A_412, %scan3A_368 : i32
      %add3A_414 = arith.constant 4 : i32
      %add3A_415 = arith.addi %mul3A_413, %add3A_414 : i32
      %add3A_416 = arith.constant 2 : i32
      %add3A_417 = arith.addi %add3A_415, %add3A_416 : i32
      %dma_start3A_418 = arith.constant 0 : i32
      %dma_start3A_419 = tpu.memref_slice %arg9[%add3A_417, %dma_start3A_418] : memref<80x128xi32, #tpu.memory_space<vmem>> -> memref<1x128xi32, #tpu.memory_space<vmem>>
      %dma_start3A_420 = tpu.memref_squeeze %dma_start3A_419 : memref<1x128xi32, #tpu.memory_space<vmem>> -> memref<128xi32, #tpu.memory_space<vmem>>
      %dma_start3A_421 = arith.constant 0 : i32
      %dma_start3A_422 = arith.constant 0 : i32
      %dma_start3A_423 = tpu.memref_slice %arg12[%dma_start3A_421, %dma_start3A_422] : memref<10240x128xf32, #tpu.memory_space<vmem_shared>> -> memref<10240x128xf32, #tpu.memory_space<vmem_shared>>
      tpu.enqueue_indirect_dma source(%arg11 : memref<128x128xf32, #tpu.memory_space<vmem>>) target(%dma_start3A_423 : memref<10240x128xf32, #tpu.memory_space<vmem_shared>>) offsets(%dma_start3A_420 : memref<128xi32, #tpu.memory_space<vmem>>) semaphore(%arg17 : memref<!tpu.dma_semaphore, #tpu.memory_space<semaphore_mem>>) {add = true}
      %dma_wait3A_424 = arith.constant 0 : i32
      %dma_wait3A_425 = arith.constant 0 : i32
      %dma_wait3A_426 = tpu.memref_slice %arg2[%dma_wait3A_424, %dma_wait3A_425] : memref<10000x128xf32, #tpu.memory_space<hbm>> -> memref<128x128xf32, #tpu.memory_space<hbm>>
      %dma_wait3A_427 = arith.constant 0 : i32
      %dma_wait3A_428 = arith.constant 0 : i32
      %dma_wait3A_429 = tpu.memref_slice %arg2[%dma_wait3A_427, %dma_wait3A_428] : memref<10000x128xf32, #tpu.memory_space<hbm>> -> memref<128x128xf32, #tpu.memory_space<hbm>>
      tpu.wait_dma2 semaphore(%arg18 : memref<!tpu.dma_semaphore, #tpu.memory_space<semaphore_mem>>) src(%dma_wait3A_429 : memref<128x128xf32, #tpu.memory_space<hbm>>) dst(%arg11 : memref<128x128xf32, #tpu.memory_space<vmem>>)
      %mul3A_430 = arith.constant 4 : i32
      %mul3A_431 = arith.muli %mul3A_430, %scan3A_368 : i32
      %add3A_432 = arith.constant 4 : i32
      %add3A_433 = arith.addi %mul3A_431, %add3A_432 : i32
      %add3A_434 = arith.constant 3 : i32
      %add3A_435 = arith.addi %add3A_433, %add3A_434 : i32
      %dma_start3A_436 = arith.constant 0 : i32
      %dma_start3A_437 = tpu.memref_slice %arg9[%add3A_435, %dma_start3A_436] : memref<80x128xi32, #tpu.memory_space<vmem>> -> memref<1x128xi32, #tpu.memory_space<vmem>>
      %dma_start3A_438 = tpu.memref_squeeze %dma_start3A_437 : memref<1x128xi32, #tpu.memory_space<vmem>> -> memref<128xi32, #tpu.memory_space<vmem>>
      %dma_start3A_439 = arith.constant 0 : i32
      %dma_start3A_440 = arith.constant 0 : i32
      %dma_start3A_441 = tpu.memref_slice %arg12[%dma_start3A_439, %dma_start3A_440] : memref<10240x128xf32, #tpu.memory_space<vmem_shared>> -> memref<10240x128xf32, #tpu.memory_space<vmem_shared>>
      tpu.enqueue_indirect_dma source(%arg11 : memref<128x128xf32, #tpu.memory_space<vmem>>) target(%dma_start3A_441 : memref<10240x128xf32, #tpu.memory_space<vmem_shared>>) offsets(%dma_start3A_438 : memref<128xi32, #tpu.memory_space<vmem>>) semaphore(%arg18 : memref<!tpu.dma_semaphore, #tpu.memory_space<semaphore_mem>>) {add = true}
      %scan3A_442 = arith.constant 0 : i32
      scf.yield %scan3A_442 : i32
    }
    %scan3A_332 = arith.constant 19 : i32
    %dma_wait3A_333 = arith.constant 0 : i32
    %dma_wait3A_334 = arith.constant 0 : i32
    %dma_wait3A_335 = tpu.memref_slice %arg2[%dma_wait3A_333, %dma_wait3A_334] : memref<10000x128xf32, #tpu.memory_space<hbm>> -> memref<128x128xf32, #tpu.memory_space<hbm>>
    %dma_wait3A_336 = arith.constant 0 : i32
    %dma_wait3A_337 = arith.constant 0 : i32
    %dma_wait3A_338 = tpu.memref_slice %arg2[%dma_wait3A_336, %dma_wait3A_337] : memref<10000x128xf32, #tpu.memory_space<hbm>> -> memref<128x128xf32, #tpu.memory_space<hbm>>
    tpu.wait_dma2 semaphore(%arg15 : memref<!tpu.dma_semaphore, #tpu.memory_space<semaphore_mem>>) src(%dma_wait3A_338 : memref<128x128xf32, #tpu.memory_space<hbm>>) dst(%arg11 : memref<128x128xf32, #tpu.memory_space<vmem>>)
    %dma_wait3A_339 = arith.constant 0 : i32
    %dma_wait3A_340 = arith.constant 0 : i32
    %dma_wait3A_341 = tpu.memref_slice %arg2[%dma_wait3A_339, %dma_wait3A_340] : memref<10000x128xf32, #tpu.memory_space<hbm>> -> memref<128x128xf32, #tpu.memory_space<hbm>>
    %dma_wait3A_342 = arith.constant 0 : i32
    %dma_wait3A_343 = arith.constant 0 : i32
    %dma_wait3A_344 = tpu.memref_slice %arg2[%dma_wait3A_342, %dma_wait3A_343] : memref<10000x128xf32, #tpu.memory_space<hbm>> -> memref<128x128xf32, #tpu.memory_space<hbm>>
    tpu.wait_dma2 semaphore(%arg16 : memref<!tpu.dma_semaphore, #tpu.memory_space<semaphore_mem>>) src(%dma_wait3A_344 : memref<128x128xf32, #tpu.memory_space<hbm>>) dst(%arg11 : memref<128x128xf32, #tpu.memory_space<vmem>>)
    %dma_wait3A_345 = arith.constant 0 : i32
    %dma_wait3A_346 = arith.constant 0 : i32
    %dma_wait3A_347 = tpu.memref_slice %arg2[%dma_wait3A_345, %dma_wait3A_346] : memref<10000x128xf32, #tpu.memory_space<hbm>> -> memref<128x128xf32, #tpu.memory_space<hbm>>
    %dma_wait3A_348 = arith.constant 0 : i32
    %dma_wait3A_349 = arith.constant 0 : i32
    %dma_wait3A_350 = tpu.memref_slice %arg2[%dma_wait3A_348, %dma_wait3A_349] : memref<10000x128xf32, #tpu.memory_space<hbm>> -> memref<128x128xf32, #tpu.memory_space<hbm>>
    tpu.wait_dma2 semaphore(%arg17 : memref<!tpu.dma_semaphore, #tpu.memory_space<semaphore_mem>>) src(%dma_wait3A_350 : memref<128x128xf32, #tpu.memory_space<hbm>>) dst(%arg11 : memref<128x128xf32, #tpu.memory_space<vmem>>)
    %dma_wait3A_351 = arith.constant 0 : i32
    %dma_wait3A_352 = arith.constant 0 : i32
    %dma_wait3A_353 = tpu.memref_slice %arg2[%dma_wait3A_351, %dma_wait3A_352] : memref<10000x128xf32, #tpu.memory_space<hbm>> -> memref<128x128xf32, #tpu.memory_space<hbm>>
    %dma_wait3A_354 = arith.constant 0 : i32
    %dma_wait3A_355 = arith.constant 0 : i32
    %dma_wait3A_356 = tpu.memref_slice %arg2[%dma_wait3A_354, %dma_wait3A_355] : memref<10000x128xf32, #tpu.memory_space<hbm>> -> memref<128x128xf32, #tpu.memory_space<hbm>>
    tpu.wait_dma2 semaphore(%arg18 : memref<!tpu.dma_semaphore, #tpu.memory_space<semaphore_mem>>) src(%dma_wait3A_356 : memref<128x128xf32, #tpu.memory_space<hbm>>) dst(%arg11 : memref<128x128xf32, #tpu.memory_space<vmem>>)
    %barrier3A_357 = arith.constant 0 : index
    tpu.barrier barrier_id(%barrier3A_357)
    %add3A_358 = arith.constant 0 : i32
    %add3A_359 = arith.addi %mul3A_11, %add3A_358 : i32
    "tpu.region"() ({
      %run_scoped3A = tpu.sem_alloc : memref<!tpu.dma_semaphore, #tpu.memory_space<semaphore_mem>>
      %dma_start3A_368 = arith.constant 0 : i32
      %dma_start3A_369 = tpu.memref_slice %arg12[%add3A_359, %dma_start3A_368] : memref<10240x128xf32, #tpu.memory_space<vmem_shared>> -> memref<128x128xf32, #tpu.memory_space<vmem_shared>>
      %dma_start3A_370 = arith.constant 0 : i32
      %dma_start3A_371 = tpu.memref_slice %arg12[%add3A_359, %dma_start3A_370] : memref<10240x128xf32, #tpu.memory_space<vmem_shared>> -> memref<128x128xf32, #tpu.memory_space<vmem_shared>>
      tpu.enqueue_dma source(%dma_start3A_371 : memref<128x128xf32, #tpu.memory_space<vmem_shared>>) target(%arg10 : memref<128x128xf32, #tpu.memory_space<vmem>>) target_semaphore(%run_scoped3A : memref<!tpu.dma_semaphore, #tpu.memory_space<semaphore_mem>>)
      %dma_wait3A_372 = arith.constant 0 : i32
      %dma_wait3A_373 = tpu.memref_slice %arg12[%add3A_359, %dma_wait3A_372] : memref<10240x128xf32, #tpu.memory_space<vmem_shared>> -> memref<128x128xf32, #tpu.memory_space<vmem_shared>>
      %dma_wait3A_374 = arith.constant 0 : i32
      %dma_wait3A_375 = tpu.memref_slice %arg12[%add3A_359, %dma_wait3A_374] : memref<10240x128xf32, #tpu.memory_space<vmem_shared>> -> memref<128x128xf32, #tpu.memory_space<vmem_shared>>
      tpu.wait_dma2 semaphore(%run_scoped3A : memref<!tpu.dma_semaphore, #tpu.memory_space<semaphore_mem>>) src(%dma_wait3A_375 : memref<128x128xf32, #tpu.memory_space<vmem_shared>>) dst(%arg10 : memref<128x128xf32, #tpu.memory_space<vmem>>)
      tpu.yield
    }) : () -> ()
    "tpu.region"() ({
      %run_scoped3A = tpu.sem_alloc : memref<!tpu.dma_semaphore, #tpu.memory_space<semaphore_mem>>
      %dma_start3A_368 = arith.constant 0 : i32
      %dma_start3A_369 = tpu.memref_slice %arg6[%arg0, %add3A_359, %dma_start3A_368] : memref<2x10240x128xf32, #tpu.memory_space<hbm>> -> memref<1x128x128xf32, #tpu.memory_space<hbm>>
      %dma_start3A_370 = tpu.memref_squeeze %dma_start3A_369 : memref<1x128x128xf32, #tpu.memory_space<hbm>> -> memref<128x128xf32, #tpu.memory_space<hbm>>
      %dma_start3A_371 = arith.constant 0 : i32
      %dma_start3A_372 = tpu.memref_slice %arg6[%arg0, %add3A_359, %dma_start3A_371] : memref<2x10240x128xf32, #tpu.memory_space<hbm>> -> memref<1x128x128xf32, #tpu.memory_space<hbm>>
      %dma_start3A_373 = tpu.memref_squeeze %dma_start3A_372 : memref<1x128x128xf32, #tpu.memory_space<hbm>> -> memref<128x128xf32, #tpu.memory_space<hbm>>
      tpu.enqueue_dma source(%arg10 : memref<128x128xf32, #tpu.memory_space<vmem>>) target(%dma_start3A_373 : memref<128x128xf32, #tpu.memory_space<hbm>>) target_semaphore(%run_scoped3A : memref<!tpu.dma_semaphore, #tpu.memory_space<semaphore_mem>>)
      %dma_wait3A_374 = arith.constant 0 : i32
      %dma_wait3A_375 = tpu.memref_slice %arg6[%arg0, %add3A_359, %dma_wait3A_374] : memref<2x10240x128xf32, #tpu.memory_space<hbm>> -> memref<1x128x128xf32, #tpu.memory_space<hbm>>
      %dma_wait3A_376 = tpu.memref_squeeze %dma_wait3A_375 : memref<1x128x128xf32, #tpu.memory_space<hbm>> -> memref<128x128xf32, #tpu.memory_space<hbm>>
      %dma_wait3A_377 = arith.constant 0 : i32
      %dma_wait3A_378 = tpu.memref_slice %arg6[%arg0, %add3A_359, %dma_wait3A_377] : memref<2x10240x128xf32, #tpu.memory_space<hbm>> -> memref<1x128x128xf32, #tpu.memory_space<hbm>>
      %dma_wait3A_379 = tpu.memref_squeeze %dma_wait3A_378 : memref<1x128x128xf32, #tpu.memory_space<hbm>> -> memref<128x128xf32, #tpu.memory_space<hbm>>
      tpu.wait_dma2 semaphore(%run_scoped3A : memref<!tpu.dma_semaphore, #tpu.memory_space<semaphore_mem>>) src(%arg10 : memref<128x128xf32, #tpu.memory_space<vmem>>) dst(%dma_wait3A_379 : memref<128x128xf32, #tpu.memory_space<hbm>>)
      tpu.yield
    }) : () -> ()
    %add3A_360 = arith.constant 128 : i32
    %add3A_361 = arith.addi %mul3A_11, %add3A_360 : i32
    "tpu.region"() ({
      %run_scoped3A = tpu.sem_alloc : memref<!tpu.dma_semaphore, #tpu.memory_space<semaphore_mem>>
      %dma_start3A_368 = arith.constant 0 : i32
      %dma_start3A_369 = tpu.memref_slice %arg12[%add3A_361, %dma_start3A_368] : memref<10240x128xf32, #tpu.memory_space<vmem_shared>> -> memref<128x128xf32, #tpu.memory_space<vmem_shared>>
      %dma_start3A_370 = arith.constant 0 : i32
      %dma_start3A_371 = tpu.memref_slice %arg12[%add3A_361, %dma_start3A_370] : memref<10240x128xf32, #tpu.memory_space<vmem_shared>> -> memref<128x128xf32, #tpu.memory_space<vmem_shared>>
      tpu.enqueue_dma source(%dma_start3A_371 : memref<128x128xf32, #tpu.memory_space<vmem_shared>>) target(%arg10 : memref<128x128xf32, #tpu.memory_space<vmem>>) target_semaphore(%run_scoped3A : memref<!tpu.dma_semaphore, #tpu.memory_space<semaphore_mem>>)
      %dma_wait3A_372 = arith.constant 0 : i32
      %dma_wait3A_373 = tpu.memref_slice %arg12[%add3A_361, %dma_wait3A_372] : memref<10240x128xf32, #tpu.memory_space<vmem_shared>> -> memref<128x128xf32, #tpu.memory_space<vmem_shared>>
      %dma_wait3A_374 = arith.constant 0 : i32
      %dma_wait3A_375 = tpu.memref_slice %arg12[%add3A_361, %dma_wait3A_374] : memref<10240x128xf32, #tpu.memory_space<vmem_shared>> -> memref<128x128xf32, #tpu.memory_space<vmem_shared>>
      tpu.wait_dma2 semaphore(%run_scoped3A : memref<!tpu.dma_semaphore, #tpu.memory_space<semaphore_mem>>) src(%dma_wait3A_375 : memref<128x128xf32, #tpu.memory_space<vmem_shared>>) dst(%arg10 : memref<128x128xf32, #tpu.memory_space<vmem>>)
      tpu.yield
    }) : () -> ()
    "tpu.region"() ({
      %run_scoped3A = tpu.sem_alloc : memref<!tpu.dma_semaphore, #tpu.memory_space<semaphore_mem>>
      %dma_start3A_368 = arith.constant 0 : i32
      %dma_start3A_369 = tpu.memref_slice %arg6[%arg0, %add3A_361, %dma_start3A_368] : memref<2x10240x128xf32, #tpu.memory_space<hbm>> -> memref<1x128x128xf32, #tpu.memory_space<hbm>>
      %dma_start3A_370 = tpu.memref_squeeze %dma_start3A_369 : memref<1x128x128xf32, #tpu.memory_space<hbm>> -> memref<128x128xf32, #tpu.memory_space<hbm>>
      %dma_start3A_371 = arith.constant 0 : i32
      %dma_start3A_372 = tpu.memref_slice %arg6[%arg0, %add3A_361, %dma_start3A_371] : memref<2x10240x128xf32, #tpu.memory_space<hbm>> -> memref<1x128x128xf32, #tpu.memory_space<hbm>>
      %dma_start3A_373 = tpu.memref_squeeze %dma_start3A_372 : memref<1x128x128xf32, #tpu.memory_space<hbm>> -> memref<128x128xf32, #tpu.memory_space<hbm>>
      tpu.enqueue_dma source(%arg10 : memref<128x128xf32, #tpu.memory_space<vmem>>) target(%dma_start3A_373 : memref<128x128xf32, #tpu.memory_space<hbm>>) target_semaphore(%run_scoped3A : memref<!tpu.dma_semaphore, #tpu.memory_space<semaphore_mem>>)
      %dma_wait3A_374 = arith.constant 0 : i32
      %dma_wait3A_375 = tpu.memref_slice %arg6[%arg0, %add3A_361, %dma_wait3A_374] : memref<2x10240x128xf32, #tpu.memory_space<hbm>> -> memref<1x128x128xf32, #tpu.memory_space<hbm>>
      %dma_wait3A_376 = tpu.memref_squeeze %dma_wait3A_375 : memref<1x128x128xf32, #tpu.memory_space<hbm>> -> memref<128x128xf32, #tpu.memory_space<hbm>>
      %dma_wait3A_377 = arith.constant 0 : i32
      %dma_wait3A_378 = tpu.memref_slice %arg6[%arg0, %add3A_361, %dma_wait3A_377] : memref<2x10240x128xf32, #tpu.memory_space<hbm>> -> memref<1x128x128xf32, #tpu.memory_space<hbm>>
      %dma_wait3A_379 = tpu.memref_squeeze %dma_wait3A_378 : memref<1x128x128xf32, #tpu.memory_space<hbm>> -> memref<128x128xf32, #tpu.memory_space<hbm>>
      tpu.wait_dma2 semaphore(%run_scoped3A : memref<!tpu.dma_semaphore, #tpu.memory_space<semaphore_mem>>) src(%arg10 : memref<128x128xf32, #tpu.memory_space<vmem>>) dst(%dma_wait3A_379 : memref<128x128xf32, #tpu.memory_space<hbm>>)
      tpu.yield
    }) : () -> ()
    %add3A_362 = arith.constant 256 : i32
    %add3A_363 = arith.addi %mul3A_11, %add3A_362 : i32
    "tpu.region"() ({
      %run_scoped3A = tpu.sem_alloc : memref<!tpu.dma_semaphore, #tpu.memory_space<semaphore_mem>>
      %dma_start3A_368 = arith.constant 0 : i32
      %dma_start3A_369 = tpu.memref_slice %arg12[%add3A_363, %dma_start3A_368] : memref<10240x128xf32, #tpu.memory_space<vmem_shared>> -> memref<128x128xf32, #tpu.memory_space<vmem_shared>>
      %dma_start3A_370 = arith.constant 0 : i32
      %dma_start3A_371 = tpu.memref_slice %arg12[%add3A_363, %dma_start3A_370] : memref<10240x128xf32, #tpu.memory_space<vmem_shared>> -> memref<128x128xf32, #tpu.memory_space<vmem_shared>>
      tpu.enqueue_dma source(%dma_start3A_371 : memref<128x128xf32, #tpu.memory_space<vmem_shared>>) target(%arg10 : memref<128x128xf32, #tpu.memory_space<vmem>>) target_semaphore(%run_scoped3A : memref<!tpu.dma_semaphore, #tpu.memory_space<semaphore_mem>>)
      %dma_wait3A_372 = arith.constant 0 : i32
      %dma_wait3A_373 = tpu.memref_slice %arg12[%add3A_363, %dma_wait3A_372] : memref<10240x128xf32, #tpu.memory_space<vmem_shared>> -> memref<128x128xf32, #tpu.memory_space<vmem_shared>>
      %dma_wait3A_374 = arith.constant 0 : i32
      %dma_wait3A_375 = tpu.memref_slice %arg12[%add3A_363, %dma_wait3A_374] : memref<10240x128xf32, #tpu.memory_space<vmem_shared>> -> memref<128x128xf32, #tpu.memory_space<vmem_shared>>
      tpu.wait_dma2 semaphore(%run_scoped3A : memref<!tpu.dma_semaphore, #tpu.memory_space<semaphore_mem>>) src(%dma_wait3A_375 : memref<128x128xf32, #tpu.memory_space<vmem_shared>>) dst(%arg10 : memref<128x128xf32, #tpu.memory_space<vmem>>)
      tpu.yield
    }) : () -> ()
    "tpu.region"() ({
      %run_scoped3A = tpu.sem_alloc : memref<!tpu.dma_semaphore, #tpu.memory_space<semaphore_mem>>
      %dma_start3A_368 = arith.constant 0 : i32
      %dma_start3A_369 = tpu.memref_slice %arg6[%arg0, %add3A_363, %dma_start3A_368] : memref<2x10240x128xf32, #tpu.memory_space<hbm>> -> memref<1x128x128xf32, #tpu.memory_space<hbm>>
      %dma_start3A_370 = tpu.memref_squeeze %dma_start3A_369 : memref<1x128x128xf32, #tpu.memory_space<hbm>> -> memref<128x128xf32, #tpu.memory_space<hbm>>
      %dma_start3A_371 = arith.constant 0 : i32
      %dma_start3A_372 = tpu.memref_slice %arg6[%arg0, %add3A_363, %dma_start3A_371] : memref<2x10240x128xf32, #tpu.memory_space<hbm>> -> memref<1x128x128xf32, #tpu.memory_space<hbm>>
      %dma_start3A_373 = tpu.memref_squeeze %dma_start3A_372 : memref<1x128x128xf32, #tpu.memory_space<hbm>> -> memref<128x128xf32, #tpu.memory_space<hbm>>
      tpu.enqueue_dma source(%arg10 : memref<128x128xf32, #tpu.memory_space<vmem>>) target(%dma_start3A_373 : memref<128x128xf32, #tpu.memory_space<hbm>>) target_semaphore(%run_scoped3A : memref<!tpu.dma_semaphore, #tpu.memory_space<semaphore_mem>>)
      %dma_wait3A_374 = arith.constant 0 : i32
      %dma_wait3A_375 = tpu.memref_slice %arg6[%arg0, %add3A_363, %dma_wait3A_374] : memref<2x10240x128xf32, #tpu.memory_space<hbm>> -> memref<1x128x128xf32, #tpu.memory_space<hbm>>
      %dma_wait3A_376 = tpu.memref_squeeze %dma_wait3A_375 : memref<1x128x128xf32, #tpu.memory_space<hbm>> -> memref<128x128xf32, #tpu.memory_space<hbm>>
      %dma_wait3A_377 = arith.constant 0 : i32
      %dma_wait3A_378 = tpu.memref_slice %arg6[%arg0, %add3A_363, %dma_wait3A_377] : memref<2x10240x128xf32, #tpu.memory_space<hbm>> -> memref<1x128x128xf32, #tpu.memory_space<hbm>>
      %dma_wait3A_379 = tpu.memref_squeeze %dma_wait3A_378 : memref<1x128x128xf32, #tpu.memory_space<hbm>> -> memref<128x128xf32, #tpu.memory_space<hbm>>
      tpu.wait_dma2 semaphore(%run_scoped3A : memref<!tpu.dma_semaphore, #tpu.memory_space<semaphore_mem>>) src(%arg10 : memref<128x128xf32, #tpu.memory_space<vmem>>) dst(%dma_wait3A_379 : memref<128x128xf32, #tpu.memory_space<hbm>>)
      tpu.yield
    }) : () -> ()
    %add3A_364 = arith.constant 384 : i32
    %add3A_365 = arith.addi %mul3A_11, %add3A_364 : i32
    "tpu.region"() ({
      %run_scoped3A = tpu.sem_alloc : memref<!tpu.dma_semaphore, #tpu.memory_space<semaphore_mem>>
      %dma_start3A_368 = arith.constant 0 : i32
      %dma_start3A_369 = tpu.memref_slice %arg12[%add3A_365, %dma_start3A_368] : memref<10240x128xf32, #tpu.memory_space<vmem_shared>> -> memref<128x128xf32, #tpu.memory_space<vmem_shared>>
      %dma_start3A_370 = arith.constant 0 : i32
      %dma_start3A_371 = tpu.memref_slice %arg12[%add3A_365, %dma_start3A_370] : memref<10240x128xf32, #tpu.memory_space<vmem_shared>> -> memref<128x128xf32, #tpu.memory_space<vmem_shared>>
      tpu.enqueue_dma source(%dma_start3A_371 : memref<128x128xf32, #tpu.memory_space<vmem_shared>>) target(%arg10 : memref<128x128xf32, #tpu.memory_space<vmem>>) target_semaphore(%run_scoped3A : memref<!tpu.dma_semaphore, #tpu.memory_space<semaphore_mem>>)
      %dma_wait3A_372 = arith.constant 0 : i32
      %dma_wait3A_373 = tpu.memref_slice %arg12[%add3A_365, %dma_wait3A_372] : memref<10240x128xf32, #tpu.memory_space<vmem_shared>> -> memref<128x128xf32, #tpu.memory_space<vmem_shared>>
      %dma_wait3A_374 = arith.constant 0 : i32
      %dma_wait3A_375 = tpu.memref_slice %arg12[%add3A_365, %dma_wait3A_374] : memref<10240x128xf32, #tpu.memory_space<vmem_shared>> -> memref<128x128xf32, #tpu.memory_space<vmem_shared>>
      tpu.wait_dma2 semaphore(%run_scoped3A : memref<!tpu.dma_semaphore, #tpu.memory_space<semaphore_mem>>) src(%dma_wait3A_375 : memref<128x128xf32, #tpu.memory_space<vmem_shared>>) dst(%arg10 : memref<128x128xf32, #tpu.memory_space<vmem>>)
      tpu.yield
    }) : () -> ()
    "tpu.region"() ({
      %run_scoped3A = tpu.sem_alloc : memref<!tpu.dma_semaphore, #tpu.memory_space<semaphore_mem>>
      %dma_start3A_368 = arith.constant 0 : i32
      %dma_start3A_369 = tpu.memref_slice %arg6[%arg0, %add3A_365, %dma_start3A_368] : memref<2x10240x128xf32, #tpu.memory_space<hbm>> -> memref<1x128x128xf32, #tpu.memory_space<hbm>>
      %dma_start3A_370 = tpu.memref_squeeze %dma_start3A_369 : memref<1x128x128xf32, #tpu.memory_space<hbm>> -> memref<128x128xf32, #tpu.memory_space<hbm>>
      %dma_start3A_371 = arith.constant 0 : i32
      %dma_start3A_372 = tpu.memref_slice %arg6[%arg0, %add3A_365, %dma_start3A_371] : memref<2x10240x128xf32, #tpu.memory_space<hbm>> -> memref<1x128x128xf32, #tpu.memory_space<hbm>>
      %dma_start3A_373 = tpu.memref_squeeze %dma_start3A_372 : memref<1x128x128xf32, #tpu.memory_space<hbm>> -> memref<128x128xf32, #tpu.memory_space<hbm>>
      tpu.enqueue_dma source(%arg10 : memref<128x128xf32, #tpu.memory_space<vmem>>) target(%dma_start3A_373 : memref<128x128xf32, #tpu.memory_space<hbm>>) target_semaphore(%run_scoped3A : memref<!tpu.dma_semaphore, #tpu.memory_space<semaphore_mem>>)
      %dma_wait3A_374 = arith.constant 0 : i32
      %dma_wait3A_375 = tpu.memref_slice %arg6[%arg0, %add3A_365, %dma_wait3A_374] : memref<2x10240x128xf32, #tpu.memory_space<hbm>> -> memref<1x128x128xf32, #tpu.memory_space<hbm>>
      %dma_wait3A_376 = tpu.memref_squeeze %dma_wait3A_375 : memref<1x128x128xf32, #tpu.memory_space<hbm>> -> memref<128x128xf32, #tpu.memory_space<hbm>>
      %dma_wait3A_377 = arith.constant 0 : i32
      %dma_wait3A_378 = tpu.memref_slice %arg6[%arg0, %add3A_365, %dma_wait3A_377] : memref<2x10240x128xf32, #tpu.memory_space<hbm>> -> memref<1x128x128xf32, #tpu.memory_space<hbm>>
      %dma_wait3A_379 = tpu.memref_squeeze %dma_wait3A_378 : memref<1x128x128xf32, #tpu.memory_space<hbm>> -> memref<128x128xf32, #tpu.memory_space<hbm>>
      tpu.wait_dma2 semaphore(%run_scoped3A : memref<!tpu.dma_semaphore, #tpu.memory_space<semaphore_mem>>) src(%arg10 : memref<128x128xf32, #tpu.memory_space<vmem>>) dst(%dma_wait3A_379 : memref<128x128xf32, #tpu.memory_space<hbm>>)
      tpu.yield
    }) : () -> ()
    %add3A_366 = arith.constant 512 : i32
    %add3A_367 = arith.addi %mul3A_11, %add3A_366 : i32
    "tpu.region"() ({
      %run_scoped3A = tpu.sem_alloc : memref<!tpu.dma_semaphore, #tpu.memory_space<semaphore_mem>>
      %dma_start3A_368 = arith.constant 0 : i32
      %dma_start3A_369 = tpu.memref_slice %arg12[%add3A_367, %dma_start3A_368] : memref<10240x128xf32, #tpu.memory_space<vmem_shared>> -> memref<128x128xf32, #tpu.memory_space<vmem_shared>>
      %dma_start3A_370 = arith.constant 0 : i32
      %dma_start3A_371 = tpu.memref_slice %arg12[%add3A_367, %dma_start3A_370] : memref<10240x128xf32, #tpu.memory_space<vmem_shared>> -> memref<128x128xf32, #tpu.memory_space<vmem_shared>>
      tpu.enqueue_dma source(%dma_start3A_371 : memref<128x128xf32, #tpu.memory_space<vmem_shared>>) target(%arg10 : memref<128x128xf32, #tpu.memory_space<vmem>>) target_semaphore(%run_scoped3A : memref<!tpu.dma_semaphore, #tpu.memory_space<semaphore_mem>>)
      %dma_wait3A_372 = arith.constant 0 : i32
      %dma_wait3A_373 = tpu.memref_slice %arg12[%add3A_367, %dma_wait3A_372] : memref<10240x128xf32, #tpu.memory_space<vmem_shared>> -> memref<128x128xf32, #tpu.memory_space<vmem_shared>>
      %dma_wait3A_374 = arith.constant 0 : i32
      %dma_wait3A_375 = tpu.memref_slice %arg12[%add3A_367, %dma_wait3A_374] : memref<10240x128xf32, #tpu.memory_space<vmem_shared>> -> memref<128x128xf32, #tpu.memory_space<vmem_shared>>
      tpu.wait_dma2 semaphore(%run_scoped3A : memref<!tpu.dma_semaphore, #tpu.memory_space<semaphore_mem>>) src(%dma_wait3A_375 : memref<128x128xf32, #tpu.memory_space<vmem_shared>>) dst(%arg10 : memref<128x128xf32, #tpu.memory_space<vmem>>)
      tpu.yield
    }) : () -> ()
    "tpu.region"() ({
      %run_scoped3A = tpu.sem_alloc : memref<!tpu.dma_semaphore, #tpu.memory_space<semaphore_mem>>
      %dma_start3A_368 = arith.constant 0 : i32
      %dma_start3A_369 = tpu.memref_slice %arg6[%arg0, %add3A_367, %dma_start3A_368] : memref<2x10240x128xf32, #tpu.memory_space<hbm>> -> memref<1x128x128xf32, #tpu.memory_space<hbm>>
      %dma_start3A_370 = tpu.memref_squeeze %dma_start3A_369 : memref<1x128x128xf32, #tpu.memory_space<hbm>> -> memref<128x128xf32, #tpu.memory_space<hbm>>
      %dma_start3A_371 = arith.constant 0 : i32
      %dma_start3A_372 = tpu.memref_slice %arg6[%arg0, %add3A_367, %dma_start3A_371] : memref<2x10240x128xf32, #tpu.memory_space<hbm>> -> memref<1x128x128xf32, #tpu.memory_space<hbm>>
      %dma_start3A_373 = tpu.memref_squeeze %dma_start3A_372 : memref<1x128x128xf32, #tpu.memory_space<hbm>> -> memref<128x128xf32, #tpu.memory_space<hbm>>
      tpu.enqueue_dma source(%arg10 : memref<128x128xf32, #tpu.memory_space<vmem>>) target(%dma_start3A_373 : memref<128x128xf32, #tpu.memory_space<hbm>>) target_semaphore(%run_scoped3A : memref<!tpu.dma_semaphore, #tpu.memory_space<semaphore_mem>>)
      %dma_wait3A_374 = arith.constant 0 : i32
      %dma_wait3A_375 = tpu.memref_slice %arg6[%arg0, %add3A_367, %dma_wait3A_374] : memref<2x10240x128xf32, #tpu.memory_space<hbm>> -> memref<1x128x128xf32, #tpu.memory_space<hbm>>
      %dma_wait3A_376 = tpu.memref_squeeze %dma_wait3A_375 : memref<1x128x128xf32, #tpu.memory_space<hbm>> -> memref<128x128xf32, #tpu.memory_space<hbm>>
      %dma_wait3A_377 = arith.constant 0 : i32
      %dma_wait3A_378 = tpu.memref_slice %arg6[%arg0, %add3A_367, %dma_wait3A_377] : memref<2x10240x128xf32, #tpu.memory_space<hbm>> -> memref<1x128x128xf32, #tpu.memory_space<hbm>>
      %dma_wait3A_379 = tpu.memref_squeeze %dma_wait3A_378 : memref<1x128x128xf32, #tpu.memory_space<hbm>> -> memref<128x128xf32, #tpu.memory_space<hbm>>
      tpu.wait_dma2 semaphore(%run_scoped3A : memref<!tpu.dma_semaphore, #tpu.memory_space<semaphore_mem>>) src(%arg10 : memref<128x128xf32, #tpu.memory_space<vmem>>) dst(%dma_wait3A_379 : memref<128x128xf32, #tpu.memory_space<hbm>>)
      tpu.yield
    }) : () -> ()
    return
  }
}

module attributes {stable_mosaic.version = 14 : i64} {
  func.func @_tc_body(%arg0: i32, %arg1: memref<400x128xf32, #tpu.memory_space<vmem>>, %arg2: memref<400x128xf32, #tpu.memory_space<vmem>>, %arg3: memref<400x128xf32, #tpu.memory_space<vmem>>, %arg4: memref<400x128xf32, #tpu.memory_space<vmem>>, %arg5: memref<400x128xf32, #tpu.memory_space<vmem>>, %arg6: memref<128x128xf32, #tpu.memory_space<vmem>>, %arg7: memref<128x128xf32, #tpu.memory_space<vmem>>, %arg8: memref<1x128xf32, #tpu.memory_space<vmem>>, %arg9: memref<1x128xf32, #tpu.memory_space<vmem>>, %arg10: memref<1x128xf32, #tpu.memory_space<vmem>>, %arg11: memref<400x128xf32, #tpu.memory_space<vmem>>) attributes {dimension_semantics = [#tpu.dimension_semantics<arbitrary>], iteration_bounds = array<i64: 25>, scalar_prefetch = 0 : i64, scratch_operands = 0 : i64, tpu.core_type = #tpu.core_type<tc>, window_params = [{transform_indices = @transform_0, window_bounds = array<i64: 400, 128>}, {transform_indices = @transform_1, window_bounds = array<i64: 400, 128>}, {transform_indices = @transform_2, window_bounds = array<i64: 400, 128>}, {transform_indices = @transform_3, window_bounds = array<i64: 400, 128>}, {transform_indices = @transform_4, window_bounds = array<i64: 400, 128>}, {pipeline_mode = #tpu.pipeline_mode<synchronous>, transform_indices = @transform_5, window_bounds = array<i64: 128, 128>}, {pipeline_mode = #tpu.pipeline_mode<synchronous>, transform_indices = @transform_6, window_bounds = array<i64: 128, 128>}, {pipeline_mode = #tpu.pipeline_mode<synchronous>, transform_indices = @transform_7, window_bounds = array<i64: 1, 128>}, {pipeline_mode = #tpu.pipeline_mode<synchronous>, transform_indices = @transform_8, window_bounds = array<i64: 1, 128>}, {pipeline_mode = #tpu.pipeline_mode<synchronous>, transform_indices = @transform_9, window_bounds = array<i64: 1, 128>}, {transform_indices = @transform_10, window_bounds = array<i64: 400, 128>}]} {
    %get3A = arith.constant 0 : index
    %get3A_0 = arith.constant 0 : index
    %get3A_1 = vector.load %arg2[%get3A, %get3A_0] : memref<400x128xf32, #tpu.memory_space<vmem>>, vector<400x128xf32>
    %get3A_2 = arith.constant 0 : index
    %get3A_3 = arith.constant 0 : index
    %get3A_4 = vector.load %arg3[%get3A_2, %get3A_3] : memref<400x128xf32, #tpu.memory_space<vmem>>, vector<400x128xf32>
    %add3A = arith.addf %get3A_1, %get3A_4 : vector<400x128xf32>
    %get3A_5 = arith.constant 0 : index
    %get3A_6 = arith.constant 0 : index
    %get3A_7 = vector.load %arg4[%get3A_5, %get3A_6] : memref<400x128xf32, #tpu.memory_space<vmem>>, vector<400x128xf32>
    %get3A_8 = arith.constant 0 : index
    %get3A_9 = arith.constant 0 : index
    %get3A_10 = vector.load %arg5[%get3A_8, %get3A_9] : memref<400x128xf32, #tpu.memory_space<vmem>>, vector<400x128xf32>
    %add3A_11 = arith.addf %get3A_7, %get3A_10 : vector<400x128xf32>
    %max3A = arith.constant 1.000000e+00 : f32
    %max3A_12 = vector.broadcast %max3A : f32 to vector<400x128xf32>
    %max3A_13 = arith.maximumf %add3A_11, %max3A_12 : vector<400x128xf32>
    %div3A = arith.divf %add3A, %max3A_13 : vector<400x128xf32>
    %get3A_14 = arith.constant 0 : index
    %get3A_15 = arith.constant 0 : index
    %get3A_16 = vector.load %arg1[%get3A_14, %get3A_15] : memref<400x128xf32, #tpu.memory_space<vmem>>, vector<400x128xf32>
    %get3A_17 = arith.constant 0 : index
    %get3A_18 = arith.constant 0 : index
    %get3A_19 = vector.load %arg6[%get3A_17, %get3A_18] : memref<128x128xf32, #tpu.memory_space<vmem>>, vector<128x128xf32>
    %dot_general3A = arith.constant dense<0.000000e+00> : vector<400x128xf32>
    %dot_general3A_20 = tpu.matmul %div3A, %get3A_19, %dot_general3A {dimension_numbers = #tpu.dot_dimension_numbers<[1], [0], [0], [1], [0, 0, 1, 1], [], []>, transpose_lhs_hint = false} : vector<400x128xf32>, vector<128x128xf32>, vector<400x128xf32> -> vector<400x128xf32>
    %get3A_21 = arith.constant 0 : index
    %get3A_22 = arith.constant 0 : index
    %get3A_23 = vector.load %arg7[%get3A_21, %get3A_22] : memref<128x128xf32, #tpu.memory_space<vmem>>, vector<128x128xf32>
    %dot_general3A_24 = arith.constant dense<0.000000e+00> : vector<400x128xf32>
    %dot_general3A_25 = tpu.matmul %get3A_16, %get3A_23, %dot_general3A_24 {dimension_numbers = #tpu.dot_dimension_numbers<[1], [0], [0], [1], [0, 0, 1, 1], [], []>, transpose_lhs_hint = false} : vector<400x128xf32>, vector<128x128xf32>, vector<400x128xf32> -> vector<400x128xf32>
    %add3A_26 = arith.addf %dot_general3A_20, %dot_general3A_25 : vector<400x128xf32>
    %get3A_27 = arith.constant 0 : index
    %get3A_28 = arith.constant 0 : index
    %get3A_29 = vector.load %arg8[%get3A_27, %get3A_28] : memref<1x128xf32, #tpu.memory_space<vmem>>, vector<1x128xf32>
    %add3A_30 = vector.broadcast %get3A_29 : vector<1x128xf32> to vector<400x128xf32>
    %add3A_31 = arith.addf %add3A_26, %add3A_30 : vector<400x128xf32>
    %max3A_32 = arith.constant 0.000000e+00 : f32
    %max3A_33 = vector.broadcast %max3A_32 : f32 to vector<400x128xf32>
    %max3A_34 = arith.maximumf %add3A_31, %max3A_33 : vector<400x128xf32>
    %get3A_35 = arith.constant 0 : index
    %get3A_36 = arith.constant 0 : index
    %get3A_37 = vector.load %arg9[%get3A_35, %get3A_36] : memref<1x128xf32, #tpu.memory_space<vmem>>, vector<1x128xf32>
    %mul3A = arith.constant 0.999994993 : f32
    %mul3A_38 = vector.broadcast %mul3A : f32 to vector<1x128xf32>
    %mul3A_39 = arith.mulf %get3A_37, %mul3A_38 : vector<1x128xf32>
    %mul3A_40 = vector.broadcast %mul3A_39 : vector<1x128xf32> to vector<400x128xf32>
    %mul3A_41 = arith.mulf %max3A_34, %mul3A_40 : vector<400x128xf32>
    %add3A_42 = arith.addf %get3A_16, %mul3A_41 : vector<400x128xf32>
    %get3A_43 = arith.constant 0 : index
    %get3A_44 = arith.constant 0 : index
    %get3A_45 = vector.load %arg10[%get3A_43, %get3A_44] : memref<1x128xf32, #tpu.memory_space<vmem>>, vector<1x128xf32>
    %add3A_46 = vector.broadcast %get3A_45 : vector<1x128xf32> to vector<400x128xf32>
    %add3A_47 = arith.addf %add3A_42, %add3A_46 : vector<400x128xf32>
    %swap3A = arith.constant 0 : index
    %swap3A_48 = arith.constant 0 : index
    %swap3A_49 = vector.load %arg11[%swap3A, %swap3A_48] : memref<400x128xf32, #tpu.memory_space<vmem>>, vector<400x128xf32>
    tpu.vector_store %arg11[%swap3A, %swap3A_48], %add3A_47 {strides = array<i32>} : memref<400x128xf32, #tpu.memory_space<vmem>>, vector<400x128xf32>,
    return
  }
  func.func @transform_0(%arg0: i32) -> (i32, i32) {
    %c0_i32 = arith.constant 0 : i32
    %c0_i32_0 = arith.constant 0 : i32
    return %arg0, %c0_i32 : i32, i32
  }
  func.func @transform_1(%arg0: i32) -> (i32, i32) {
    %c0_i32 = arith.constant 0 : i32
    %c0_i32_0 = arith.constant 0 : i32
    return %arg0, %c0_i32 : i32, i32
  }
  func.func @transform_2(%arg0: i32) -> (i32, i32) {
    %c0_i32 = arith.constant 0 : i32
    %c0_i32_0 = arith.constant 0 : i32
    return %arg0, %c0_i32 : i32, i32
  }
  func.func @transform_3(%arg0: i32) -> (i32, i32) {
    %c0_i32 = arith.constant 0 : i32
    %c0_i32_0 = arith.constant 0 : i32
    return %arg0, %c0_i32 : i32, i32
  }
  func.func @transform_4(%arg0: i32) -> (i32, i32) {
    %c0_i32 = arith.constant 0 : i32
    %c0_i32_0 = arith.constant 0 : i32
    return %arg0, %c0_i32 : i32, i32
  }
  func.func @transform_5(%arg0: i32) -> (i32, i32) {
    %c0_i32 = arith.constant 0 : i32
    %c0_i32_0 = arith.constant 0 : i32
    %c0_i32_1 = arith.constant 0 : i32
    return %c0_i32, %c0_i32_0 : i32, i32
  }
  func.func @transform_6(%arg0: i32) -> (i32, i32) {
    %c0_i32 = arith.constant 0 : i32
    %c0_i32_0 = arith.constant 0 : i32
    %c0_i32_1 = arith.constant 0 : i32
    return %c0_i32, %c0_i32_0 : i32, i32
  }
  func.func @transform_7(%arg0: i32) -> (i32, i32) {
    %c0_i32 = arith.constant 0 : i32
    %c0_i32_0 = arith.constant 0 : i32
    %c0_i32_1 = arith.constant 0 : i32
    return %c0_i32, %c0_i32_0 : i32, i32
  }
  func.func @transform_8(%arg0: i32) -> (i32, i32) {
    %c0_i32 = arith.constant 0 : i32
    %c0_i32_0 = arith.constant 0 : i32
    %c0_i32_1 = arith.constant 0 : i32
    return %c0_i32, %c0_i32_0 : i32, i32
  }
  func.func @transform_9(%arg0: i32) -> (i32, i32) {
    %c0_i32 = arith.constant 0 : i32
    %c0_i32_0 = arith.constant 0 : i32
    %c0_i32_1 = arith.constant 0 : i32
    return %c0_i32, %c0_i32_0 : i32, i32
  }
  func.func @transform_10(%arg0: i32) -> (i32, i32) {
    %c0_i32 = arith.constant 0 : i32
    %c0_i32_0 = arith.constant 0 : i32
    return %arg0, %c0_i32 : i32, i32
  }
}

</mosaic_0001>

<sc_bundles>
// kernel: kernel.4.cloned.1.call-start
scs
__scs_entry_jumppad:
0x0: {  	(pc) =	sbr.rel $0x88, $3  }
0x1: {  	(tag) =	ssettag $0x0;
	lr =	simm.s32 $0x1  }
0x2: {  	[smem:$0x3F9A] =	sst lr;
	_ =	strace $0xD0000000  }
0x3: {  	_ = 	snop  }
0x4: {  	_ = 	snop  }
0x5: {  	_ = 	snop  }
0x6: {  	_ = 	snop  }
0x7: {  	_ = 	snop  }
__scs_overlays_trampoline_lowered:
0x8: {  	[smem:$0x3FA9] =	sst s0  }
0x9: {  	[smem:$0x3FAA] =	sst s1  }
0xa: {  	[smem:$0x3FAB] =	sst s2  }
0xb: {  	[smem:$0x3FAC] =	sst s3  }
0xc: {  	[smem:$0x3FAD] =	sst s4  }
0xd: {  	[smem:$0x3FAE] =	sst s5  }
0xe: {  	[smem:$0x3FAF] =	sst s6  }
0xf: {  	[smem:$0x3FB0] =	sst s7  }
0x10: {  	[smem:$0x3FB1] =	sst s8  }
0x11: {  	[smem:$0x3FB2] =	sst s9;
	s0 =	simm.s32 @!p0 $0x0  }
0x12: {  	s1 =	sld [smem:$0x3F98];
	s0 =	simm.s32 @p0 $0x1  }
0x13: {  	[smem:$0x3FB3] =	sst s0;
	s0 =	simm.s32 @!p1 $0x0  }
0x14: {  	s2 =	sld [smem:$0x3F97];
	s0 =	simm.s32 @p1 $0x1  }
0x15: {  	[smem:$0x3FB4] =	sst s0;
	s0 =	simm.s32 @!p2 $0x0  }
0x16: {  	s3 =	sld [smem:$0x3FDB];
	s0 =	simm.s32 @p2 $0x1  }
0x17: {  	s4 =	simm.s32 $0x1BF5;
	[smem:$0x3FB6] =	sst s0  }
0x18: {  	s0 =	sld [smem:$0x3F99];
	_ =	swait.ge [sflag:s4], $0x0  }
0x19: {  	s7 =	sld [smem:$0x3F9A]  }
0x1a: {  	s8 =	sadd.s32 $0xFFFFE003, lr  }
0x1b: {  	s9 =	sadd.s32 $0xFFFFFEF7, lr;
	s5 =	simm.s32 $0xFFFFFFFF;
	p2 =	slt.u32 s8, $0xFFFFF086  }
0x1c: {  	p1 =	slt.u32 s9, $0xF7A;
	s5 =	simm.s32 @!p2 $0x0  }
0x1d: {  	s5 =	simm.s32 @p1 $0x1;
	p0 =	seq.s32 s7, s2  }
0x1e: {  	s7 =	smul.u32 @!p0 $0xF7A, s2;
	p2 =	seq.s32 @!p0 s5, $0x0  }
0x1f: {  	s9 =	smul.u32 $0xF7A, s1;
	s8 =	simm.s32 @!p0 $0x1BF5;
	p2 =	por !p2, p0  }
0x20: {  	[sflag:s8] =	ssyncset.s32 @!p0 $0xFFFFF086;
	s6 =	sadd.s32 @!p0 s3, s7;
	s7 =	simm.s32 @!p0 $0x108  }
0x21: {  	s3 =	sadd.s32 s3, s9;
	s6 =	sadd.s32 @!p0 $0x88, s6;
	s7 =	simm.s32 @p2 $0x1082  }
0x22: {  	[simem:s7], [sflag:s8] =	dma.local @!p0 [hbm:s6], $0xF7A  }
0x23: {  	s9 =	sor.u32 $0xD0000000, s2;
	s6 =	simm.s32 $0x108;
	_ =	swait.ge @!p0 [sflag:s8], $0x0  }
0x24: {  	s3 =	sadd.s32 $0x88, s3;
	s6 =	simm.s32 @!p1 $0x1082;
	[sflag:s4] =	ssyncset.s32 $0xFFFFF086  }
0x25: {  	[simem:s6], [sflag:s4] =	dma.local [hbm:s3], $0xF7A  }
0x26: {  	[smem:$0x3F9A] =	sst s1;
	(tag) =	ssettag s2;
	_ =	strace s9  }
0x27: {  	s1 =	sld [smem:$0x3FAA]  }
0x28: {  	s2 =	sld [smem:$0x3FAB]  }
0x29: {  	s4 =	sld [smem:$0x3FAD]  }
0x2a: {  	p0 =	seq.s32 s5, $0x0;
	s5 =	sld [smem:$0x3FAE]  }
0x2b: {  	s6 =	sld [smem:$0x3FAF]  }
0x2c: {  	s7 =	sld [smem:$0x3FB0]  }
0x2d: {  	s3 =	simm.s32 $0x108;
	s8 =	sld [smem:$0x3FB1]  }
0x2e: {  	s3 =	simm.s32 @!p0 $0x1082;
	s9 =	sld [smem:$0x3FB2]  }
0x2f: {  	lr =	sadd.s32 s0, s3;
	s0 =	sld [smem:$0x3FA9]  }
0x30: {  	s3 =	sld [smem:$0x3FAC]  }
0x31: {  	[smem:$0x3FB5] =	sst s10  }
0x32: {  	s10 =	sld [smem:$0x3FB3];
	_ =	sdelay $0x3  }
0x33: {  	p0 =	seq.s32 s10, $0x1;
	s10 =	sld [smem:$0x3FB5];
	_ =	sdelay $0x3  }
0x34: {  	[smem:$0x3FB5] =	sst s10  }
0x35: {  	s10 =	sld [smem:$0x3FB4];
	_ =	sdelay $0x3  }
0x36: {  	p1 =	seq.s32 s10, $0x1;
	s10 =	sld [smem:$0x3FB5];
	_ =	sdelay $0x3  }
0x37: {  	[smem:$0x3FB5] =	sst s10  }
0x38: {  	s10 =	sld [smem:$0x3FB6]  }
0x39: {  	_ = 	snop;
	(pc) =	sbr.ind lr, $3  }
0x3a: {  	_ = 	snop  }
0x3b: {  	_ = 	snop  }
0x3c: {  	p2 =	seq.s32 s10, $0x1;
	s10 =	sld [smem:$0x3FB5]  }
0x3d: {  	_ =	shalt  }
0x3e: {  	_ =	shalt  }
0x3f: {  	_ =	shalt  }
0x40: {  	_ =	shalt  }
0x41: {  	_ =	shalt  }
0x42: {  	_ =	shalt  }
0x43: {  	_ =	shalt  }
0x44: {  	_ =	shalt  }
0x45: {  	_ =	shalt  }
0x46: {  	_ =	shalt  }
0x47: {  	_ =	shalt  }
0x48: {  	_ =	shalt  }
0x49: {  	_ =	shalt  }
0x4a: {  	_ =	shalt  }
0x4b: {  	_ =	shalt  }
0x4c: {  	_ =	shalt  }
0x4d: {  	_ =	shalt  }
0x4e: {  	_ =	shalt  }
0x4f: {  	_ =	shalt  }
0x50: {  	_ =	shalt  }
0x51: {  	_ =	shalt  }
0x52: {  	_ =	shalt  }
0x53: {  	_ =	shalt  }
0x54: {  	_ =	shalt  }
0x55: {  	_ =	shalt  }
0x56: {  	_ =	shalt  }
0x57: {  	_ =	shalt  }
0x58: {  	_ =	shalt  }
0x59: {  	_ =	shalt  }
0x5a: {  	_ =	shalt  }
0x5b: {  	_ =	shalt  }
0x5c: {  	_ =	shalt  }
0x5d: {  	_ =	shalt  }
0x5e: {  	_ =	shalt  }
0x5f: {  	_ =	shalt  }
0x60: {  	_ =	shalt  }
0x61: {  	_ =	shalt  }
0x62: {  	_ =	shalt  }
0x63: {  	_ =	shalt  }
0x64: {  	_ =	shalt  }
0x65: {  	_ =	shalt  }
0x66: {  	_ =	shalt  }
0x67: {  	_ =	shalt  }
0x68: {  	_ =	shalt  }
0x69: {  	_ =	shalt  }
0x6a: {  	_ =	shalt  }
0x6b: {  	_ =	shalt  }
0x6c: {  	_ =	shalt  }
0x6d: {  	_ =	shalt  }
0x6e: {  	_ =	shalt  }
0x6f: {  	_ =	shalt  }
0x70: {  	_ =	shalt  }
0x71: {  	_ =	shalt  }
0x72: {  	_ =	shalt  }
0x73: {  	_ =	shalt  }
0x74: {  	_ =	shalt  }
0x75: {  	_ =	shalt  }
0x76: {  	_ =	shalt  }
0x77: {  	_ =	shalt  }
0x78: {  	_ =	shalt  }
0x79: {  	_ =	shalt  }
0x7a: {  	_ =	shalt  }
0x7b: {  	_ =	shalt  }
0x7c: {  	_ =	shalt  }
0x7d: {  	_ =	shalt  }
0x7e: {  	_ =	shalt  }
0x7f: {  	_ =	shalt  }
0x80: {  	_ =	shalt  }
0x81: {  	_ =	shalt  }
0x82: {  	_ =	shalt  }
0x83: {  	_ =	shalt  }
0x84: {  	_ =	shalt  }
0x85: {  	_ =	shalt  }
0x86: {  	_ =	shalt  }
0x87: {  	_ =	shalt  }
.Lfunc_end0:
.L_simem_size_0:
called_computation_lowered:
.L_overlay_start_0:
0x88: {  	s2 =	sld [smem:$0x3FD9]  }
0x89: {  	s3 =	sld [smem:$0x3FFE];
	_ =	sdelay $0x1  }
0x8a: {  	s1 =	srdreg.scid  }
0x8b: {  	s0 =	sand.u32 $0x1, s1  }
0x8c: {  	s17 =	sshll.u32 s0, $0xA;
	s2 =	sadd.s32 s3, s2  }
0x8d: {  	s2 =	sadd.s32 s2, s17  }
0x8e: {  	[smem:$0x3FC1] =	sst s2  }
0x8f: {  	_ = 	snop  }
0x90: {  	s2 =	sld [smem:$0x3FC9]  }
0x91: {  	s18 =	sld [smem:$0x3FD0];
	(tm) =	ssettm $0x1  }
0x92: {  	s4 =	sld [smem:$0x3FFB];
	_ =	sdelay $0x3  }
0x93: {  	_ =	strace s4  }
0x94: {  	s4 =	sld [smem:$0x3FFC];
	_ =	sdelay $0x3  }
0x95: {  	_ =	strace s4  }
0x96: {  	s4 =	sld [smem:$0x3FFD];
	_ =	sdelay $0x3  }
0x97: {  	_ =	strace s4  }
0x98: {  	_ =	strace $0x8FFFFFFF  }
0x99: {  	s19 =	sld [smem:$0x3FDB];
	_ =	sdelay $0x1  }
0x9a: {  	s5 =	simm.s32 $_scs_section_size  }
0x9b: {  	s6 =	simm.s32 $_size__tile_overlayer_lowered;
	s7 =	simm.s32 $_tile_overlayer_lowered  }
0x9c: {  	s22 =	simm.s32 $0x1BFF;
	s21 =	sshll.u32 s7, $0x1;
	s4 =	sadd.s32 s5, s19  }
0x9d: {  	s8 =	simm.s32 $0x0;
	s20 =	sshll.u32 s6, $0x1;
	s6 =	sadd.s32 s21, s4  }
0x9e: {  	[timem:s8], [sflag:s22] =	dma.local [hbm:s6], s20  }
0x9f: {  	_ =	swait.ge [sflag:s22], s20  }
0xa0: {  	s5 =	ssub.s32 $0x0, s20;
	[sflag:s22] =	ssyncset.done $0x0  }
0xa1: {  	[sflag:s22] =	ssyncadd.s32 s5;
	_ =	sdelay $0x1  }
0xa2: {  	s23 =	simm.s32 $0x1B8B  }
0xa3: {  	_ =	swait.ge [sflag:s23], $0x1  }
0xa4: {  	[sflag:s23] =	ssyncset.done $0x0  }
0xa5: {  	s25 =	simm.s32 $0x1B8E;
	s24 =	sld [smem:$0x3FFE];
	[sflag:s23] =	ssyncadd.s32 $0xFFFFFFFF  }
0xa6: {  	s26 =	simm.s32 $execute0_lowered;
	[smem:$0x3FD2] =	sst s25  }
0xa7: {  	s6 =	sshll.u32 s26, $0x1;
	_ =	strace $0x80000046;
	[dreg:$0x1] =	wrdreg $0xFFFFFFFF  }
0xa8: {  	s28 =	simm.s32 $_size_execute0_lowered;
	s4 =	sadd.s32 s4, s6;
	[dreg:$0x0] =	wrdreg $0x0  }
0xa9: {  	s6 =	sshll.u32 s28, $0x1;
	[dreg:$0x2] =	wrdreg s4  }
0xaa: {  	[dreg:$0x3] =	wrdreg s6  }
0xab: {  	[dreg:$0x4] =	wrdreg $0xC0  }
0xac: {  	_ =	task [dreg:s8], $0x5FFFF  }
0xad: {  	[dreg:$0x1] =	wrdreg $0xFFFFFFFF  }
0xae: {  	[dreg:$0x0] =	wrdreg $0x60  }
0xaf: {  	[dreg:$0x2] =	wrdreg s2  }
0xb0: {  	[dreg:$0x3] =	wrdreg s18  }
0xb1: {  	[dreg:$0x4] =	wrdreg s24  }
0xb2: {  	[dreg:$0x5] =	wrdreg $0xAA000  }
0xb3: {  	[dreg:$0x6] =	wrdreg $0x9  }
0xb4: {  	_ =	task.clear_ibuf [dreg:s8], $0x7FFFF;
	_ =	strace $0x90000046  }
0xb5: {  	s29 =	simm.s32 $0x9;
	_ =	strace $0x80000048  }
0xb6: {  	_ =	swait.ge [sflag:s29], $0x1  }
0xb7: {  	[sflag:s29] =	ssyncadd.s32 $0xFFFFFFFF  }
0xb8: {  	_ =	strace $0x90000048  }
0xb9: {  	_ =	sfence  }
0xba: {  	s30 =	sld [smem:$0x0];
	_ =	sdelay $0x2  }
0xbb: {  	s31 =	sshll.u32 s1, $0xD;
	s1 =	sshrl.u32 s1, $0x2  }
0xbc: {  	s3 =	sand.u32 $0x4000, s31;
	s1 =	sadd.s32 s1, s30  }
0xbd: {  	s0 =	sor.u32 s3, s0;
	s1 =	sshll.u32 s1, $0x11  }
0xbe: {  	s0 =	sor.u32 s1, s0  }
0xbf: {  	s0 =	sadd.s32 $0x8F2B, s0  }
0xc0: {  	[sflag:s0] =	ssyncadd.remote.s32 $0x1  }
0xc1: {  	_ =	sfence.sel $0xFFFF  }
0xc2: {  	[dreg:$0x0] =	wrdreg $0xFFFFFFFF;
	(pc) =	sbr.abs _section_cstart, $3  }
0xc3: {  	[dreg:$0x1] =	wrdreg $0xFFFFFFFF  }
0xc4: {  	_ =	task.clear_ibuf [dreg:s8], $0x2FFFF;
	_ =	strace $0x9FFFFFFF  }
0xc5: {  	(tm) =	ssettm $0x7FFFFFFF  }
tec
execute0_lowered:
.L_overlay_start_1:
0x0: {  	(tag) =	ssettag $0x1  }
0x1: {  	s0 =	rddreg [dreg:$0x0]  }
0x2: {  	s1 =	rddreg [dreg:$0x1]  }
0x3: {  	s5 =	rddreg [dreg:$0x2]  }
0x4: {  	s2 =	srdreg.scid;
	s3 =	rddreg [dreg:$0x3]  }
0x5: {  	s20 =	stileid.u32;
	s4 =	simm.s32 $0x0;
	s30 =	simm.s32 $0x20  }
0x6: {  	s28 =	simm.s32 $0x9A00;
	s29 =	simm.s32 $0x9A00;
	s9 =	smul.u32 $0x14000, s20  }
0x7: {  	s2 =	sand.u32 $0x1, s2;
	[smem:$0x7FF] =	sst s4;
	s22 =	smul.u32 $0x50000, s20  }
0x8: {  	s7 =	sadd.s32 $0xB400, s5;
	s10 =	sadd.s32 $0x5B400, s5;
	s12 =	smul.u32 $0x140000, s2  }
0x9: {  	s6 =	sshll.u32 s2, $0x4;
	s8 =	ssub.s32 $0x2, s2;
	s2 =	smul.u32 $0x5000, s2  }
0xa: {  	s6 =	sor.u32 s20, s6;
	s11 =	sshrl.u32 s8, $0x1;
	s13 =	sadd.s32 $0x4000, s9  }
0xb: {  	s14 =	sadd.s32 $0x8000, s9;
	s17 =	sadd.s32 $0xC000, s9;
	s6 =	smul.u32 $0x2800, s6  }
0xc: {  	s8 =	ssub.s32 s8, s11;
	s15 =	sadd.s32 s9, s12;
	s16 =	sadd.s32 s12, s13  }
0xd: {  	s9 =	sadd.s32 $0x10000, s9;
	s24 =	sadd.s32 s12, s14;
	s19 =	sadd.s32 s12, s17  }
0xe: {  	s15 =	sshrl.u32 s15, $0x3;
	s16 =	sshrl.u32 s16, $0x3;
	s12 =	sadd.s32 s12, s9  }
0xf: {  	s19 =	sshrl.u32 s19, $0x3;
	s11 =	sadd.s32 s9, s3;
	s18 =	sadd.s32 s7, s15  }
0x10: {  	s23 =	sadd.s32 s7, s16;
	s12 =	sshrl.u32 s12, $0x3;
	[dreg:$0x5] =	wrdreg s18  }
0x11: {  	s25 =	sadd.s32 s7, s19;
	s26 =	sadd.s32 s10, s15;
	[dreg:$0x6] =	wrdreg s23  }
0x12: {  	s31 =	sadd.s32 s10, s16;
	s15 =	sadd.s32 s10, s19;
	[dreg:$0x8] =	wrdreg s25  }
0x13: {  	s19 =	sshrl.u32 s22, $0x2;
	s22 =	smul.u32 $0x500, s20;
	[dreg:$0xa] =	wrdreg s26  }
0x14: {  	s20 =	simm.s32 $0x8A00;
	s18 =	sshrl.u32 s24, $0x3;
	[dreg:$0xb] =	wrdreg s31  }
0x15: {  	[dreg:$0xd] =	wrdreg s15;
	s16 =	sadd.s32 s10, s12;
	s23 =	sadd.s32 s14, s3  }
0x16: {  	s24 =	sadd.s32 s17, s3;
	s31 =	smax.u32 s8, $0x1;
	s15 =	simm.s32 $0x3A00  }
0x17: {  	s8 =	simm.s32 $0x6A00;
	s14 =	simm.s32 $0x8A00;
	s21 =	sadd.s32 s7, s18  }
0x18: {  	s7 =	sadd.s32 s7, s12;
	s4 =	sadd.s32 s10, s18;
	[dreg:$0xe] =	wrdreg s16  }
0x19: {  	s18 =	sshrl.u32 s6, $0x3;
	s12 =	sadd.s32 s19, s3;
	[dreg:$0x7] =	wrdreg s21  }
0x1a: {  	s6 =	smin.u32 s6, $0x4D700;
	s19 =	simm.s32 $0x7A00;
	[dreg:$0x9] =	wrdreg s7  }
0x1b: {  	s16 =	simm.s32 $0x4;
	s10 =	simm.s32 $0x5A00;
	[dreg:$0xc] =	wrdreg s4  }
0x1c: {  	s5 =	sadd.s32 s18, s5;
	s21 =	sadd.s32 s13, s3;
	s7 =	sadd.s32 s1, s18  }
0x1d: {  	s6 =	sshrl.u32 s6, $0x3;
	_ =	strace $0x80000047;
	[dreg:$0x12] =	wrdreg s23  }
0x1e: {  	s18 =	simm.s32 $0x5A00;
	s4 =	simm.s32 $0x0;
	[dreg:$0x13] =	wrdreg s24  }
0x1f: {  	s6 =	sadd.s32 s1, s6;
	s1 =	sadd.s32 s2, s1;
	[dreg:$0x11] =	wrdreg s7  }
0x20: {  	s17 =	smov.u32 s21;
	s5 =	sadd.s32 $0x1400, s5;
	[dreg:$0x18] =	wrdreg s31  }
0x21: {  	s25 =	sadd.s32 $0x20, s7;
	s2 =	simm.s32 $0x4A00;
	[dreg:$0xf] =	wrdreg s12  }
0x22: {  	s7 =	simm.s32 $0x80;
	s21 =	simm.s32 $0x1;
	[dreg:$0x14] =	wrdreg s11  }
0x23: {  	s23 =	simm.s32 $0x6;
	s24 =	simm.s32 $0x3;
	[dreg:$0x15] =	wrdreg s5  }
0x24: {  	s1 =	sadd.s32 s22, s1;
	[dreg:$0x16] =	wrdreg s25;
	s26 =	sadd.s32 $0x500, s6  }
0x25: {  	s22 =	simm.s32 $0x2;
	s25 =	simm.s32 $0x160;
	[dreg:$0x10] =	wrdreg s17  }
0x26: {  	s6 =	simm.s32 $0x4A00;
	[dreg:$0x17] =	wrdreg s26;
	s1 =	sadd.s32 $0x60, s1  }
0x27: {  	v0 =	vimm.f32 $0.0e+00;
	v1 =	vimm.f32 $1.000000000e+00;
	s26 =	simm.s32 $0x2A00;
	[dreg:$0x19] =	wrdreg s1;
	s1 =	simm.s32 $0x5  }
.LBB2_1:
0x28: {  	[dreg:$0x1a] =	wrdreg s4;
	s5 =	simm.s32 $0x0;
	s9 =	simm.s32 $0x200  }
.LBB2_2:
0x29: {  	p0 =	sne.s32 s9, $0xFE00;
	[tilespmem:s5+$0x2A70] =	vst v0  }
0x2a: {  	[tilespmem:s5+$0x2A00] =	vst v0  }
0x2b: {  	[tilespmem:s5+$0x2A10] =	vst v0  }
.Ltmp0:
0x2c: {  	[tilespmem:s5+$0x2A20] =	vst v0;
	(pc) =	sbr.rel @p0 .LBB2_2-.Ltmp0, $4  }
0x2d: {  	[tilespmem:s5+$0x2A30] =	vst v0  }
0x2e: {  	[tilespmem:s5+$0x2A40] =	vst v0  }
0x2f: {  	[tilespmem:s5+$0x2A50] =	vst v0  }
0x30: {  	[tilespmem:s5+$0x2A60] =	vst v0;
	s5 =	sshra.s32 s9, $0x2;
	s9 =	sadd.s32 $0x200, s9  }
0x31: {  	[tilespmem:s5+$0x2A70] =	vst v0  }
0x32: {  	[tilespmem:s5+$0x2A00] =	vst v0  }
0x33: {  	[tilespmem:s5+$0x2A10] =	vst v0  }
0x34: {  	[tilespmem:s5+$0x2A20] =	vst v0  }
0x35: {  	[tilespmem:s5+$0x2A30] =	vst v0  }
0x36: {  	[tilespmem:s5+$0x2A40] =	vst v0  }
0x37: {  	[tilespmem:s5+$0x2A50] =	vst v0  }
0x38: {  	[tilespmem:s5+$0x2A60] =	vst v0;
	s13 =	simm.s32 $0x7  }
0x39: {  	[spmem:s12] =	stream.linear.scatter [tilespmem:s26], [sflag:$0x7], $0x4000, $0x38;
	[tilespmem:$0x1EA00] =	vst v63  }
0x3a: {  	_ =	swait.ge [sflag:s13], $0x4000  }
0x3b: {  	[sflag:s13] =	ssyncset.done $0x0  }
0x3c: {  	[sflag:s13] =	ssyncadd.s32 $0xFFFFC000  }
0x3d: {  	[spmem:s17] =	stream.linear.scatter [tilespmem:s26], [sflag:$0x7], $0x4000, $0x38;
	[tilespmem:$0x1EA00] =	vst v63  }
0x3e: {  	_ =	swait.ge [sflag:s13], $0x4000  }
0x3f: {  	[sflag:s13] =	ssyncset.done $0x0  }
0x40: {  	s9 =	rddreg [dreg:$0x12];
	[sflag:s13] =	ssyncadd.s32 $0xFFFFC000  }
0x41: {  	[spmem:s9] =	stream.linear.scatter [tilespmem:s26], [sflag:$0x7], $0x4000, $0x38;
	[tilespmem:$0x1EA00] =	vst v63  }
0x42: {  	_ =	swait.ge [sflag:s13], $0x4000  }
0x43: {  	[sflag:s13] =	ssyncset.done $0x0  }
0x44: {  	s12 =	rddreg [dreg:$0x13];
	[sflag:s13] =	ssyncadd.s32 $0xFFFFC000  }
0x45: {  	[spmem:s12] =	stream.linear.scatter [tilespmem:s26], [sflag:$0x7], $0x4000, $0x38;
	[tilespmem:$0x1EA00] =	vst v63  }
0x46: {  	_ =	swait.ge [sflag:s13], $0x4000  }
0x47: {  	[sflag:s13] =	ssyncset.done $0x0  }
0x48: {  	[sflag:s13] =	ssyncadd.s32 $0xFFFFC000  }
0x49: {  	[spmem:s11] =	stream.linear.scatter [tilespmem:s26], [sflag:$0x7], $0x4000, $0x38;
	[tilespmem:$0x1EA00] =	vst v63  }
0x4a: {  	_ =	swait.ge [sflag:s13], $0x4000  }
0x4b: {  	s5 =	simm.s32 $0x0;
	[sflag:s13] =	ssyncset.done $0x0  }
0x4c: {  	s17 =	simm.s32 $0x200;
	s9 =	rddreg [dreg:$0x15];
	[sflag:s13] =	ssyncadd.s32 $0xFFFFC000  }
0x4d: {  	[tilespmem:s17], [sflag:$0x7] =	stream.linear.gather [hbm4b:s9+s5], $0x2800, $0x38;
	[tilespmem:$0x1EA00] =	vst v63  }
0x4e: {  	_ =	swait.ge [sflag:s13], $0x2800  }
0x4f: {  	[sflag:s13] =	ssyncset.done $0x0  }
0x50: {  	[sflag:s13] =	ssyncadd.s32 $0xFFFFD800  }
0x51: {  	[bflag:$0x0] =	sbarrier.arrive $0xFFFF  }
0x52: {  	s4 =	rddreg [dreg:$0x11]  }
0x53: {  	[tilespmem:s5], [sflag:$0x7] =	stream.linear.gather [hbm4b:s4+s5], $0x100, $0x38;
	[tilespmem:$0x1EA00] =	vst v63  }
0x54: {  	_ =	swait.ge [sflag:s13], $0x100  }
0x55: {  	[sflag:s13] =	ssyncset.done $0x0  }
0x56: {  	[sflag:s13] =	ssyncadd.s32 $0xFFFFFF00  }
0x57: {  	[tilespmem:s26], [sflag:$0x1] =	stream.indirect.gather [hbm4b:s0+s30], $0x80, s5, s30, $0xb8;
	[tilespmem:$0x1EA00] =	vst v63  }
0x58: {  	_ = 	snop  }
0x59: {  	[tilespmem:s15], [sflag:$0x1] =	stream.indirect.gather [hbm4b:s0+s30], $0x80, s30, s30, $0xb8;
	[tilespmem:$0x1EA00] =	vst v63  }
0x5a: {  	s13 =	simm.s32 $0x40  }
0x5b: {  	[tilespmem:s2], [sflag:$0x1] =	stream.indirect.gather [hbm4b:s0+s30], $0x80, s13, s30, $0xb8;
	[tilespmem:$0x1EA00] =	vst v63  }
0x5c: {  	s17 =	simm.s32 $0x60  }
0x5d: {  	[tilespmem:s18], [sflag:$0x1] =	stream.indirect.gather [hbm4b:s0+s30], $0x80, s17, s30, $0xb8;
	[tilespmem:$0x1EA00] =	vst v63  }
0x5e: {  	_ = 	snop  }
0x5f: {  	[tilespmem:s8], [sflag:$0x2] =	stream.indirect.gather [hbm4b:s0+s30], $0x80, s7, s30, $0xb8;
	[tilespmem:$0x1EA00] =	vst v63  }
0x60: {  	s31 =	simm.s32 $0xA0  }
0x61: {  	[tilespmem:s19], [sflag:$0x2] =	stream.indirect.gather [hbm4b:s0+s30], $0x80, s31, s30, $0xb8;
	[tilespmem:$0x1EA00] =	vst v63  }
0x62: {  	s4 =	simm.s32 $0xC0  }
0x63: {  	[tilespmem:s20], [sflag:$0x2] =	stream.indirect.gather [hbm4b:s0+s30], $0x80, s4, s30, $0xb8;
	[tilespmem:$0x1EA00] =	vst v63  }
0x64: {  	s9 =	simm.s32 $0xE0  }
0x65: {  	[tilespmem:s28], [sflag:$0x2] =	stream.indirect.gather [hbm4b:s0+s30], $0x80, s9, s30, $0xb8;
	[tilespmem:$0x1EA00] =	vst v63  }
0x66: {  	s11 =	rddreg [dreg:$0x16];
	s4 =	simm.s32 $0x100  }
0x67: {  	[tilespmem:s4], [sflag:$0x6] =	stream.linear.gather [hbm4b:s11+s5], $0x100, $0x38;
	[tilespmem:$0x1EA00] =	vst v63  }
0x68: {  	_ =	swait.ge [sflag:s21], $0x4000  }
0x69: {  	[sflag:s21] =	ssyncset.done $0x0  }
0x6a: {  	s15 =	simm.s32 $0x200;
	[sflag:s21] =	ssyncadd.s32 $0xFFFFC000  }
0x6b: {  	[spmem:s3] =	stream.indirect.scatter.add.f32 [tilespmem:s26], [sflag:$0x3], $0x80, s15, s7, $0xb8;
	[tilespmem:$0x1EA00] =	vst v63  }
0x6c: {  	_ =	swait.ge [sflag:s22], $0x4000  }
0x6d: {  	[sflag:s22] =	ssyncset.done $0x0  }
0x6e: {  	s18 =	simm.s32 $0x280;
	[sflag:s22] =	ssyncadd.s32 $0xFFFFC000  }
0x6f: {  	[spmem:s3] =	stream.indirect.scatter.add.f32 [tilespmem:s8], [sflag:$0x4], $0x80, s18, s7, $0xb8;
	[tilespmem:$0x1EA00] =	vst v63  }
0x70: {  	_ =	swait.ge [sflag:s23], $0x100  }
0x71: {  	[sflag:s23] =	ssyncset.done $0x0  }
0x72: {  	[sflag:s23] =	ssyncadd.s32 $0xFFFFFF00  }
0x73: {  	_ =	swait.ge [sflag:s24], $0x4000  }
0x74: {  	[sflag:s24] =	ssyncset.done $0x0  }
0x75: {  	[sflag:s24] =	ssyncadd.s32 $0xFFFFC000  }
0x76: {  	[tilespmem:s26], [sflag:$0x1] =	stream.indirect.gather [hbm4b:s0+s30], $0x80, s4, s30, $0xb8;
	[tilespmem:$0x1EA00] =	vst v63  }
0x77: {  	s2 =	simm.s32 $0x3A00;
	s19 =	simm.s32 $0x120  }
0x78: {  	[tilespmem:s2], [sflag:$0x1] =	stream.indirect.gather [hbm4b:s0+s30], $0x80, s19, s30, $0xb8;
	[tilespmem:$0x1EA00] =	vst v63  }
0x79: {  	s20 =	simm.s32 $0x140  }
0x7a: {  	[tilespmem:s6], [sflag:$0x1] =	stream.indirect.gather [hbm4b:s0+s30], $0x80, s20, s30, $0xb8;
	[tilespmem:$0x1EA00] =	vst v63  }
0x7b: {  	_ = 	snop  }
0x7c: {  	[tilespmem:s10], [sflag:$0x1] =	stream.indirect.gather [hbm4b:s0+s30], $0x80, s25, s30, $0xb8;
	[tilespmem:$0x1EA00] =	vst v63  }
0x7d: {  	_ =	swait.ge [sflag:s16], $0x4000  }
0x7e: {  	[sflag:s16] =	ssyncset.done $0x0  }
0x7f: {  	s9 =	simm.s32 $0x180;
	[sflag:s16] =	ssyncadd.s32 $0xFFFFC000  }
0x80: {  	[tilespmem:s8], [sflag:$0x2] =	stream.indirect.gather [hbm4b:s0+s30], $0x80, s9, s30, $0xb8;
	[tilespmem:$0x1EA00] =	vst v63  }
0x81: {  	s12 =	simm.s32 $0x7A00;
	s11 =	simm.s32 $0x1A0  }
0x82: {  	[tilespmem:s12], [sflag:$0x2] =	stream.indirect.gather [hbm4b:s0+s30], $0x80, s11, s30, $0xb8;
	[tilespmem:$0x1EA00] =	vst v63  }
0x83: {  	s15 =	simm.s32 $0x1C0  }
0x84: {  	[tilespmem:s14], [sflag:$0x2] =	stream.indirect.gather [hbm4b:s0+s30], $0x80, s15, s30, $0xb8;
	[tilespmem:$0x1EA00] =	vst v63  }
0x85: {  	s18 =	simm.s32 $0x1E0;
	s11 =	rddreg [dreg:$0x19]  }
0x86: {  	[tilespmem:s29], [sflag:$0x2] =	stream.indirect.gather [hbm4b:s0+s30], $0x80, s18, s30, $0xb8;
	[tilespmem:$0x1EA00] =	vst v63  }
0x87: {  	s25 =	simm.s32 $0x0;
	s19 =	sadd.s32 $0xFFFFFFE0, s11  }
0x88: {  	[tilespmem:s25], [sflag:$0x5] =	stream.linear.gather [hbm4b:s19+s25], $0x100, $0x38;
	[tilespmem:$0x1EA00] =	vst v63  }
0x89: {  	_ =	swait.ge [sflag:s21], $0x4000  }
0x8a: {  	[sflag:s21] =	ssyncset.done $0x0  }
0x8b: {  	s20 =	simm.s32 $0x300;
	[sflag:s21] =	ssyncadd.s32 $0xFFFFC000  }
0x8c: {  	[spmem:s3] =	stream.indirect.scatter.add.f32 [tilespmem:s26], [sflag:$0x3], $0x80, s20, s7, $0xb8;
	[tilespmem:$0x1EA00] =	vst v63  }
0x8d: {  	_ =	swait.ge [sflag:s22], $0x4000  }
0x8e: {  	[sflag:s22] =	ssyncset.done $0x0  }
0x8f: {  	s9 =	simm.s32 $0x380;
	[sflag:s22] =	ssyncadd.s32 $0xFFFFC000  }
0x90: {  	[spmem:s3] =	stream.indirect.scatter.add.f32 [tilespmem:s8], [sflag:$0x4], $0x80, s9, s7, $0xb8;
	[tilespmem:$0x1EA00] =	vst v63  }
0x91: {  	_ =	swait.ge [sflag:s1], $0x100  }
0x92: {  	[sflag:s1] =	ssyncset.done $0x0  }
0x93: {  	[sflag:s1] =	ssyncadd.s32 $0xFFFFFF00  }
0x94: {  	_ =	swait.ge [sflag:s24], $0x4000  }
0x95: {  	[sflag:s24] =	ssyncset.done $0x0  }
0x96: {  	[sflag:s24] =	ssyncadd.s32 $0xFFFFC000  }
0x97: {  	[tilespmem:s26], [sflag:$0x1] =	stream.indirect.gather [hbm4b:s0+s30], $0x80, s25, s30, $0xb8;
	[tilespmem:$0x1EA00] =	vst v63  }
0x98: {  	_ = 	snop  }
0x99: {  	[tilespmem:s2], [sflag:$0x1] =	stream.indirect.gather [hbm4b:s0+s30], $0x80, s30, s30, $0xb8;
	[tilespmem:$0x1EA00] =	vst v63  }
0x9a: {  	_ = 	snop  }
0x9b: {  	[tilespmem:s6], [sflag:$0x1] =	stream.indirect.gather [hbm4b:s0+s30], $0x80, s13, s30, $0xb8;
	[tilespmem:$0x1EA00] =	vst v63  }
0x9c: {  	_ = 	snop  }
0x9d: {  	[tilespmem:s10], [sflag:$0x1] =	stream.indirect.gather [hbm4b:s0+s30], $0x80, s17, s30, $0xb8;
	[tilespmem:$0x1EA00] =	vst v63  }
0x9e: {  	_ =	swait.ge [sflag:s16], $0x4000  }
0x9f: {  	[sflag:s16] =	ssyncset.done $0x0  }
0xa0: {  	s28 =	simm.s32 $0xC0;
	[sflag:s16] =	ssyncadd.s32 $0xFFFFC000  }
0xa1: {  	[tilespmem:s8], [sflag:$0x2] =	stream.indirect.gather [hbm4b:s0+s30], $0x80, s7, s30, $0xb8;
	[tilespmem:$0x1EA00] =	vst v63  }
0xa2: {  	s5 =	simm.s32 $0x800;
	s15 =	simm.s32 $0x160;
	s18 =	simm.s32 $0x40  }
0xa3: {  	[tilespmem:s12], [sflag:$0x2] =	stream.indirect.gather [hbm4b:s0+s30], $0x80, s31, s30, $0xb8;
	[tilespmem:$0x1EA00] =	vst v63  }
0xa4: {  	s19 =	simm.s32 $0x60;
	s20 =	simm.s32 $0xA0;
	s13 =	simm.s32 $0xC0  }
0xa5: {  	[tilespmem:s14], [sflag:$0x2] =	stream.indirect.gather [hbm4b:s0+s30], $0x80, s13, s30, $0xb8;
	[tilespmem:$0x1EA00] =	vst v63  }
0xa6: {  	s9 =	sadd.s32 $0x40, s11;
	s17 =	simm.s32 $0xE0;
	s31 =	simm.s32 $0xE0  }
0xa7: {  	[tilespmem:s29], [sflag:$0x2] =	stream.indirect.gather [hbm4b:s0+s30], $0x80, s17, s30, $0xb8;
	[tilespmem:$0x1EA00] =	vst v63  }
.LBB2_4:
0xa8: {  	[tilespmem:s4], [sflag:$0x6] =	stream.linear.gather [hbm4b:s11+s25], $0x100, $0x38;
	[tilespmem:$0x1EA00] =	vst v63  }
0xa9: {  	s13 =	smov.u32 s5;
	s11 =	smov.u32 s9  }
0xaa: {  	p0 =	sne.s32 s5, $0x9000;
	s5 =	sadd.s32 $0x800, s5;
	_ =	swait.ge [sflag:s21], $0x4000  }
0xab: {  	s13 =	sshra.s32 s13, $0x2;
	[sflag:s21] =	ssyncset.done $0x0  }
0xac: {  	s17 =	sadd.s32 $0x200, s13;
	[sflag:s21] =	ssyncadd.s32 $0xFFFFC000  }
0xad: {  	[spmem:s3] =	stream.indirect.scatter.add.f32 [tilespmem:s26], [sflag:$0x3], $0x80, s17, s7, $0xb8;
	[tilespmem:$0x1EA00] =	vst v63  }
0xae: {  	_ =	swait.ge [sflag:s22], $0x4000  }
0xaf: {  	[sflag:s22] =	ssyncset.done $0x0  }
0xb0: {  	s17 =	sadd.s32 $0x280, s13;
	[sflag:s22] =	ssyncadd.s32 $0xFFFFC000  }
0xb1: {  	[spmem:s3] =	stream.indirect.scatter.add.f32 [tilespmem:s8], [sflag:$0x4], $0x80, s17, s7, $0xb8;
	[tilespmem:$0x1EA00] =	vst v63  }
0xb2: {  	_ =	swait.ge [sflag:s23], $0x100  }
0xb3: {  	[sflag:s23] =	ssyncset.done $0x0  }
0xb4: {  	[sflag:s23] =	ssyncadd.s32 $0xFFFFFF00  }
0xb5: {  	_ =	swait.ge [sflag:s24], $0x4000  }
0xb6: {  	[sflag:s24] =	ssyncset.done $0x0  }
0xb7: {  	[sflag:s24] =	ssyncadd.s32 $0xFFFFC000  }
0xb8: {  	[tilespmem:s26], [sflag:$0x1] =	stream.indirect.gather [hbm4b:s0+s30], $0x80, s4, s30, $0xb8;
	[tilespmem:$0x1EA00] =	vst v63  }
0xb9: {  	s17 =	simm.s32 $0x120  }
0xba: {  	[tilespmem:s2], [sflag:$0x1] =	stream.indirect.gather [hbm4b:s0+s30], $0x80, s17, s30, $0xb8;
	[tilespmem:$0x1EA00] =	vst v63  }
0xbb: {  	s17 =	simm.s32 $0x140  }
0xbc: {  	[tilespmem:s6], [sflag:$0x1] =	stream.indirect.gather [hbm4b:s0+s30], $0x80, s17, s30, $0xb8;
	[tilespmem:$0x1EA00] =	vst v63  }
0xbd: {  	_ = 	snop  }
0xbe: {  	[tilespmem:s10], [sflag:$0x1] =	stream.indirect.gather [hbm4b:s0+s30], $0x80, s15, s30, $0xb8;
	[tilespmem:$0x1EA00] =	vst v63  }
0xbf: {  	_ =	swait.ge [sflag:s16], $0x4000  }
0xc0: {  	[sflag:s16] =	ssyncset.done $0x0  }
0xc1: {  	s17 =	simm.s32 $0x180;
	[sflag:s16] =	ssyncadd.s32 $0xFFFFC000  }
0xc2: {  	[tilespmem:s8], [sflag:$0x2] =	stream.indirect.gather [hbm4b:s0+s30], $0x80, s17, s30, $0xb8;
	[tilespmem:$0x1EA00] =	vst v63  }
0xc3: {  	s17 =	simm.s32 $0x1A0  }
0xc4: {  	[tilespmem:s12], [sflag:$0x2] =	stream.indirect.gather [hbm4b:s0+s30], $0x80, s17, s30, $0xb8;
	[tilespmem:$0x1EA00] =	vst v63  }
0xc5: {  	s17 =	simm.s32 $0x1C0  }
0xc6: {  	[tilespmem:s14], [sflag:$0x2] =	stream.indirect.gather [hbm4b:s0+s30], $0x80, s17, s30, $0xb8;
	[tilespmem:$0x1EA00] =	vst v63  }
0xc7: {  	s17 =	simm.s32 $0x1E0  }
0xc8: {  	[tilespmem:s29], [sflag:$0x2] =	stream.indirect.gather [hbm4b:s0+s30], $0x80, s17, s30, $0xb8;
	[tilespmem:$0x1EA00] =	vst v63  }
0xc9: {  	s17 =	sadd.s32 $0xFFFFFFE0, s9  }
0xca: {  	[tilespmem:s25], [sflag:$0x5] =	stream.linear.gather [hbm4b:s17+s25], $0x100, $0x38;
	[tilespmem:$0x1EA00] =	vst v63  }
0xcb: {  	_ =	swait.ge [sflag:s21], $0x4000  }
0xcc: {  	[sflag:s21] =	ssyncset.done $0x0  }
0xcd: {  	s17 =	sadd.s32 $0x300, s13;
	[sflag:s21] =	ssyncadd.s32 $0xFFFFC000  }
0xce: {  	[spmem:s3] =	stream.indirect.scatter.add.f32 [tilespmem:s26], [sflag:$0x3], $0x80, s17, s7, $0xb8;
	[tilespmem:$0x1EA00] =	vst v63  }
0xcf: {  	_ =	swait.ge [sflag:s22], $0x4000  }
0xd0: {  	[sflag:s22] =	ssyncset.done $0x0  }
0xd1: {  	s13 =	sadd.s32 $0x380, s13;
	[sflag:s22] =	ssyncadd.s32 $0xFFFFC000  }
0xd2: {  	[spmem:s3] =	stream.indirect.scatter.add.f32 [tilespmem:s8], [sflag:$0x4], $0x80, s13, s7, $0xb8;
	[tilespmem:$0x1EA00] =	vst v63  }
0xd3: {  	_ =	swait.ge [sflag:s1], $0x100  }
0xd4: {  	[sflag:s1] =	ssyncset.done $0x0  }
0xd5: {  	[sflag:s1] =	ssyncadd.s32 $0xFFFFFF00  }
0xd6: {  	_ =	swait.ge [sflag:s24], $0x4000  }
0xd7: {  	[sflag:s24] =	ssyncset.done $0x0  }
0xd8: {  	[sflag:s24] =	ssyncadd.s32 $0xFFFFC000  }
0xd9: {  	[tilespmem:s26], [sflag:$0x1] =	stream.indirect.gather [hbm4b:s0+s30], $0x80, s25, s30, $0xb8;
	[tilespmem:$0x1EA00] =	vst v63  }
0xda: {  	_ = 	snop  }
0xdb: {  	[tilespmem:s2], [sflag:$0x1] =	stream.indirect.gather [hbm4b:s0+s30], $0x80, s30, s30, $0xb8;
	[tilespmem:$0x1EA00] =	vst v63  }
0xdc: {  	_ = 	snop  }
0xdd: {  	[tilespmem:s6], [sflag:$0x1] =	stream.indirect.gather [hbm4b:s0+s30], $0x80, s18, s30, $0xb8;
	[tilespmem:$0x1EA00] =	vst v63  }
0xde: {  	_ = 	snop  }
0xdf: {  	[tilespmem:s10], [sflag:$0x1] =	stream.indirect.gather [hbm4b:s0+s30], $0x80, s19, s30, $0xb8;
	[tilespmem:$0x1EA00] =	vst v63  }
0xe0: {  	_ =	swait.ge [sflag:s16], $0x4000  }
0xe1: {  	[sflag:s16] =	ssyncset.done $0x0  }
0xe2: {  	[sflag:s16] =	ssyncadd.s32 $0xFFFFC000  }
0xe3: {  	[tilespmem:s8], [sflag:$0x2] =	stream.indirect.gather [hbm4b:s0+s30], $0x80, s7, s30, $0xb8;
	[tilespmem:$0x1EA00] =	vst v63  }
0xe4: {  	_ = 	snop  }
0xe5: {  	[tilespmem:s12], [sflag:$0x2] =	stream.indirect.gather [hbm4b:s0+s30], $0x80, s20, s30, $0xb8;
	[tilespmem:$0x1EA00] =	vst v63  }
.Ltmp1:
0xe6: {  	(pc) =	sbr.rel @p0 .LBB2_4-.Ltmp1, $4  }
0xe7: {  	[tilespmem:s14], [sflag:$0x2] =	stream.indirect.gather [hbm4b:s0+s30], $0x80, s28, s30, $0xb8;
	[tilespmem:$0x1EA00] =	vst v63  }
0xe8: {  	_ = 	snop  }
0xe9: {  	[tilespmem:s29], [sflag:$0x2] =	stream.indirect.gather [hbm4b:s0+s30], $0x80, s31, s30, $0xb8;
	[tilespmem:$0x1EA00] =	vst v63  }
0xea: {  	s9 =	sadd.s32 $0x40, s9  }
0xeb: {  	[tilespmem:s4], [sflag:$0x6] =	stream.linear.gather [hbm4b:s11+s25], $0x100, $0x38;
	[tilespmem:$0x1EA00] =	vst v63  }
0xec: {  	_ =	swait.ge [sflag:s21], $0x4000  }
0xed: {  	[sflag:s21] =	ssyncset.done $0x0  }
0xee: {  	s5 =	simm.s32 $0x2800;
	[sflag:s21] =	ssyncadd.s32 $0xFFFFC000  }
0xef: {  	[spmem:s3] =	stream.indirect.scatter.add.f32 [tilespmem:s26], [sflag:$0x3], $0x80, s5, s7, $0xb8;
	[tilespmem:$0x1EA00] =	vst v63  }
0xf0: {  	_ =	swait.ge [sflag:s22], $0x4000  }
0xf1: {  	[sflag:s22] =	ssyncset.done $0x0  }
0xf2: {  	s13 =	simm.s32 $0x2880;
	[sflag:s22] =	ssyncadd.s32 $0xFFFFC000  }
0xf3: {  	[spmem:s3] =	stream.indirect.scatter.add.f32 [tilespmem:s8], [sflag:$0x4], $0x80, s13, s7, $0xb8;
	[tilespmem:$0x1EA00] =	vst v63  }
0xf4: {  	_ =	swait.ge [sflag:s23], $0x100  }
0xf5: {  	[sflag:s23] =	ssyncset.done $0x0  }
0xf6: {  	[sflag:s23] =	ssyncadd.s32 $0xFFFFFF00  }
0xf7: {  	_ =	swait.ge [sflag:s24], $0x4000  }
0xf8: {  	[sflag:s24] =	ssyncset.done $0x0  }
0xf9: {  	[sflag:s24] =	ssyncadd.s32 $0xFFFFC000  }
0xfa: {  	[tilespmem:s26], [sflag:$0x1] =	stream.indirect.gather [hbm4b:s0+s30], $0x80, s4, s30, $0xb8;
	[tilespmem:$0x1EA00] =	vst v63  }
0xfb: {  	s17 =	simm.s32 $0x120  }
0xfc: {  	[tilespmem:s2], [sflag:$0x1] =	stream.indirect.gather [hbm4b:s0+s30], $0x80, s17, s30, $0xb8;
	[tilespmem:$0x1EA00] =	vst v63  }
0xfd: {  	s18 =	simm.s32 $0x140  }
0xfe: {  	[tilespmem:s6], [sflag:$0x1] =	stream.indirect.gather [hbm4b:s0+s30], $0x80, s18, s30, $0xb8;
	[tilespmem:$0x1EA00] =	vst v63  }
0xff: {  	_ = 	snop  }
0x100: {  	[tilespmem:s10], [sflag:$0x1] =	stream.indirect.gather [hbm4b:s0+s30], $0x80, s15, s30, $0xb8;
	[tilespmem:$0x1EA00] =	vst v63  }
0x101: {  	_ =	swait.ge [sflag:s16], $0x4000  }
0x102: {  	[sflag:s16] =	ssyncset.done $0x0  }
0x103: {  	s19 =	simm.s32 $0x180;
	[sflag:s16] =	ssyncadd.s32 $0xFFFFC000  }
0x104: {  	[tilespmem:s8], [sflag:$0x2] =	stream.indirect.gather [hbm4b:s0+s30], $0x80, s19, s30, $0xb8;
	[tilespmem:$0x1EA00] =	vst v63  }
0x105: {  	s20 =	simm.s32 $0x1A0  }
0x106: {  	[tilespmem:s12], [sflag:$0x2] =	stream.indirect.gather [hbm4b:s0+s30], $0x80, s20, s30, $0xb8;
	[tilespmem:$0x1EA00] =	vst v63  }
0x107: {  	s25 =	simm.s32 $0x1C0  }
0x108: {  	[tilespmem:s14], [sflag:$0x2] =	stream.indirect.gather [hbm4b:s0+s30], $0x80, s25, s30, $0xb8;
	[tilespmem:$0x1EA00] =	vst v63  }
0x109: {  	s31 =	simm.s32 $0x1E0  }
0x10a: {  	[tilespmem:s29], [sflag:$0x2] =	stream.indirect.gather [hbm4b:s0+s30], $0x80, s31, s30, $0xb8;
	[tilespmem:$0x1EA00] =	vst v63  }
0x10b: {  	s5 =	simm.s32 $0x0;
	s9 =	rddreg [dreg:$0x17]  }
0x10c: {  	[tilespmem:s5], [sflag:$0x5] =	stream.linear.gather [hbm4b:s9+s5], $0x100, $0x38;
	[tilespmem:$0x1EA00] =	vst v63  }
0x10d: {  	_ =	swait.ge [sflag:s21], $0x4000  }
0x10e: {  	[sflag:s21] =	ssyncset.done $0x0  }
0x10f: {  	s4 =	simm.s32 $0x2900;
	[sflag:s21] =	ssyncadd.s32 $0xFFFFC000  }
0x110: {  	[spmem:s3] =	stream.indirect.scatter.add.f32 [tilespmem:s26], [sflag:$0x3], $0x80, s4, s7, $0xb8;
	[tilespmem:$0x1EA00] =	vst v63  }
0x111: {  	_ =	swait.ge [sflag:s22], $0x4000  }
0x112: {  	[sflag:s22] =	ssyncset.done $0x0  }
0x113: {  	s9 =	simm.s32 $0x2980;
	[sflag:s22] =	ssyncadd.s32 $0xFFFFC000  }
0x114: {  	[spmem:s3] =	stream.indirect.scatter.add.f32 [tilespmem:s8], [sflag:$0x4], $0x80, s9, s7, $0xb8;
	[tilespmem:$0x1EA00] =	vst v63  }
0x115: {  	_ =	swait.ge [sflag:s24], $0x4000  }
0x116: {  	[sflag:s24] =	ssyncset.done $0x0  }
0x117: {  	[sflag:s24] =	ssyncadd.s32 $0xFFFFC000  }
0x118: {  	_ =	swait.ge [sflag:s16], $0x4000  }
0x119: {  	[sflag:s16] =	ssyncset.done $0x0  }
0x11a: {  	[sflag:s16] =	ssyncadd.s32 $0xFFFFC000  }
0x11b: {  	_ =	swait.ge [sflag:s1], $0x100  }
0x11c: {  	[sflag:s1] =	ssyncset.done $0x0  }
0x11d: {  	[sflag:s1] =	ssyncadd.s32 $0xFFFFFF00  }
0x11e: {  	[bflag:$0x0] =	sbarrier.arrive $0xFFFF  }
0x11f: {  	s13 =	simm.s32 $0x7;
	s12 =	rddreg [dreg:$0xf]  }
0x120: {  	[tilespmem:s26], [sflag:$0x7] =	stream.linear.gather [spmem:s12], $0x4000, $0x38;
	[tilespmem:$0x1EA00] =	vst v63  }
0x121: {  	_ =	swait.ge [sflag:s13], $0x4000  }
0x122: {  	[sflag:s13] =	ssyncset.done $0x0  }
0x123: {  	s11 =	rddreg [dreg:$0x5];
	[sflag:s13] =	ssyncadd.s32 $0xFFFFC000  }
0x124: {  	[hbm4b:s11+s5] =	stream.linear.scatter [tilespmem:s26], [sflag:$0x7], $0x4000, $0x38;
	[tilespmem:$0x1EA00] =	vst v63  }
0x125: {  	_ =	swait.ge [sflag:s13], $0x4000  }
0x126: {  	[sflag:s13] =	ssyncset.done $0x0  }
0x127: {  	s17 =	rddreg [dreg:$0x10];
	[sflag:s13] =	ssyncadd.s32 $0xFFFFC000  }
0x128: {  	[tilespmem:s26], [sflag:$0x7] =	stream.linear.gather [spmem:s17], $0x4000, $0x38;
	[tilespmem:$0x1EA00] =	vst v63  }
0x129: {  	_ =	swait.ge [sflag:s13], $0x4000  }
0x12a: {  	[sflag:s13] =	ssyncset.done $0x0  }
0x12b: {  	s15 =	rddreg [dreg:$0x6];
	[sflag:s13] =	ssyncadd.s32 $0xFFFFC000  }
0x12c: {  	[hbm4b:s15+s5] =	stream.linear.scatter [tilespmem:s26], [sflag:$0x7], $0x4000, $0x38;
	[tilespmem:$0x1EA00] =	vst v63  }
0x12d: {  	_ =	swait.ge [sflag:s13], $0x4000  }
0x12e: {  	[sflag:s13] =	ssyncset.done $0x0  }
0x12f: {  	s18 =	rddreg [dreg:$0x12];
	[sflag:s13] =	ssyncadd.s32 $0xFFFFC000  }
0x130: {  	[tilespmem:s26], [sflag:$0x7] =	stream.linear.gather [spmem:s18], $0x4000, $0x38;
	[tilespmem:$0x1EA00] =	vst v63  }
0x131: {  	_ =	swait.ge [sflag:s13], $0x4000  }
0x132: {  	[sflag:s13] =	ssyncset.done $0x0  }
0x133: {  	s19 =	rddreg [dreg:$0x7];
	[sflag:s13] =	ssyncadd.s32 $0xFFFFC000  }
0x134: {  	[hbm4b:s19+s5] =	stream.linear.scatter [tilespmem:s26], [sflag:$0x7], $0x4000, $0x38;
	[tilespmem:$0x1EA00] =	vst v63  }
0x135: {  	_ =	swait.ge [sflag:s13], $0x4000  }
0x136: {  	[sflag:s13] =	ssyncset.done $0x0  }
0x137: {  	s20 =	rddreg [dreg:$0x13];
	[sflag:s13] =	ssyncadd.s32 $0xFFFFC000  }
0x138: {  	[tilespmem:s26], [sflag:$0x7] =	stream.linear.gather [spmem:s20], $0x4000, $0x38;
	[tilespmem:$0x1EA00] =	vst v63  }
0x139: {  	_ =	swait.ge [sflag:s13], $0x4000  }
0x13a: {  	[sflag:s13] =	ssyncset.done $0x0  }
0x13b: {  	s25 =	rddreg [dreg:$0x8];
	[sflag:s13] =	ssyncadd.s32 $0xFFFFC000  }
0x13c: {  	[hbm4b:s25+s5] =	stream.linear.scatter [tilespmem:s26], [sflag:$0x7], $0x4000, $0x38;
	[tilespmem:$0x1EA00] =	vst v63  }
0x13d: {  	_ =	swait.ge [sflag:s13], $0x4000  }
0x13e: {  	[sflag:s13] =	ssyncset.done $0x0  }
0x13f: {  	s11 =	rddreg [dreg:$0x14];
	[sflag:s13] =	ssyncadd.s32 $0xFFFFC000  }
0x140: {  	[tilespmem:s26], [sflag:$0x7] =	stream.linear.gather [spmem:s11], $0x4000, $0x38;
	[tilespmem:$0x1EA00] =	vst v63  }
0x141: {  	s28 =	simm.s32 $0x9A00;
	_ =	swait.ge [sflag:s13], $0x4000  }
0x142: {  	s2 =	simm.s32 $0x4A00;
	s4 =	simm.s32 $0x0;
	[sflag:s13] =	ssyncset.done $0x0  }
0x143: {  	s9 =	simm.s32 $0x200;
	s31 =	rddreg [dreg:$0x9];
	[sflag:s13] =	ssyncadd.s32 $0xFFFFC000  }
0x144: {  	[hbm4b:s31+s5] =	stream.linear.scatter [tilespmem:s26], [sflag:$0x7], $0x4000, $0x38;
	[tilespmem:$0x1EA00] =	vst v63  }
0x145: {  	s15 =	simm.s32 $0x3A00;
	s18 =	simm.s32 $0x5A00;
	_ =	swait.ge [sflag:s13], $0x4000  }
0x146: {  	s19 =	simm.s32 $0x7A00;
	s20 =	simm.s32 $0x8A00;
	[sflag:s13] =	ssyncset.done $0x0  }
0x147: {  	s25 =	simm.s32 $0x160;
	s5 =	simm.s32 $0x0;
	[sflag:s13] =	ssyncadd.s32 $0xFFFFC000  }
.LBB2_6:
0x148: {  	p0 =	sne.s32 s9, $0xFE00;
	[tilespmem:s5+$0x2A70] =	vst v0  }
0x149: {  	[tilespmem:s5+$0x2A00] =	vst v0  }
0x14a: {  	[tilespmem:s5+$0x2A10] =	vst v0  }
.Ltmp2:
0x14b: {  	[tilespmem:s5+$0x2A20] =	vst v0;
	(pc) =	sbr.rel @p0 .LBB2_6-.Ltmp2, $4  }
0x14c: {  	[tilespmem:s5+$0x2A30] =	vst v0  }
0x14d: {  	[tilespmem:s5+$0x2A40] =	vst v0  }
0x14e: {  	[tilespmem:s5+$0x2A50] =	vst v0  }
0x14f: {  	[tilespmem:s5+$0x2A60] =	vst v0;
	s5 =	sshra.s32 s9, $0x2;
	s9 =	sadd.s32 $0x200, s9  }
0x150: {  	[tilespmem:s5+$0x2A70] =	vst v0  }
0x151: {  	[tilespmem:s5+$0x2A00] =	vst v0  }
0x152: {  	[tilespmem:s5+$0x2A10] =	vst v0  }
0x153: {  	[tilespmem:s5+$0x2A20] =	vst v0  }
0x154: {  	[tilespmem:s5+$0x2A30] =	vst v0  }
0x155: {  	[tilespmem:s5+$0x2A40] =	vst v0  }
0x156: {  	[tilespmem:s5+$0x2A50] =	vst v0  }
0x157: {  	[tilespmem:s5+$0x2A60] =	vst v0;
	s9 =	simm.s32 $0x7  }
0x158: {  	[spmem:s12] =	stream.linear.scatter [tilespmem:s26], [sflag:$0x7], $0x4000, $0x38;
	[tilespmem:$0x1EA00] =	vst v63  }
0x159: {  	_ =	swait.ge [sflag:s9], $0x4000  }
0x15a: {  	[sflag:s9] =	ssyncset.done $0x0  }
0x15b: {  	[sflag:s9] =	ssyncadd.s32 $0xFFFFC000  }
0x15c: {  	[spmem:s17] =	stream.linear.scatter [tilespmem:s26], [sflag:$0x7], $0x4000, $0x38;
	[tilespmem:$0x1EA00] =	vst v63  }
0x15d: {  	_ =	swait.ge [sflag:s9], $0x4000  }
0x15e: {  	[sflag:s9] =	ssyncset.done $0x0  }
0x15f: {  	s13 =	rddreg [dreg:$0x12];
	[sflag:s9] =	ssyncadd.s32 $0xFFFFC000  }
0x160: {  	[spmem:s13] =	stream.linear.scatter [tilespmem:s26], [sflag:$0x7], $0x4000, $0x38;
	[tilespmem:$0x1EA00] =	vst v63  }
0x161: {  	_ =	swait.ge [sflag:s9], $0x4000  }
0x162: {  	[sflag:s9] =	ssyncset.done $0x0  }
0x163: {  	s31 =	rddreg [dreg:$0x13];
	[sflag:s9] =	ssyncadd.s32 $0xFFFFC000  }
0x164: {  	[spmem:s31] =	stream.linear.scatter [tilespmem:s26], [sflag:$0x7], $0x4000, $0x38;
	[tilespmem:$0x1EA00] =	vst v63  }
0x165: {  	_ =	swait.ge [sflag:s9], $0x4000  }
0x166: {  	[sflag:s9] =	ssyncset.done $0x0  }
0x167: {  	[sflag:s9] =	ssyncadd.s32 $0xFFFFC000  }
0x168: {  	[spmem:s11] =	stream.linear.scatter [tilespmem:s26], [sflag:$0x7], $0x4000, $0x38;
	[tilespmem:$0x1EA00] =	vst v63  }
0x169: {  	_ =	swait.ge [sflag:s9], $0x4000  }
0x16a: {  	[sflag:s9] =	ssyncset.done $0x0  }
0x16b: {  	s5 =	simm.s32 $0x0;
	[sflag:s9] =	ssyncadd.s32 $0xFFFFC000;
	s9 =	simm.s32 $0x200  }
.LBB2_8:
0x16c: {  	p0 =	sne.s32 s9, $0xFE00;
	[tilespmem:s5+$0x6A70] =	vst v1  }
0x16d: {  	[tilespmem:s5+$0x6A00] =	vst v1  }
0x16e: {  	[tilespmem:s5+$0x6A10] =	vst v1  }
.Ltmp3:
0x16f: {  	[tilespmem:s5+$0x6A20] =	vst v1;
	(pc) =	sbr.rel @p0 .LBB2_8-.Ltmp3, $4  }
0x170: {  	[tilespmem:s5+$0x6A30] =	vst v1  }
0x171: {  	[tilespmem:s5+$0x6A40] =	vst v1  }
0x172: {  	[tilespmem:s5+$0x6A50] =	vst v1  }
0x173: {  	[tilespmem:s5+$0x6A60] =	vst v1;
	s5 =	sshra.s32 s9, $0x2;
	s9 =	sadd.s32 $0x200, s9  }
0x174: {  	[tilespmem:s5+$0x6A70] =	vst v1  }
0x175: {  	[tilespmem:s5+$0x6A00] =	vst v1  }
0x176: {  	[tilespmem:s5+$0x6A10] =	vst v1  }
0x177: {  	[tilespmem:s5+$0x6A20] =	vst v1  }
0x178: {  	[tilespmem:s5+$0x6A30] =	vst v1  }
0x179: {  	[tilespmem:s5+$0x6A40] =	vst v1  }
0x17a: {  	[tilespmem:s5+$0x6A50] =	vst v1  }
0x17b: {  	[tilespmem:s5+$0x6A60] =	vst v1  }
0x17c: {  	s11 =	simm.s32 $0x200;
	[bflag:$0x0] =	sbarrier.arrive $0xFFFF  }
0x17d: {  	[spmem:s3] =	stream.indirect.scatter.add.f32 [tilespmem:s8], [sflag:$0x3], $0x80, s11, s7, $0xb8;
	[tilespmem:$0x1EA00] =	vst v63  }
0x17e: {  	s13 =	simm.s32 $0x280  }
0x17f: {  	[spmem:s3] =	stream.indirect.scatter.add.f32 [tilespmem:s8], [sflag:$0x4], $0x80, s13, s7, $0xb8;
	[tilespmem:$0x1EA00] =	vst v63  }
0x180: {  	s31 =	simm.s32 $0x300  }
0x181: {  	[spmem:s3] =	stream.indirect.scatter.add.f32 [tilespmem:s8], [sflag:$0x5], $0x80, s31, s7, $0xb8;
	[tilespmem:$0x1EA00] =	vst v63  }
0x182: {  	s9 =	simm.s32 $0x380  }
0x183: {  	[spmem:s3] =	stream.indirect.scatter.add.f32 [tilespmem:s8], [sflag:$0x6], $0x80, s9, s7, $0xb8;
	[tilespmem:$0x1EA00] =	vst v63  }
0x184: {  	_ =	swait.ge [sflag:s24], $0x4000  }
0x185: {  	[sflag:s24] =	ssyncset.done $0x0  }
0x186: {  	s11 =	simm.s32 $0x400;
	[sflag:s24] =	ssyncadd.s32 $0xFFFFC000  }
0x187: {  	[spmem:s3] =	stream.indirect.scatter.add.f32 [tilespmem:s8], [sflag:$0x3], $0x80, s11, s7, $0xb8;
	[tilespmem:$0x1EA00] =	vst v63  }
0x188: {  	_ =	swait.ge [sflag:s16], $0x4000  }
0x189: {  	[sflag:s16] =	ssyncset.done $0x0  }
0x18a: {  	s13 =	simm.s32 $0x480;
	[sflag:s16] =	ssyncadd.s32 $0xFFFFC000  }
0x18b: {  	[spmem:s3] =	stream.indirect.scatter.add.f32 [tilespmem:s8], [sflag:$0x4], $0x80, s13, s7, $0xb8;
	[tilespmem:$0x1EA00] =	vst v63  }
0x18c: {  	_ =	swait.ge [sflag:s1], $0x4000  }
0x18d: {  	[sflag:s1] =	ssyncset.done $0x0  }
0x18e: {  	s31 =	simm.s32 $0x500;
	[sflag:s1] =	ssyncadd.s32 $0xFFFFC000  }
0x18f: {  	[spmem:s3] =	stream.indirect.scatter.add.f32 [tilespmem:s8], [sflag:$0x5], $0x80, s31, s7, $0xb8;
	[tilespmem:$0x1EA00] =	vst v63  }
0x190: {  	_ =	swait.ge [sflag:s23], $0x4000  }
0x191: {  	[sflag:s23] =	ssyncset.done $0x0  }
0x192: {  	s5 =	simm.s32 $0xFFFF7000;
	s9 =	simm.s32 $0x580;
	[sflag:s23] =	ssyncadd.s32 $0xFFFFC000  }
.LBB2_10:
0x193: {  	[spmem:s3] =	stream.indirect.scatter.add.f32 [tilespmem:s8], [sflag:$0x6], $0x80, s9, s7, $0xb8;
	[tilespmem:$0x1EA00] =	vst v63  }
0x194: {  	s9 =	smov.u32 s5  }
0x195: {  	p0 =	sne.s32 s5, $0xFFFFF800;
	s5 =	sadd.s32 $0x800, s5;
	_ =	swait.ge [sflag:s24], $0x4000  }
0x196: {  	s9 =	sshra.s32 s9, $0x2;
	[sflag:s24] =	ssyncset.done $0x0  }
0x197: {  	s11 =	sadd.s32 $0x2A00, s9;
	[sflag:s24] =	ssyncadd.s32 $0xFFFFC000  }
0x198: {  	[spmem:s3] =	stream.indirect.scatter.add.f32 [tilespmem:s8], [sflag:$0x3], $0x80, s11, s7, $0xb8;
	[tilespmem:$0x1EA00] =	vst v63  }
0x199: {  	_ =	swait.ge [sflag:s16], $0x4000  }
0x19a: {  	[sflag:s16] =	ssyncset.done $0x0  }
0x19b: {  	s11 =	sadd.s32 $0x2A80, s9;
	[sflag:s16] =	ssyncadd.s32 $0xFFFFC000  }
0x19c: {  	[spmem:s3] =	stream.indirect.scatter.add.f32 [tilespmem:s8], [sflag:$0x4], $0x80, s11, s7, $0xb8;
	[tilespmem:$0x1EA00] =	vst v63  }
0x19d: {  	_ =	swait.ge [sflag:s1], $0x4000  }
0x19e: {  	[sflag:s1] =	ssyncset.done $0x0  }
.Ltmp4:
0x19f: {  	s11 =	sadd.s32 $0x2B00, s9;
	[sflag:s1] =	ssyncadd.s32 $0xFFFFC000;
	(pc) =	sbr.rel @p0 .LBB2_10-.Ltmp4, $4  }
0x1a0: {  	[spmem:s3] =	stream.indirect.scatter.add.f32 [tilespmem:s8], [sflag:$0x5], $0x80, s11, s7, $0xb8;
	[tilespmem:$0x1EA00] =	vst v63  }
0x1a1: {  	_ =	swait.ge [sflag:s23], $0x4000  }
0x1a2: {  	[sflag:s23] =	ssyncset.done $0x0  }
0x1a3: {  	s9 =	sadd.s32 $0x2B80, s9;
	[sflag:s23] =	ssyncadd.s32 $0xFFFFC000  }
0x1a4: {  	[spmem:s3] =	stream.indirect.scatter.add.f32 [tilespmem:s8], [sflag:$0x6], $0x80, s9, s7, $0xb8;
	[tilespmem:$0x1EA00] =	vst v63  }
0x1a5: {  	_ =	swait.ge [sflag:s24], $0x4000  }
0x1a6: {  	[sflag:s24] =	ssyncset.done $0x0  }
0x1a7: {  	[sflag:s24] =	ssyncadd.s32 $0xFFFFC000  }
0x1a8: {  	_ =	swait.ge [sflag:s16], $0x4000  }
0x1a9: {  	[sflag:s16] =	ssyncset.done $0x0  }
0x1aa: {  	[sflag:s16] =	ssyncadd.s32 $0xFFFFC000  }
0x1ab: {  	_ =	swait.ge [sflag:s1], $0x4000  }
0x1ac: {  	[sflag:s1] =	ssyncset.done $0x0  }
0x1ad: {  	[sflag:s1] =	ssyncadd.s32 $0xFFFFC000  }
0x1ae: {  	_ =	swait.ge [sflag:s23], $0x4000  }
0x1af: {  	[sflag:s23] =	ssyncset.done $0x0  }
0x1b0: {  	[sflag:s23] =	ssyncadd.s32 $0xFFFFC000  }
0x1b1: {  	s9 =	simm.s32 $0x7;
	[bflag:$0x0] =	sbarrier.arrive $0xFFFF  }
0x1b2: {  	[tilespmem:s26], [sflag:$0x7] =	stream.linear.gather [spmem:s12], $0x4000, $0x38;
	[tilespmem:$0x1EA00] =	vst v63  }
0x1b3: {  	_ =	swait.ge [sflag:s9], $0x4000  }
0x1b4: {  	[sflag:s9] =	ssyncset.done $0x0  }
0x1b5: {  	s5 =	rddreg [dreg:$0xa];
	[sflag:s9] =	ssyncadd.s32 $0xFFFFC000  }
0x1b6: {  	[hbm4b:s5+s4] =	stream.linear.scatter [tilespmem:s26], [sflag:$0x7], $0x4000, $0x38;
	[tilespmem:$0x1EA00] =	vst v63  }
0x1b7: {  	_ =	swait.ge [sflag:s9], $0x4000  }
0x1b8: {  	[sflag:s9] =	ssyncset.done $0x0  }
0x1b9: {  	[sflag:s9] =	ssyncadd.s32 $0xFFFFC000  }
0x1ba: {  	[tilespmem:s26], [sflag:$0x7] =	stream.linear.gather [spmem:s17], $0x4000, $0x38;
	[tilespmem:$0x1EA00] =	vst v63  }
0x1bb: {  	_ =	swait.ge [sflag:s9], $0x4000  }
0x1bc: {  	[sflag:s9] =	ssyncset.done $0x0  }
0x1bd: {  	s11 =	rddreg [dreg:$0xb];
	[sflag:s9] =	ssyncadd.s32 $0xFFFFC000  }
0x1be: {  	[hbm4b:s11+s4] =	stream.linear.scatter [tilespmem:s26], [sflag:$0x7], $0x4000, $0x38;
	[tilespmem:$0x1EA00] =	vst v63  }
0x1bf: {  	_ =	swait.ge [sflag:s9], $0x4000  }
0x1c0: {  	[sflag:s9] =	ssyncset.done $0x0  }
0x1c1: {  	s13 =	rddreg [dreg:$0x12];
	[sflag:s9] =	ssyncadd.s32 $0xFFFFC000  }
0x1c2: {  	[tilespmem:s26], [sflag:$0x7] =	stream.linear.gather [spmem:s13], $0x4000, $0x38;
	[tilespmem:$0x1EA00] =	vst v63  }
0x1c3: {  	_ =	swait.ge [sflag:s9], $0x4000  }
0x1c4: {  	[sflag:s9] =	ssyncset.done $0x0  }
0x1c5: {  	s31 =	rddreg [dreg:$0xc];
	[sflag:s9] =	ssyncadd.s32 $0xFFFFC000  }
0x1c6: {  	[hbm4b:s31+s4] =	stream.linear.scatter [tilespmem:s26], [sflag:$0x7], $0x4000, $0x38;
	[tilespmem:$0x1EA00] =	vst v63  }
0x1c7: {  	_ =	swait.ge [sflag:s9], $0x4000  }
0x1c8: {  	[sflag:s9] =	ssyncset.done $0x0  }
0x1c9: {  	s11 =	rddreg [dreg:$0x13];
	[sflag:s9] =	ssyncadd.s32 $0xFFFFC000  }
0x1ca: {  	[tilespmem:s26], [sflag:$0x7] =	stream.linear.gather [spmem:s11], $0x4000, $0x38;
	[tilespmem:$0x1EA00] =	vst v63  }
0x1cb: {  	_ =	swait.ge [sflag:s9], $0x4000  }
0x1cc: {  	[sflag:s9] =	ssyncset.done $0x0  }
0x1cd: {  	s13 =	rddreg [dreg:$0xd];
	[sflag:s9] =	ssyncadd.s32 $0xFFFFC000  }
0x1ce: {  	[hbm4b:s13+s4] =	stream.linear.scatter [tilespmem:s26], [sflag:$0x7], $0x4000, $0x38;
	[tilespmem:$0x1EA00] =	vst v63  }
0x1cf: {  	_ =	swait.ge [sflag:s9], $0x4000  }
0x1d0: {  	[sflag:s9] =	ssyncset.done $0x0  }
0x1d1: {  	s11 =	rddreg [dreg:$0x14];
	[sflag:s9] =	ssyncadd.s32 $0xFFFFC000  }
0x1d2: {  	[tilespmem:s26], [sflag:$0x7] =	stream.linear.gather [spmem:s11], $0x4000, $0x38;
	[tilespmem:$0x1EA00] =	vst v63  }
0x1d3: {  	_ =	swait.ge [sflag:s9], $0x4000  }
0x1d4: {  	[sflag:s9] =	ssyncset.done $0x0  }
0x1d5: {  	s31 =	rddreg [dreg:$0xe];
	[sflag:s9] =	ssyncadd.s32 $0xFFFFC000  }
0x1d6: {  	[hbm4b:s31+s4] =	stream.linear.scatter [tilespmem:s26], [sflag:$0x7], $0x4000, $0x38;
	[tilespmem:$0x1EA00] =	vst v63  }
0x1d7: {  	_ =	swait.ge [sflag:s9], $0x4000  }
0x1d8: {  	s13 =	rddreg [dreg:$0x1a]  }
0x1d9: {  	s31 =	rddreg [dreg:$0x18];
	s4 =	sadd.s32 $0x1, s13  }
0x1da: {  	p0 =	sne.s32 s4, s31  }
.Ltmp5:
0x1db: {  	_ = 	snop;
	(pc) =	sbr.rel @p0 .LBB2_1-.Ltmp5, $3  }
0x1dc: {  	_ =	sdelay $0x1  }
0x1dd: {  	[sflag:s9] =	ssyncset.done $0x0  }
0x1de: {  	[sflag:s9] =	ssyncadd.s32 $0xFFFFC000  }
0x1df: {  	_ =	sfence.sel $0x180000  }
0x1e0: {  	[bflag:$0x0] =	sbarrier.arrive $0xFFFF  }
0x1e1: {  	_ =	strace $0x90000047  }
0x1e2: {  	s0 =	stileid.u32;
	[bflag:$0x2] =	sbarrier.arrive $0xFFFF  }
0x1e3: {  	p0 =	sne.s32 s0, $0x0;
	s0 =	rddreg [dreg:$0x4]  }
0x1e4: {  	s0 =	sadd.s32 @!p0 $0x100000, s0  }
0x1e5: {  	[sflag:s0] =	ssyncadd.tile.s32 @!p0 $0x1;
	_ =	shalt  }
.Lfunc_end2:
_tile_overlayer_lowered:
.L_overlay_start_2:
0x1e6: {  	(tag) =	ssettag $0x2  }
0x1e7: {  	s0 =	rddreg [dreg:$0x0];
	s2 =	stileid.u32  }
0x1e8: {  	s1 =	rddreg [dreg:$0x1];
	p0 =	sne.s32 s2, $0x0  }
0x1e9: {  	s3 =	rddreg [dreg:$0x2];
	[bflag:$0x3] =	sbarrier.arrive $0xFFFF;
	s2 =	simm.s32 @!p0 $0x1C07  }
0x1ea: {  	[timem:s3], [sflag:s2] =	dma.local @!p0 [hbm:s0], s1  }
0x1eb: {  	s0 =	simm.s32 @!p0 $0x7  }
0x1ec: {  	_ =	swait.ge @!p0 [sflag:s0], s1  }
0x1ed: {  	s1 =	ssub.s32 @!p0 $0x0, s1;
	[sflag:s0] =	ssyncset.done @!p0 $0x0  }
0x1ee: {  	[sflag:s0] =	ssyncadd.s32 @!p0 s1  }
0x1ef: {  	[bflag:$0x3] =	sbarrier.arrive $0xFFFF  }
0x1f0: {  	_ =	shalt  }

</sc_bundles>
